<compile_context>
chip_gen: v7x
topology: tpu7x:2x2x1
jax: 0.10.2.dev20260603
libtpu: 0.0.44.dev20260713+nightly
codegen_flags: <defaults>
</compile_context>

<pallas_src>
import jax
import jax.numpy as jnp
from jax import lax
from jax.experimental import pallas as pl
from jax.experimental.pallas import tpu as pltpu
from jax.experimental.pallas import tpu_sc as plsc

VOCAB = 2495767
EMBED = 64
BATCH = 16384
NNEG = 20
NPAIR = NNEG + 1
SW = 32
NW = 32
BPW = BATCH // NW
TRING = 2
HALF = BPW // 2

_params = pltpu.CompilerParams(
    needs_layout_passes=False, use_tc_tiling_on_sc=True)
_mesh = dict(core_axis_name="c", subcore_axis_name="s")


def _sc_a_body(t_idx_hbm, temb_t, trows_hbm,
               t_idx_v, tstage, trows_v, s_tv, sem):
    wid = lax.axis_index("s") * 2 + lax.axis_index("c")
    lane = lax.iota(jnp.int32, 16)

    pltpu.sync_copy(t_idx_hbm.at[wid], t_idx_v)

    def stage_idx(i, carry):
        iv = t_idx_v[i >> 3, pl.ds((i & 7) * 16, 16)]
        for j in range(16):
            s_tv[i * 16 + j] = iv[j]
        return carry

    lax.fori_loop(0, BPW // 16, stage_idx, 0)

    for h in range(2):
        base = h * HALF

        def phase_t(k, carry, base=base):
            @pl.when(k >= TRING)
            def _drain_extract():
                m = k - TRING
                q = m & (TRING - 1)
                pltpu.make_async_copy(temb_t.at[:, pl.ds(0, 128)],
                                      tstage.at[pl.ds(0, 64), :], sem).wait()
                c = s_tv[base + m] & 127
                cvec = jnp.full((16,), 0, jnp.int32) + c
                for u, off in enumerate((0, 16, 32, 48)):
                    rows = q * 64 + off + lane
                    tg = plsc.load_gather(tstage, [rows, cvec])
                    trows_v[pl.ds(m * EMBED + u * 16, 16)] = tg

            @pl.when(k < HALF)
            def _fire():
                q = k & (TRING - 1)
                v = s_tv[base + k]
                pltpu.async_copy(temb_t.at[:, pl.ds((v >> 7) * 128, 128)],
                                 tstage.at[pl.ds(q * 64, 64), :], sem)

            return carry

        lax.fori_loop(0, HALF + TRING, phase_t, 0)
        pltpu.sync_copy(
            trows_v,
            trows_hbm.at[pl.ds((wid * BPW + base) * EMBED, HALF * EMBED)])


_sc_trows = pl.kernel(
    _sc_a_body,
    out_type=jax.ShapeDtypeStruct((BATCH * EMBED,), jnp.float32),
    mesh=plsc.VectorSubcoreMesh(**_mesh),
    compiler_params=_params,
    scratch_types=[
        pltpu.VMEM((4, 128), jnp.int32),
        pltpu.VMEM((TRING * 64, 128), jnp.float32),
        pltpu.VMEM((HALF * EMBED,), jnp.float32),
        pltpu.SMEM((BPW,), jnp.int32),
        pltpu.SemaphoreType.DMA,
    ],
)


def _sc_b_body(c_idx_hbm, n_idx_hbm, cemb, trows_hbm, out_hbm,
               c_idx_v, nv, trows_v, cstage, scores_v, s_cv, sem):
    wid = lax.axis_index("s") * 2 + lax.axis_index("c")
    lane = lax.iota(jnp.int32, 16)

    pltpu.sync_copy(c_idx_hbm.at[wid], c_idx_v)
    pltpu.sync_copy(n_idx_hbm.at[wid], nv)
    pltpu.sync_copy(trows_hbm.at[pl.ds(wid * BPW * EMBED, BPW * EMBED)],
                    trows_v)

    def stage_idx(i, carry):
        iv = c_idx_v[i >> 3, pl.ds((i & 7) * 16, 16)]
        for j in range(16):
            s_cv[i * 16 + j] = iv[j]
        return carry

    lax.fori_loop(0, BPW // 16, stage_idx, 0)

    def phase_c(b, carry):
        @pl.when(b < BPW)
        def _fire():
            s = b % 3
            vc = s_cv[b]
            pltpu.async_copy(cemb.at[pl.ds((vc >> 3) * 8, 8), :],
                             cstage.at[pl.ds(s * NPAIR * 8, 8), :], sem)
            iv1 = nv[b >> 2, pl.ds((b & 3) * 32, 16)]
            iv2 = nv[b >> 2, pl.ds((b & 3) * 32 + 16, 16)]
            for n in range(NNEG):
                vn = iv1[n] if n < 16 else iv2[n - 16]
                pltpu.async_copy(
                    cemb.at[pl.ds((vn >> 3) * 8, 8), :],
                    cstage.at[pl.ds((s * NPAIR + 1 + n) * 8, 8), :], sem)

        @pl.when(b >= 2)
        def _drain_compute():
            m = b - 2
            s = m % 3
            pltpu.make_async_copy(cemb.at[pl.ds(0, NPAIR * 8), :],
                                  cstage.at[pl.ds(0, NPAIR * 8), :],
                                  sem).wait()
            t0 = trows_v[pl.ds(m * EMBED, 16)]
            t1 = trows_v[pl.ds(m * EMBED + 16, 16)]
            t2 = trows_v[pl.ds(m * EMBED + 32, 16)]
            t3 = trows_v[pl.ds(m * EMBED + 48, 16)]
            iv1 = nv[m >> 2, pl.ds((m & 3) * 32, 16)]
            iv2 = nv[m >> 2, pl.ds((m & 3) * 32 + 16, 16)]

            def dot(p, v, s=s, t0=t0, t1=t1, t2=t2, t3=t3):
                row = (s * NPAIR + p) * 8 + (v & 7)
                return jnp.sum(t0 * cstage[row, pl.ds(0, 16)]
                               + t1 * cstage[row, pl.ds(16, 16)]
                               + t2 * cstage[row, pl.ds(32, 16)]
                               + t3 * cstage[row, pl.ds(48, 16)])

            lo = jnp.where(lane == 0, dot(0, s_cv[m]), 0.0)
            hi = jnp.zeros((16,), jnp.float32)
            for n in range(NNEG):
                vn = iv1[n] if n < 16 else iv2[n - 16]
                sneg = -dot(1 + n, vn)
                if n < 15:
                    lo = jnp.where(lane == n + 1, sneg, lo)
                else:
                    hi = jnp.where(lane == n - 15, sneg, hi)
            scores_v[pl.ds(m * SW, 16)] = lo
            scores_v[pl.ds(m * SW + 16, 16)] = hi

        return carry

    lax.fori_loop(0, BPW + 2, phase_c, 0)

    pltpu.sync_copy(scores_v, out_hbm.at[pl.ds(wid * BPW * SW, BPW * SW)])


_sc_scores = pl.kernel(
    _sc_b_body,
    out_type=jax.ShapeDtypeStruct((BATCH * SW,), jnp.float32),
    mesh=plsc.VectorSubcoreMesh(**_mesh),
    compiler_params=_params,
    scratch_types=[
        pltpu.VMEM((4, 128), jnp.int32),
        pltpu.VMEM((BPW // 4, 128), jnp.int32),
        pltpu.VMEM((BPW * EMBED,), jnp.float32),
        pltpu.VMEM((3 * NPAIR * 8, EMBED), jnp.float32),
        pltpu.VMEM((BPW * SW,), jnp.float32),
        pltpu.SMEM((BPW,), jnp.int32),
        pltpu.SemaphoreType.DMA,
    ],
)


def _loss_body(s_ref, o_ref):
    x = s_ref[...]
    col = lax.broadcasted_iota(jnp.int32, x.shape, 1)
    valid = (col % SW) < NPAIR
    y = jnp.where(valid, jax.nn.log_sigmoid(x), 0.0)
    o_ref[0, 0] = -jnp.sum(y) / BATCH


_tc_loss = pl.pallas_call(
    _loss_body,
    out_shape=jax.ShapeDtypeStruct((1, 1), jnp.float32),
    out_specs=pl.BlockSpec(memory_space=pltpu.SMEM),
)


@jax.jit
def kernel(target, context, negatives, target_emb, context_emb):
    t_idx = target.astype(jnp.int32).reshape(NW, 4, 128)
    c_idx = context.astype(jnp.int32).reshape(NW, 4, 128)
    n_idx = jnp.pad(negatives.astype(jnp.int32), ((0, 0), (0, SW - NNEG))
                    ).reshape(NW, BPW // 4, 128)
    trows = _sc_trows(t_idx, target_emb.T)
    scores = _sc_scores(c_idx, n_idx, context_emb, trows)
    loss = _tc_loss(scores.reshape(BATCH * SW // 128, 128))
    return loss[0, 0]

# --- scband reference (transcript-rebuilt; emitter-appended) ---
"""Pipeline reference for scband-w2v-ns-75428215653095 (READ-ONLY COPY).

The authoritative reference and input builder live on the scoring server;
editing this copy changes nothing except your own understanding.
"""

import jax, jax.numpy as jnp
import numpy as np

VOCAB = 2495767
EMBED = 64
BATCH = 16384
NNEG = 20

def setup_inputs(seed: int = 0) -> dict:
    key = jax.random.key(seed)
    k1, k2, k3, k4, k5 = jax.random.split(key, 5)
    target = jax.random.randint(k1, (BATCH,), 0, VOCAB, dtype=jnp.int64) if jax.config.read('jax_enable_x64') else jax.random.randint(k1, (BATCH,), 0, VOCAB, dtype=jnp.int32)
    context = jax.random.randint(k2, (BATCH,), 0, VOCAB, dtype=target.dtype)
    negatives = jax.random.randint(k3, (BATCH, NNEG), 0, VOCAB, dtype=target.dtype)
    target_emb = jax.random.normal(k4, (VOCAB, EMBED), dtype=jnp.float32) * 0.02
    context_emb = jax.random.normal(k5, (VOCAB, EMBED), dtype=jnp.float32) * 0.02
    return {
        'target': target,
        'context': context,
        'negatives': negatives,
        'target_emb': target_emb,
        'context_emb': context_emb,
    }

def reference(target, context, negatives, target_emb, context_emb):
    target_vec = jnp.take(target_emb, target, axis=0)            # [B, D]
    context_vec = jnp.take(context_emb, context, axis=0)          # [B, D]
    negative_vecs = jnp.take(context_emb, negatives, axis=0)      # [B, N, D]
    neg_score = jax.nn.log_sigmoid(-(negative_vecs * target_vec[:, None, :]).sum(axis=2)).sum(axis=1)
    pos_score = jax.nn.log_sigmoid((target_vec * context_vec).sum(axis=1))
    loss = -(neg_score + pos_score).mean()
    return loss

if __name__ == "__main__":
    import jax
    _d = setup_inputs()
    print(jax.jit(kernel)(*tuple(_d.values())))

</pallas_src>

<mosaic_0001>
#map = affine_map<(d0, d1) -> (0, 0, 0)>
#map1 = affine_map<(d0, d1) -> (0, 0)>
#map2 = affine_map<(d0, d1) -> (0)>
module attributes {stable_mosaic.version = 14 : i64} {
  func.func @_sc_a_body(%arg0: i32, %arg1: i32, %arg2: memref<32x4x128xi32, #tpu.memory_space<hbm>>, %arg3: memref<64x2495767xf32, #tpu.memory_space<hbm>>, %arg4: memref<1048576xf32, #tpu.memory_space<hbm>>, %arg5: memref<4x128xi32, #tpu.memory_space<vmem>>, %arg6: memref<128x128xf32, #tpu.memory_space<vmem>>, %arg7: memref<16384xf32, #tpu.memory_space<vmem>>, %arg8: memref<512xi32, #tpu.memory_space<smem>>, %arg9: memref<!tpu.dma_semaphore, #tpu.memory_space<semaphore_mem>>) attributes {dimension_semantics = [#tpu.dimension_semantics<core_parallel>, #tpu.dimension_semantics<subcore_parallel>], iteration_bounds = array<i64: 2, 16>, scalar_prefetch = 0 : i64, scratch_operands = 5 : i64, tpu.core_type = #tpu.core_type<sc_vector_subcore>, window_params = [{transform_indices = #map}, {transform_indices = #map1}, {transform_indices = #map2}]} {
    %mul3A = arith.constant 2 : i32
    %mul3A_0 = arith.muli %arg1, %mul3A : i32
    %add3A = arith.addi %mul3A_0, %arg0 : i32
    %iota3A = tpu.iota {dimensions = array<i32: 0>} : vector<16xi32>
    "tpu.region"() ({
      %run_scoped3A = tpu.sem_alloc : memref<!tpu.dma_semaphore, #tpu.memory_space<semaphore_mem>>
      %dma_start3A = arith.constant 0 : i32
      %dma_start3A_30 = arith.constant 0 : i32
      %dma_start3A_31 = tpu.memref_slice %arg2[%add3A, %dma_start3A, %dma_start3A_30] : memref<32x4x128xi32, #tpu.memory_space<hbm>> -> memref<1x4x128xi32, #tpu.memory_space<hbm>>
      %dma_start3A_32 = tpu.memref_squeeze %dma_start3A_31 : memref<1x4x128xi32, #tpu.memory_space<hbm>> -> memref<4x128xi32, #tpu.memory_space<hbm>>
      %dma_start3A_33 = arith.constant 0 : i32
      %dma_start3A_34 = arith.constant 0 : i32
      %dma_start3A_35 = tpu.memref_slice %arg2[%add3A, %dma_start3A_33, %dma_start3A_34] : memref<32x4x128xi32, #tpu.memory_space<hbm>> -> memref<1x4x128xi32, #tpu.memory_space<hbm>>
      %dma_start3A_36 = tpu.memref_squeeze %dma_start3A_35 : memref<1x4x128xi32, #tpu.memory_space<hbm>> -> memref<4x128xi32, #tpu.memory_space<hbm>>
      tpu.enqueue_dma source(%dma_start3A_36 : memref<4x128xi32, #tpu.memory_space<hbm>>) target(%arg5 : memref<4x128xi32, #tpu.memory_space<vmem>>) target_semaphore(%run_scoped3A : memref<!tpu.dma_semaphore, #tpu.memory_space<semaphore_mem>>)
      %dma_wait3A = arith.constant 0 : i32
      %dma_wait3A_37 = arith.constant 0 : i32
      %dma_wait3A_38 = tpu.memref_slice %arg2[%add3A, %dma_wait3A, %dma_wait3A_37] : memref<32x4x128xi32, #tpu.memory_space<hbm>> -> memref<1x4x128xi32, #tpu.memory_space<hbm>>
      %dma_wait3A_39 = tpu.memref_squeeze %dma_wait3A_38 : memref<1x4x128xi32, #tpu.memory_space<hbm>> -> memref<4x128xi32, #tpu.memory_space<hbm>>
      %dma_wait3A_40 = arith.constant 0 : i32
      %dma_wait3A_41 = arith.constant 0 : i32
      %dma_wait3A_42 = tpu.memref_slice %arg2[%add3A, %dma_wait3A_40, %dma_wait3A_41] : memref<32x4x128xi32, #tpu.memory_space<hbm>> -> memref<1x4x128xi32, #tpu.memory_space<hbm>>
      %dma_wait3A_43 = tpu.memref_squeeze %dma_wait3A_42 : memref<1x4x128xi32, #tpu.memory_space<hbm>> -> memref<4x128xi32, #tpu.memory_space<hbm>>
      tpu.wait_dma2 semaphore(%run_scoped3A : memref<!tpu.dma_semaphore, #tpu.memory_space<semaphore_mem>>) src(%dma_wait3A_43 : memref<4x128xi32, #tpu.memory_space<hbm>>) dst(%arg5 : memref<4x128xi32, #tpu.memory_space<vmem>>)
      tpu.yield
    }) : () -> ()
    %scan3A = arith.constant 0 : i32
    %scan3A_1 = arith.constant 0 : i32
    %scan3A_2 = arith.constant 32 : i32
    %scan3A_3 = arith.addi %scan3A_1, %scan3A_2 : i32
    %scan3A_4 = arith.constant 1 : i32
    scf.for %scan3A_30 = %scan3A_1 to %scan3A_3 step %scan3A_4  : i32 {
      %shift_right_arithmetic3A = arith.constant 3 : i32
      %shift_right_arithmetic3A_31 = arith.shrsi %scan3A_30, %shift_right_arithmetic3A : i32
      %and3A = arith.constant 7 : i32
      %and3A_32 = arith.andi %scan3A_30, %and3A : i32
      %mul3A_33 = arith.constant 16 : i32
      %mul3A_34 = arith.muli %and3A_32, %mul3A_33 : i32
      %get3A = arith.index_cast %shift_right_arithmetic3A_31 : i32 to index
      %get3A_35 = arith.index_cast %mul3A_34 : i32 to index
      %get3A_36 = tpu.vector_load %arg5[%get3A, %get3A_35] {strides = array<i32>} : memref<4x128xi32, #tpu.memory_space<vmem>>, vector<16xi32>,
      %slice3A = vector.extract_strided_slice %get3A_36 {offsets = [0], sizes = [1], strides = [1]} : vector<16xi32> to vector<1xi32>
      %squeeze3A = vector.extract %slice3A[0] : i32 from vector<1xi32>
      %mul3A_37 = arith.constant 16 : i32
      %mul3A_38 = arith.muli %scan3A_30, %mul3A_37 : i32
      %add3A_39 = arith.constant 0 : i32
      %add3A_40 = arith.addi %mul3A_38, %add3A_39 : i32
      %swap3A = arith.index_cast %add3A_40 : i32 to index
      %swap3A_41 = memref.load %arg8[%swap3A] : memref<512xi32, #tpu.memory_space<smem>>
      memref.store %squeeze3A, %arg8[%swap3A] : memref<512xi32, #tpu.memory_space<smem>>
      %slice3A_42 = vector.extract_strided_slice %get3A_36 {offsets = [1], sizes = [1], strides = [1]} : vector<16xi32> to vector<1xi32>
      %squeeze3A_43 = vector.extract %slice3A_42[0] : i32 from vector<1xi32>
      %mul3A_44 = arith.constant 16 : i32
      %mul3A_45 = arith.muli %scan3A_30, %mul3A_44 : i32
      %add3A_46 = arith.constant 1 : i32
      %add3A_47 = arith.addi %mul3A_45, %add3A_46 : i32
      %swap3A_48 = arith.index_cast %add3A_47 : i32 to index
      %swap3A_49 = memref.load %arg8[%swap3A_48] : memref<512xi32, #tpu.memory_space<smem>>
      memref.store %squeeze3A_43, %arg8[%swap3A_48] : memref<512xi32, #tpu.memory_space<smem>>
      %slice3A_50 = vector.extract_strided_slice %get3A_36 {offsets = [2], sizes = [1], strides = [1]} : vector<16xi32> to vector<1xi32>
      %squeeze3A_51 = vector.extract %slice3A_50[0] : i32 from vector<1xi32>
      %mul3A_52 = arith.constant 16 : i32
      %mul3A_53 = arith.muli %scan3A_30, %mul3A_52 : i32
      %add3A_54 = arith.constant 2 : i32
      %add3A_55 = arith.addi %mul3A_53, %add3A_54 : i32
      %swap3A_56 = arith.index_cast %add3A_55 : i32 to index
      %swap3A_57 = memref.load %arg8[%swap3A_56] : memref<512xi32, #tpu.memory_space<smem>>
      memref.store %squeeze3A_51, %arg8[%swap3A_56] : memref<512xi32, #tpu.memory_space<smem>>
      %slice3A_58 = vector.extract_strided_slice %get3A_36 {offsets = [3], sizes = [1], strides = [1]} : vector<16xi32> to vector<1xi32>
      %squeeze3A_59 = vector.extract %slice3A_58[0] : i32 from vector<1xi32>
      %mul3A_60 = arith.constant 16 : i32
      %mul3A_61 = arith.muli %scan3A_30, %mul3A_60 : i32
      %add3A_62 = arith.constant 3 : i32
      %add3A_63 = arith.addi %mul3A_61, %add3A_62 : i32
      %swap3A_64 = arith.index_cast %add3A_63 : i32 to index
      %swap3A_65 = memref.load %arg8[%swap3A_64] : memref<512xi32, #tpu.memory_space<smem>>
      memref.store %squeeze3A_59, %arg8[%swap3A_64] : memref<512xi32, #tpu.memory_space<smem>>
      %slice3A_66 = vector.extract_strided_slice %get3A_36 {offsets = [4], sizes = [1], strides = [1]} : vector<16xi32> to vector<1xi32>
      %squeeze3A_67 = vector.extract %slice3A_66[0] : i32 from vector<1xi32>
      %mul3A_68 = arith.constant 16 : i32
      %mul3A_69 = arith.muli %scan3A_30, %mul3A_68 : i32
      %add3A_70 = arith.constant 4 : i32
      %add3A_71 = arith.addi %mul3A_69, %add3A_70 : i32
      %swap3A_72 = arith.index_cast %add3A_71 : i32 to index
      %swap3A_73 = memref.load %arg8[%swap3A_72] : memref<512xi32, #tpu.memory_space<smem>>
      memref.store %squeeze3A_67, %arg8[%swap3A_72] : memref<512xi32, #tpu.memory_space<smem>>
      %slice3A_74 = vector.extract_strided_slice %get3A_36 {offsets = [5], sizes = [1], strides = [1]} : vector<16xi32> to vector<1xi32>
      %squeeze3A_75 = vector.extract %slice3A_74[0] : i32 from vector<1xi32>
      %mul3A_76 = arith.constant 16 : i32
      %mul3A_77 = arith.muli %scan3A_30, %mul3A_76 : i32
      %add3A_78 = arith.constant 5 : i32
      %add3A_79 = arith.addi %mul3A_77, %add3A_78 : i32
      %swap3A_80 = arith.index_cast %add3A_79 : i32 to index
      %swap3A_81 = memref.load %arg8[%swap3A_80] : memref<512xi32, #tpu.memory_space<smem>>
      memref.store %squeeze3A_75, %arg8[%swap3A_80] : memref<512xi32, #tpu.memory_space<smem>>
      %slice3A_82 = vector.extract_strided_slice %get3A_36 {offsets = [6], sizes = [1], strides = [1]} : vector<16xi32> to vector<1xi32>
      %squeeze3A_83 = vector.extract %slice3A_82[0] : i32 from vector<1xi32>
      %mul3A_84 = arith.constant 16 : i32
      %mul3A_85 = arith.muli %scan3A_30, %mul3A_84 : i32
      %add3A_86 = arith.constant 6 : i32
      %add3A_87 = arith.addi %mul3A_85, %add3A_86 : i32
      %swap3A_88 = arith.index_cast %add3A_87 : i32 to index
      %swap3A_89 = memref.load %arg8[%swap3A_88] : memref<512xi32, #tpu.memory_space<smem>>
      memref.store %squeeze3A_83, %arg8[%swap3A_88] : memref<512xi32, #tpu.memory_space<smem>>
      %slice3A_90 = vector.extract_strided_slice %get3A_36 {offsets = [7], sizes = [1], strides = [1]} : vector<16xi32> to vector<1xi32>
      %squeeze3A_91 = vector.extract %slice3A_90[0] : i32 from vector<1xi32>
      %mul3A_92 = arith.constant 16 : i32
      %mul3A_93 = arith.muli %scan3A_30, %mul3A_92 : i32
      %add3A_94 = arith.constant 7 : i32
      %add3A_95 = arith.addi %mul3A_93, %add3A_94 : i32
      %swap3A_96 = arith.index_cast %add3A_95 : i32 to index
      %swap3A_97 = memref.load %arg8[%swap3A_96] : memref<512xi32, #tpu.memory_space<smem>>
      memref.store %squeeze3A_91, %arg8[%swap3A_96] : memref<512xi32, #tpu.memory_space<smem>>
      %slice3A_98 = vector.extract_strided_slice %get3A_36 {offsets = [8], sizes = [1], strides = [1]} : vector<16xi32> to vector<1xi32>
      %squeeze3A_99 = vector.extract %slice3A_98[0] : i32 from vector<1xi32>
      %mul3A_100 = arith.constant 16 : i32
      %mul3A_101 = arith.muli %scan3A_30, %mul3A_100 : i32
      %add3A_102 = arith.constant 8 : i32
      %add3A_103 = arith.addi %mul3A_101, %add3A_102 : i32
      %swap3A_104 = arith.index_cast %add3A_103 : i32 to index
      %swap3A_105 = memref.load %arg8[%swap3A_104] : memref<512xi32, #tpu.memory_space<smem>>
      memref.store %squeeze3A_99, %arg8[%swap3A_104] : memref<512xi32, #tpu.memory_space<smem>>
      %slice3A_106 = vector.extract_strided_slice %get3A_36 {offsets = [9], sizes = [1], strides = [1]} : vector<16xi32> to vector<1xi32>
      %squeeze3A_107 = vector.extract %slice3A_106[0] : i32 from vector<1xi32>
      %mul3A_108 = arith.constant 16 : i32
      %mul3A_109 = arith.muli %scan3A_30, %mul3A_108 : i32
      %add3A_110 = arith.constant 9 : i32
      %add3A_111 = arith.addi %mul3A_109, %add3A_110 : i32
      %swap3A_112 = arith.index_cast %add3A_111 : i32 to index
      %swap3A_113 = memref.load %arg8[%swap3A_112] : memref<512xi32, #tpu.memory_space<smem>>
      memref.store %squeeze3A_107, %arg8[%swap3A_112] : memref<512xi32, #tpu.memory_space<smem>>
      %slice3A_114 = vector.extract_strided_slice %get3A_36 {offsets = [10], sizes = [1], strides = [1]} : vector<16xi32> to vector<1xi32>
      %squeeze3A_115 = vector.extract %slice3A_114[0] : i32 from vector<1xi32>
      %mul3A_116 = arith.constant 16 : i32
      %mul3A_117 = arith.muli %scan3A_30, %mul3A_116 : i32
      %add3A_118 = arith.constant 10 : i32
      %add3A_119 = arith.addi %mul3A_117, %add3A_118 : i32
      %swap3A_120 = arith.index_cast %add3A_119 : i32 to index
      %swap3A_121 = memref.load %arg8[%swap3A_120] : memref<512xi32, #tpu.memory_space<smem>>
      memref.store %squeeze3A_115, %arg8[%swap3A_120] : memref<512xi32, #tpu.memory_space<smem>>
      %slice3A_122 = vector.extract_strided_slice %get3A_36 {offsets = [11], sizes = [1], strides = [1]} : vector<16xi32> to vector<1xi32>
      %squeeze3A_123 = vector.extract %slice3A_122[0] : i32 from vector<1xi32>
      %mul3A_124 = arith.constant 16 : i32
      %mul3A_125 = arith.muli %scan3A_30, %mul3A_124 : i32
      %add3A_126 = arith.constant 11 : i32
      %add3A_127 = arith.addi %mul3A_125, %add3A_126 : i32
      %swap3A_128 = arith.index_cast %add3A_127 : i32 to index
      %swap3A_129 = memref.load %arg8[%swap3A_128] : memref<512xi32, #tpu.memory_space<smem>>
      memref.store %squeeze3A_123, %arg8[%swap3A_128] : memref<512xi32, #tpu.memory_space<smem>>
      %slice3A_130 = vector.extract_strided_slice %get3A_36 {offsets = [12], sizes = [1], strides = [1]} : vector<16xi32> to vector<1xi32>
      %squeeze3A_131 = vector.extract %slice3A_130[0] : i32 from vector<1xi32>
      %mul3A_132 = arith.constant 16 : i32
      %mul3A_133 = arith.muli %scan3A_30, %mul3A_132 : i32
      %add3A_134 = arith.constant 12 : i32
      %add3A_135 = arith.addi %mul3A_133, %add3A_134 : i32
      %swap3A_136 = arith.index_cast %add3A_135 : i32 to index
      %swap3A_137 = memref.load %arg8[%swap3A_136] : memref<512xi32, #tpu.memory_space<smem>>
      memref.store %squeeze3A_131, %arg8[%swap3A_136] : memref<512xi32, #tpu.memory_space<smem>>
      %slice3A_138 = vector.extract_strided_slice %get3A_36 {offsets = [13], sizes = [1], strides = [1]} : vector<16xi32> to vector<1xi32>
      %squeeze3A_139 = vector.extract %slice3A_138[0] : i32 from vector<1xi32>
      %mul3A_140 = arith.constant 16 : i32
      %mul3A_141 = arith.muli %scan3A_30, %mul3A_140 : i32
      %add3A_142 = arith.constant 13 : i32
      %add3A_143 = arith.addi %mul3A_141, %add3A_142 : i32
      %swap3A_144 = arith.index_cast %add3A_143 : i32 to index
      %swap3A_145 = memref.load %arg8[%swap3A_144] : memref<512xi32, #tpu.memory_space<smem>>
      memref.store %squeeze3A_139, %arg8[%swap3A_144] : memref<512xi32, #tpu.memory_space<smem>>
      %slice3A_146 = vector.extract_strided_slice %get3A_36 {offsets = [14], sizes = [1], strides = [1]} : vector<16xi32> to vector<1xi32>
      %squeeze3A_147 = vector.extract %slice3A_146[0] : i32 from vector<1xi32>
      %mul3A_148 = arith.constant 16 : i32
      %mul3A_149 = arith.muli %scan3A_30, %mul3A_148 : i32
      %add3A_150 = arith.constant 14 : i32
      %add3A_151 = arith.addi %mul3A_149, %add3A_150 : i32
      %swap3A_152 = arith.index_cast %add3A_151 : i32 to index
      %swap3A_153 = memref.load %arg8[%swap3A_152] : memref<512xi32, #tpu.memory_space<smem>>
      memref.store %squeeze3A_147, %arg8[%swap3A_152] : memref<512xi32, #tpu.memory_space<smem>>
      %slice3A_154 = vector.extract_strided_slice %get3A_36 {offsets = [15], sizes = [1], strides = [1]} : vector<16xi32> to vector<1xi32>
      %squeeze3A_155 = vector.extract %slice3A_154[0] : i32 from vector<1xi32>
      %mul3A_156 = arith.constant 16 : i32
      %mul3A_157 = arith.muli %scan3A_30, %mul3A_156 : i32
      %add3A_158 = arith.constant 15 : i32
      %add3A_159 = arith.addi %mul3A_157, %add3A_158 : i32
      %swap3A_160 = arith.index_cast %add3A_159 : i32 to index
      %swap3A_161 = memref.load %arg8[%swap3A_160] : memref<512xi32, #tpu.memory_space<smem>>
      memref.store %squeeze3A_155, %arg8[%swap3A_160] : memref<512xi32, #tpu.memory_space<smem>>
    }
    %scan3A_5 = arith.constant 32 : i32
    %scan3A_6 = arith.constant 0 : i32
    %scan3A_7 = arith.constant 0 : i32
    %scan3A_8 = arith.constant 258 : i32
    %scan3A_9 = arith.addi %scan3A_7, %scan3A_8 : i32
    %scan3A_10 = arith.constant 1 : i32
    scf.for %scan3A_30 = %scan3A_7 to %scan3A_9 step %scan3A_10  : i32 {
      %ge3A = arith.constant 2 : i32
      %ge3A_31 = arith.cmpi sge, %scan3A_30, %ge3A : i32
      %convert_element_type3A = arith.extui %ge3A_31 : i1 to i32
      %cond3A = arith.constant 0 : i32
      %cond3A_32 = arith.cmpi ne, %convert_element_type3A, %cond3A : i32
      scf.if %cond3A_32 {
        %sub3A = arith.constant 2 : i32
        %sub3A_37 = arith.subi %scan3A_30, %sub3A : i32
        %and3A = arith.constant 1 : i32
        %and3A_38 = arith.andi %sub3A_37, %and3A : i32
        %dma_wait3A = arith.constant 0 : i32
        %dma_wait3A_39 = arith.constant 0 : i32
        %dma_wait3A_40 = tpu.memref_slice %arg6[%dma_wait3A, %dma_wait3A_39] : memref<128x128xf32, #tpu.memory_space<vmem>> -> memref<64x128xf32, #tpu.memory_space<vmem>>
        %dma_wait3A_41 = arith.constant 0 : i32
        %dma_wait3A_42 = arith.constant 0 : i32
        %dma_wait3A_43 = tpu.memref_slice %arg3[%dma_wait3A_41, %dma_wait3A_42] : memref<64x2495767xf32, #tpu.memory_space<hbm>> -> memref<64x128xf32, #tpu.memory_space<hbm>>
        %dma_wait3A_44 = arith.constant 0 : i32
        %dma_wait3A_45 = arith.constant 0 : i32
        %dma_wait3A_46 = tpu.memref_slice %arg6[%dma_wait3A_44, %dma_wait3A_45] : memref<128x128xf32, #tpu.memory_space<vmem>> -> memref<64x128xf32, #tpu.memory_space<vmem>>
        %dma_wait3A_47 = arith.constant 0 : i32
        %dma_wait3A_48 = arith.constant 0 : i32
        %dma_wait3A_49 = tpu.memref_slice %arg3[%dma_wait3A_47, %dma_wait3A_48] : memref<64x2495767xf32, #tpu.memory_space<hbm>> -> memref<64x128xf32, #tpu.memory_space<hbm>>
        tpu.wait_dma2 semaphore(%arg9 : memref<!tpu.dma_semaphore, #tpu.memory_space<semaphore_mem>>) src(%dma_wait3A_49 : memref<64x128xf32, #tpu.memory_space<hbm>>) dst(%dma_wait3A_46 : memref<64x128xf32, #tpu.memory_space<vmem>>)
        %add3A_50 = arith.constant 0 : i32
        %add3A_51 = arith.addi %add3A_50, %sub3A_37 : i32
        %get3A = arith.index_cast %add3A_51 : i32 to index
        %get3A_52 = memref.load %arg8[%get3A] : memref<512xi32, #tpu.memory_space<smem>>
        %and3A_53 = arith.constant 127 : i32
        %and3A_54 = arith.andi %get3A_52, %and3A_53 : i32
        %broadcast_in_dim3A = arith.constant 0 : i32
        %broadcast_in_dim3A_55 = vector.broadcast %broadcast_in_dim3A : i32 to vector<16xi32>
        %add3A_56 = vector.broadcast %and3A_54 : i32 to vector<16xi32>
        %add3A_57 = arith.addi %broadcast_in_dim3A_55, %add3A_56 : vector<16xi32>
        %mul3A_58 = arith.constant 64 : i32
        %mul3A_59 = arith.muli %and3A_38, %mul3A_58 : i32
        %add3A_60 = arith.constant 0 : i32
        %add3A_61 = arith.addi %mul3A_59, %add3A_60 : i32
        %add3A_62 = vector.broadcast %add3A_61 : i32 to vector<16xi32>
        %add3A_63 = arith.addi %add3A_62, %iota3A : vector<16xi32>
        %gather3A = tpu.vector_load_idx %arg6[%add3A_63, %add3A_57] : memref<128x128xf32, #tpu.memory_space<vmem>>[vector<16xi32>, vector<16xi32>], vector<16xf32>,
        %mul3A_64 = arith.constant 64 : i32
        %mul3A_65 = arith.muli %sub3A_37, %mul3A_64 : i32
        %add3A_66 = arith.constant 0 : i32
        %add3A_67 = arith.addi %mul3A_65, %add3A_66 : i32
        %swap3A = arith.index_cast %add3A_67 : i32 to index
        %swap3A_68 = tpu.vector_load %arg7[%swap3A] {strides = array<i32>} : memref<16384xf32, #tpu.memory_space<vmem>>, vector<16xf32>,
        tpu.vector_store %arg7[%swap3A], %gather3A {strides = array<i32>} : memref<16384xf32, #tpu.memory_space<vmem>>, vector<16xf32>,
        %mul3A_69 = arith.constant 64 : i32
        %mul3A_70 = arith.muli %and3A_38, %mul3A_69 : i32
        %add3A_71 = arith.constant 16 : i32
        %add3A_72 = arith.addi %mul3A_70, %add3A_71 : i32
        %add3A_73 = vector.broadcast %add3A_72 : i32 to vector<16xi32>
        %add3A_74 = arith.addi %add3A_73, %iota3A : vector<16xi32>
        %gather3A_75 = tpu.vector_load_idx %arg6[%add3A_74, %add3A_57] : memref<128x128xf32, #tpu.memory_space<vmem>>[vector<16xi32>, vector<16xi32>], vector<16xf32>,
        %mul3A_76 = arith.constant 64 : i32
        %mul3A_77 = arith.muli %sub3A_37, %mul3A_76 : i32
        %add3A_78 = arith.constant 16 : i32
        %add3A_79 = arith.addi %mul3A_77, %add3A_78 : i32
        %swap3A_80 = arith.index_cast %add3A_79 : i32 to index
        %swap3A_81 = tpu.vector_load %arg7[%swap3A_80] {strides = array<i32>} : memref<16384xf32, #tpu.memory_space<vmem>>, vector<16xf32>,
        tpu.vector_store %arg7[%swap3A_80], %gather3A_75 {strides = array<i32>} : memref<16384xf32, #tpu.memory_space<vmem>>, vector<16xf32>,
        %mul3A_82 = arith.constant 64 : i32
        %mul3A_83 = arith.muli %and3A_38, %mul3A_82 : i32
        %add3A_84 = arith.constant 32 : i32
        %add3A_85 = arith.addi %mul3A_83, %add3A_84 : i32
        %add3A_86 = vector.broadcast %add3A_85 : i32 to vector<16xi32>
        %add3A_87 = arith.addi %add3A_86, %iota3A : vector<16xi32>
        %gather3A_88 = tpu.vector_load_idx %arg6[%add3A_87, %add3A_57] : memref<128x128xf32, #tpu.memory_space<vmem>>[vector<16xi32>, vector<16xi32>], vector<16xf32>,
        %mul3A_89 = arith.constant 64 : i32
        %mul3A_90 = arith.muli %sub3A_37, %mul3A_89 : i32
        %add3A_91 = arith.constant 32 : i32
        %add3A_92 = arith.addi %mul3A_90, %add3A_91 : i32
        %swap3A_93 = arith.index_cast %add3A_92 : i32 to index
        %swap3A_94 = tpu.vector_load %arg7[%swap3A_93] {strides = array<i32>} : memref<16384xf32, #tpu.memory_space<vmem>>, vector<16xf32>,
        tpu.vector_store %arg7[%swap3A_93], %gather3A_88 {strides = array<i32>} : memref<16384xf32, #tpu.memory_space<vmem>>, vector<16xf32>,
        %mul3A_95 = arith.constant 64 : i32
        %mul3A_96 = arith.muli %and3A_38, %mul3A_95 : i32
        %add3A_97 = arith.constant 48 : i32
        %add3A_98 = arith.addi %mul3A_96, %add3A_97 : i32
        %add3A_99 = vector.broadcast %add3A_98 : i32 to vector<16xi32>
        %add3A_100 = arith.addi %add3A_99, %iota3A : vector<16xi32>
        %gather3A_101 = tpu.vector_load_idx %arg6[%add3A_100, %add3A_57] : memref<128x128xf32, #tpu.memory_space<vmem>>[vector<16xi32>, vector<16xi32>], vector<16xf32>,
        %mul3A_102 = arith.constant 64 : i32
        %mul3A_103 = arith.muli %sub3A_37, %mul3A_102 : i32
        %add3A_104 = arith.constant 48 : i32
        %add3A_105 = arith.addi %mul3A_103, %add3A_104 : i32
        %swap3A_106 = arith.index_cast %add3A_105 : i32 to index
        %swap3A_107 = tpu.vector_load %arg7[%swap3A_106] {strides = array<i32>} : memref<16384xf32, #tpu.memory_space<vmem>>, vector<16xf32>,
        tpu.vector_store %arg7[%swap3A_106], %gather3A_101 {strides = array<i32>} : memref<16384xf32, #tpu.memory_space<vmem>>, vector<16xf32>,
      } else {
      }
      %lt3A = arith.constant 256 : i32
      %lt3A_33 = arith.cmpi slt, %scan3A_30, %lt3A : i32
      %convert_element_type3A_34 = arith.extui %lt3A_33 : i1 to i32
      %cond3A_35 = arith.constant 0 : i32
      %cond3A_36 = arith.cmpi ne, %convert_element_type3A_34, %cond3A_35 : i32
      scf.if %cond3A_36 {
        %and3A = arith.constant 1 : i32
        %and3A_37 = arith.andi %scan3A_30, %and3A : i32
        %add3A_38 = arith.constant 0 : i32
        %add3A_39 = arith.addi %add3A_38, %scan3A_30 : i32
        %get3A = arith.index_cast %add3A_39 : i32 to index
        %get3A_40 = memref.load %arg8[%get3A] : memref<512xi32, #tpu.memory_space<smem>>
        %shift_right_arithmetic3A = arith.constant 7 : i32
        %shift_right_arithmetic3A_41 = arith.shrsi %get3A_40, %shift_right_arithmetic3A : i32
        %mul3A_42 = arith.constant 128 : i32
        %mul3A_43 = arith.muli %shift_right_arithmetic3A_41, %mul3A_42 : i32
        %mul3A_44 = arith.constant 64 : i32
        %mul3A_45 = arith.muli %and3A_37, %mul3A_44 : i32
        %dma_start3A = arith.constant 0 : i32
        %dma_start3A_46 = tpu.memref_slice %arg6[%mul3A_45, %dma_start3A] : memref<128x128xf32, #tpu.memory_space<vmem>> -> memref<64x128xf32, #tpu.memory_space<vmem>>
        %dma_start3A_47 = arith.constant 0 : i32
        %dma_start3A_48 = tpu.memref_slice %arg3[%dma_start3A_47, %mul3A_43] : memref<64x2495767xf32, #tpu.memory_space<hbm>> -> memref<64x128xf32, #tpu.memory_space<hbm>>
        %dma_start3A_49 = arith.constant 0 : i32
        %dma_start3A_50 = tpu.memref_slice %arg6[%mul3A_45, %dma_start3A_49] : memref<128x128xf32, #tpu.memory_space<vmem>> -> memref<64x128xf32, #tpu.memory_space<vmem>>
        %dma_start3A_51 = arith.constant 0 : i32
        %dma_start3A_52 = tpu.memref_slice %arg3[%dma_start3A_51, %mul3A_43] : memref<64x2495767xf32, #tpu.memory_space<hbm>> -> memref<64x128xf32, #tpu.memory_space<hbm>>
        tpu.enqueue_dma source(%dma_start3A_52 : memref<64x128xf32, #tpu.memory_space<hbm>>) target(%dma_start3A_50 : memref<64x128xf32, #tpu.memory_space<vmem>>) target_semaphore(%arg9 : memref<!tpu.dma_semaphore, #tpu.memory_space<semaphore_mem>>)
      } else {
      }
    }
    %scan3A_11 = arith.constant 258 : i32
    %mul3A_12 = arith.constant 512 : i32
    %mul3A_13 = arith.muli %add3A, %mul3A_12 : i32
    %add3A_14 = arith.constant 0 : i32
    %add3A_15 = arith.addi %mul3A_13, %add3A_14 : i32
    %mul3A_16 = arith.constant 64 : i32
    %mul3A_17 = arith.muli %add3A_15, %mul3A_16 : i32
    "tpu.region"() ({
      %run_scoped3A = tpu.sem_alloc : memref<!tpu.dma_semaphore, #tpu.memory_space<semaphore_mem>>
      %dma_start3A = tpu.memref_slice %arg4[%mul3A_17] : memref<1048576xf32, #tpu.memory_space<hbm>> -> memref<16384xf32, #tpu.memory_space<hbm>>
      %dma_start3A_30 = tpu.memref_slice %arg4[%mul3A_17] : memref<1048576xf32, #tpu.memory_space<hbm>> -> memref<16384xf32, #tpu.memory_space<hbm>>
      tpu.enqueue_dma source(%arg7 : memref<16384xf32, #tpu.memory_space<vmem>>) target(%dma_start3A_30 : memref<16384xf32, #tpu.memory_space<hbm>>) target_semaphore(%run_scoped3A : memref<!tpu.dma_semaphore, #tpu.memory_space<semaphore_mem>>)
      %dma_wait3A = tpu.memref_slice %arg4[%mul3A_17] : memref<1048576xf32, #tpu.memory_space<hbm>> -> memref<16384xf32, #tpu.memory_space<hbm>>
      %dma_wait3A_31 = tpu.memref_slice %arg4[%mul3A_17] : memref<1048576xf32, #tpu.memory_space<hbm>> -> memref<16384xf32, #tpu.memory_space<hbm>>
      tpu.wait_dma2 semaphore(%run_scoped3A : memref<!tpu.dma_semaphore, #tpu.memory_space<semaphore_mem>>) src(%arg7 : memref<16384xf32, #tpu.memory_space<vmem>>) dst(%dma_wait3A_31 : memref<16384xf32, #tpu.memory_space<hbm>>)
      tpu.yield
    }) : () -> ()
    %scan3A_18 = arith.constant 0 : i32
    %scan3A_19 = arith.constant 0 : i32
    %scan3A_20 = arith.constant 258 : i32
    %scan3A_21 = arith.addi %scan3A_19, %scan3A_20 : i32
    %scan3A_22 = arith.constant 1 : i32
    scf.for %scan3A_30 = %scan3A_19 to %scan3A_21 step %scan3A_22  : i32 {
      %ge3A = arith.constant 2 : i32
      %ge3A_31 = arith.cmpi sge, %scan3A_30, %ge3A : i32
      %convert_element_type3A = arith.extui %ge3A_31 : i1 to i32
      %cond3A = arith.constant 0 : i32
      %cond3A_32 = arith.cmpi ne, %convert_element_type3A, %cond3A : i32
      scf.if %cond3A_32 {
        %sub3A = arith.constant 2 : i32
        %sub3A_37 = arith.subi %scan3A_30, %sub3A : i32
        %and3A = arith.constant 1 : i32
        %and3A_38 = arith.andi %sub3A_37, %and3A : i32
        %dma_wait3A = arith.constant 0 : i32
        %dma_wait3A_39 = arith.constant 0 : i32
        %dma_wait3A_40 = tpu.memref_slice %arg6[%dma_wait3A, %dma_wait3A_39] : memref<128x128xf32, #tpu.memory_space<vmem>> -> memref<64x128xf32, #tpu.memory_space<vmem>>
        %dma_wait3A_41 = arith.constant 0 : i32
        %dma_wait3A_42 = arith.constant 0 : i32
        %dma_wait3A_43 = tpu.memref_slice %arg3[%dma_wait3A_41, %dma_wait3A_42] : memref<64x2495767xf32, #tpu.memory_space<hbm>> -> memref<64x128xf32, #tpu.memory_space<hbm>>
        %dma_wait3A_44 = arith.constant 0 : i32
        %dma_wait3A_45 = arith.constant 0 : i32
        %dma_wait3A_46 = tpu.memref_slice %arg6[%dma_wait3A_44, %dma_wait3A_45] : memref<128x128xf32, #tpu.memory_space<vmem>> -> memref<64x128xf32, #tpu.memory_space<vmem>>
        %dma_wait3A_47 = arith.constant 0 : i32
        %dma_wait3A_48 = arith.constant 0 : i32
        %dma_wait3A_49 = tpu.memref_slice %arg3[%dma_wait3A_47, %dma_wait3A_48] : memref<64x2495767xf32, #tpu.memory_space<hbm>> -> memref<64x128xf32, #tpu.memory_space<hbm>>
        tpu.wait_dma2 semaphore(%arg9 : memref<!tpu.dma_semaphore, #tpu.memory_space<semaphore_mem>>) src(%dma_wait3A_49 : memref<64x128xf32, #tpu.memory_space<hbm>>) dst(%dma_wait3A_46 : memref<64x128xf32, #tpu.memory_space<vmem>>)
        %add3A_50 = arith.constant 256 : i32
        %add3A_51 = arith.addi %add3A_50, %sub3A_37 : i32
        %get3A = arith.index_cast %add3A_51 : i32 to index
        %get3A_52 = memref.load %arg8[%get3A] : memref<512xi32, #tpu.memory_space<smem>>
        %and3A_53 = arith.constant 127 : i32
        %and3A_54 = arith.andi %get3A_52, %and3A_53 : i32
        %broadcast_in_dim3A = arith.constant 0 : i32
        %broadcast_in_dim3A_55 = vector.broadcast %broadcast_in_dim3A : i32 to vector<16xi32>
        %add3A_56 = vector.broadcast %and3A_54 : i32 to vector<16xi32>
        %add3A_57 = arith.addi %broadcast_in_dim3A_55, %add3A_56 : vector<16xi32>
        %mul3A_58 = arith.constant 64 : i32
        %mul3A_59 = arith.muli %and3A_38, %mul3A_58 : i32
        %add3A_60 = arith.constant 0 : i32
        %add3A_61 = arith.addi %mul3A_59, %add3A_60 : i32
        %add3A_62 = vector.broadcast %add3A_61 : i32 to vector<16xi32>
        %add3A_63 = arith.addi %add3A_62, %iota3A : vector<16xi32>
        %gather3A = tpu.vector_load_idx %arg6[%add3A_63, %add3A_57] : memref<128x128xf32, #tpu.memory_space<vmem>>[vector<16xi32>, vector<16xi32>], vector<16xf32>,
        %mul3A_64 = arith.constant 64 : i32
        %mul3A_65 = arith.muli %sub3A_37, %mul3A_64 : i32
        %add3A_66 = arith.constant 0 : i32
        %add3A_67 = arith.addi %mul3A_65, %add3A_66 : i32
        %swap3A = arith.index_cast %add3A_67 : i32 to index
        %swap3A_68 = tpu.vector_load %arg7[%swap3A] {strides = array<i32>} : memref<16384xf32, #tpu.memory_space<vmem>>, vector<16xf32>,
        tpu.vector_store %arg7[%swap3A], %gather3A {strides = array<i32>} : memref<16384xf32, #tpu.memory_space<vmem>>, vector<16xf32>,
        %mul3A_69 = arith.constant 64 : i32
        %mul3A_70 = arith.muli %and3A_38, %mul3A_69 : i32
        %add3A_71 = arith.constant 16 : i32
        %add3A_72 = arith.addi %mul3A_70, %add3A_71 : i32
        %add3A_73 = vector.broadcast %add3A_72 : i32 to vector<16xi32>
        %add3A_74 = arith.addi %add3A_73, %iota3A : vector<16xi32>
        %gather3A_75 = tpu.vector_load_idx %arg6[%add3A_74, %add3A_57] : memref<128x128xf32, #tpu.memory_space<vmem>>[vector<16xi32>, vector<16xi32>], vector<16xf32>,
        %mul3A_76 = arith.constant 64 : i32
        %mul3A_77 = arith.muli %sub3A_37, %mul3A_76 : i32
        %add3A_78 = arith.constant 16 : i32
        %add3A_79 = arith.addi %mul3A_77, %add3A_78 : i32
        %swap3A_80 = arith.index_cast %add3A_79 : i32 to index
        %swap3A_81 = tpu.vector_load %arg7[%swap3A_80] {strides = array<i32>} : memref<16384xf32, #tpu.memory_space<vmem>>, vector<16xf32>,
        tpu.vector_store %arg7[%swap3A_80], %gather3A_75 {strides = array<i32>} : memref<16384xf32, #tpu.memory_space<vmem>>, vector<16xf32>,
        %mul3A_82 = arith.constant 64 : i32
        %mul3A_83 = arith.muli %and3A_38, %mul3A_82 : i32
        %add3A_84 = arith.constant 32 : i32
        %add3A_85 = arith.addi %mul3A_83, %add3A_84 : i32
        %add3A_86 = vector.broadcast %add3A_85 : i32 to vector<16xi32>
        %add3A_87 = arith.addi %add3A_86, %iota3A : vector<16xi32>
        %gather3A_88 = tpu.vector_load_idx %arg6[%add3A_87, %add3A_57] : memref<128x128xf32, #tpu.memory_space<vmem>>[vector<16xi32>, vector<16xi32>], vector<16xf32>,
        %mul3A_89 = arith.constant 64 : i32
        %mul3A_90 = arith.muli %sub3A_37, %mul3A_89 : i32
        %add3A_91 = arith.constant 32 : i32
        %add3A_92 = arith.addi %mul3A_90, %add3A_91 : i32
        %swap3A_93 = arith.index_cast %add3A_92 : i32 to index
        %swap3A_94 = tpu.vector_load %arg7[%swap3A_93] {strides = array<i32>} : memref<16384xf32, #tpu.memory_space<vmem>>, vector<16xf32>,
        tpu.vector_store %arg7[%swap3A_93], %gather3A_88 {strides = array<i32>} : memref<16384xf32, #tpu.memory_space<vmem>>, vector<16xf32>,
        %mul3A_95 = arith.constant 64 : i32
        %mul3A_96 = arith.muli %and3A_38, %mul3A_95 : i32
        %add3A_97 = arith.constant 48 : i32
        %add3A_98 = arith.addi %mul3A_96, %add3A_97 : i32
        %add3A_99 = vector.broadcast %add3A_98 : i32 to vector<16xi32>
        %add3A_100 = arith.addi %add3A_99, %iota3A : vector<16xi32>
        %gather3A_101 = tpu.vector_load_idx %arg6[%add3A_100, %add3A_57] : memref<128x128xf32, #tpu.memory_space<vmem>>[vector<16xi32>, vector<16xi32>], vector<16xf32>,
        %mul3A_102 = arith.constant 64 : i32
        %mul3A_103 = arith.muli %sub3A_37, %mul3A_102 : i32
        %add3A_104 = arith.constant 48 : i32
        %add3A_105 = arith.addi %mul3A_103, %add3A_104 : i32
        %swap3A_106 = arith.index_cast %add3A_105 : i32 to index
        %swap3A_107 = tpu.vector_load %arg7[%swap3A_106] {strides = array<i32>} : memref<16384xf32, #tpu.memory_space<vmem>>, vector<16xf32>,
        tpu.vector_store %arg7[%swap3A_106], %gather3A_101 {strides = array<i32>} : memref<16384xf32, #tpu.memory_space<vmem>>, vector<16xf32>,
      } else {
      }
      %lt3A = arith.constant 256 : i32
      %lt3A_33 = arith.cmpi slt, %scan3A_30, %lt3A : i32
      %convert_element_type3A_34 = arith.extui %lt3A_33 : i1 to i32
      %cond3A_35 = arith.constant 0 : i32
      %cond3A_36 = arith.cmpi ne, %convert_element_type3A_34, %cond3A_35 : i32
      scf.if %cond3A_36 {
        %and3A = arith.constant 1 : i32
        %and3A_37 = arith.andi %scan3A_30, %and3A : i32
        %add3A_38 = arith.constant 256 : i32
        %add3A_39 = arith.addi %add3A_38, %scan3A_30 : i32
        %get3A = arith.index_cast %add3A_39 : i32 to index
        %get3A_40 = memref.load %arg8[%get3A] : memref<512xi32, #tpu.memory_space<smem>>
        %shift_right_arithmetic3A = arith.constant 7 : i32
        %shift_right_arithmetic3A_41 = arith.shrsi %get3A_40, %shift_right_arithmetic3A : i32
        %mul3A_42 = arith.constant 128 : i32
        %mul3A_43 = arith.muli %shift_right_arithmetic3A_41, %mul3A_42 : i32
        %mul3A_44 = arith.constant 64 : i32
        %mul3A_45 = arith.muli %and3A_37, %mul3A_44 : i32
        %dma_start3A = arith.constant 0 : i32
        %dma_start3A_46 = tpu.memref_slice %arg6[%mul3A_45, %dma_start3A] : memref<128x128xf32, #tpu.memory_space<vmem>> -> memref<64x128xf32, #tpu.memory_space<vmem>>
        %dma_start3A_47 = arith.constant 0 : i32
        %dma_start3A_48 = tpu.memref_slice %arg3[%dma_start3A_47, %mul3A_43] : memref<64x2495767xf32, #tpu.memory_space<hbm>> -> memref<64x128xf32, #tpu.memory_space<hbm>>
        %dma_start3A_49 = arith.constant 0 : i32
        %dma_start3A_50 = tpu.memref_slice %arg6[%mul3A_45, %dma_start3A_49] : memref<128x128xf32, #tpu.memory_space<vmem>> -> memref<64x128xf32, #tpu.memory_space<vmem>>
        %dma_start3A_51 = arith.constant 0 : i32
        %dma_start3A_52 = tpu.memref_slice %arg3[%dma_start3A_51, %mul3A_43] : memref<64x2495767xf32, #tpu.memory_space<hbm>> -> memref<64x128xf32, #tpu.memory_space<hbm>>
        tpu.enqueue_dma source(%dma_start3A_52 : memref<64x128xf32, #tpu.memory_space<hbm>>) target(%dma_start3A_50 : memref<64x128xf32, #tpu.memory_space<vmem>>) target_semaphore(%arg9 : memref<!tpu.dma_semaphore, #tpu.memory_space<semaphore_mem>>)
      } else {
      }
    }
    %scan3A_23 = arith.constant 258 : i32
    %mul3A_24 = arith.constant 512 : i32
    %mul3A_25 = arith.muli %add3A, %mul3A_24 : i32
    %add3A_26 = arith.constant 256 : i32
    %add3A_27 = arith.addi %mul3A_25, %add3A_26 : i32
    %mul3A_28 = arith.constant 64 : i32
    %mul3A_29 = arith.muli %add3A_27, %mul3A_28 : i32
    "tpu.region"() ({
      %run_scoped3A = tpu.sem_alloc : memref<!tpu.dma_semaphore, #tpu.memory_space<semaphore_mem>>
      %dma_start3A = tpu.memref_slice %arg4[%mul3A_29] : memref<1048576xf32, #tpu.memory_space<hbm>> -> memref<16384xf32, #tpu.memory_space<hbm>>
      %dma_start3A_30 = tpu.memref_slice %arg4[%mul3A_29] : memref<1048576xf32, #tpu.memory_space<hbm>> -> memref<16384xf32, #tpu.memory_space<hbm>>
      tpu.enqueue_dma source(%arg7 : memref<16384xf32, #tpu.memory_space<vmem>>) target(%dma_start3A_30 : memref<16384xf32, #tpu.memory_space<hbm>>) target_semaphore(%run_scoped3A : memref<!tpu.dma_semaphore, #tpu.memory_space<semaphore_mem>>)
      %dma_wait3A = tpu.memref_slice %arg4[%mul3A_29] : memref<1048576xf32, #tpu.memory_space<hbm>> -> memref<16384xf32, #tpu.memory_space<hbm>>
      %dma_wait3A_31 = tpu.memref_slice %arg4[%mul3A_29] : memref<1048576xf32, #tpu.memory_space<hbm>> -> memref<16384xf32, #tpu.memory_space<hbm>>
      tpu.wait_dma2 semaphore(%run_scoped3A : memref<!tpu.dma_semaphore, #tpu.memory_space<semaphore_mem>>) src(%arg7 : memref<16384xf32, #tpu.memory_space<vmem>>) dst(%dma_wait3A_31 : memref<16384xf32, #tpu.memory_space<hbm>>)
      tpu.yield
    }) : () -> ()
    return
  }
}

#map = affine_map<(d0, d1) -> (0, 0, 0)>
#map1 = affine_map<(d0, d1) -> (0, 0)>
#map2 = affine_map<(d0, d1) -> (0)>
module attributes {stable_mosaic.version = 14 : i64} {
  func.func @_sc_b_body(%arg0: i32, %arg1: i32, %arg2: memref<32x4x128xi32, #tpu.memory_space<hbm>>, %arg3: memref<32x128x128xi32, #tpu.memory_space<hbm>>, %arg4: memref<2495767x64xf32, #tpu.memory_space<hbm>>, %arg5: memref<1048576xf32, #tpu.memory_space<hbm>>, %arg6: memref<524288xf32, #tpu.memory_space<hbm>>, %arg7: memref<4x128xi32, #tpu.memory_space<vmem>>, %arg8: memref<128x128xi32, #tpu.memory_space<vmem>>, %arg9: memref<32768xf32, #tpu.memory_space<vmem>>, %arg10: memref<504x64xf32, #tpu.memory_space<vmem>>, %arg11: memref<16384xf32, #tpu.memory_space<vmem>>, %arg12: memref<512xi32, #tpu.memory_space<smem>>, %arg13: memref<!tpu.dma_semaphore, #tpu.memory_space<semaphore_mem>>) attributes {dimension_semantics = [#tpu.dimension_semantics<core_parallel>, #tpu.dimension_semantics<subcore_parallel>], iteration_bounds = array<i64: 2, 16>, scalar_prefetch = 0 : i64, scratch_operands = 7 : i64, tpu.core_type = #tpu.core_type<sc_vector_subcore>, window_params = [{transform_indices = #map}, {transform_indices = #map}, {transform_indices = #map1}, {transform_indices = #map2}, {transform_indices = #map2}]} {
    %mul3A = arith.constant 2 : i32
    %mul3A_0 = arith.muli %arg1, %mul3A : i32
    %add3A = arith.addi %mul3A_0, %arg0 : i32
    %iota3A = tpu.iota {dimensions = array<i32: 0>} : vector<16xi32>
    "tpu.region"() ({
      %run_scoped3A = tpu.sem_alloc : memref<!tpu.dma_semaphore, #tpu.memory_space<semaphore_mem>>
      %dma_start3A = arith.constant 0 : i32
      %dma_start3A_20 = arith.constant 0 : i32
      %dma_start3A_21 = tpu.memref_slice %arg2[%add3A, %dma_start3A, %dma_start3A_20] : memref<32x4x128xi32, #tpu.memory_space<hbm>> -> memref<1x4x128xi32, #tpu.memory_space<hbm>>
      %dma_start3A_22 = tpu.memref_squeeze %dma_start3A_21 : memref<1x4x128xi32, #tpu.memory_space<hbm>> -> memref<4x128xi32, #tpu.memory_space<hbm>>
      %dma_start3A_23 = arith.constant 0 : i32
      %dma_start3A_24 = arith.constant 0 : i32
      %dma_start3A_25 = tpu.memref_slice %arg2[%add3A, %dma_start3A_23, %dma_start3A_24] : memref<32x4x128xi32, #tpu.memory_space<hbm>> -> memref<1x4x128xi32, #tpu.memory_space<hbm>>
      %dma_start3A_26 = tpu.memref_squeeze %dma_start3A_25 : memref<1x4x128xi32, #tpu.memory_space<hbm>> -> memref<4x128xi32, #tpu.memory_space<hbm>>
      tpu.enqueue_dma source(%dma_start3A_26 : memref<4x128xi32, #tpu.memory_space<hbm>>) target(%arg7 : memref<4x128xi32, #tpu.memory_space<vmem>>) target_semaphore(%run_scoped3A : memref<!tpu.dma_semaphore, #tpu.memory_space<semaphore_mem>>)
      %dma_wait3A = arith.constant 0 : i32
      %dma_wait3A_27 = arith.constant 0 : i32
      %dma_wait3A_28 = tpu.memref_slice %arg2[%add3A, %dma_wait3A, %dma_wait3A_27] : memref<32x4x128xi32, #tpu.memory_space<hbm>> -> memref<1x4x128xi32, #tpu.memory_space<hbm>>
      %dma_wait3A_29 = tpu.memref_squeeze %dma_wait3A_28 : memref<1x4x128xi32, #tpu.memory_space<hbm>> -> memref<4x128xi32, #tpu.memory_space<hbm>>
      %dma_wait3A_30 = arith.constant 0 : i32
      %dma_wait3A_31 = arith.constant 0 : i32
      %dma_wait3A_32 = tpu.memref_slice %arg2[%add3A, %dma_wait3A_30, %dma_wait3A_31] : memref<32x4x128xi32, #tpu.memory_space<hbm>> -> memref<1x4x128xi32, #tpu.memory_space<hbm>>
      %dma_wait3A_33 = tpu.memref_squeeze %dma_wait3A_32 : memref<1x4x128xi32, #tpu.memory_space<hbm>> -> memref<4x128xi32, #tpu.memory_space<hbm>>
      tpu.wait_dma2 semaphore(%run_scoped3A : memref<!tpu.dma_semaphore, #tpu.memory_space<semaphore_mem>>) src(%dma_wait3A_33 : memref<4x128xi32, #tpu.memory_space<hbm>>) dst(%arg7 : memref<4x128xi32, #tpu.memory_space<vmem>>)
      tpu.yield
    }) : () -> ()
    "tpu.region"() ({
      %run_scoped3A = tpu.sem_alloc : memref<!tpu.dma_semaphore, #tpu.memory_space<semaphore_mem>>
      %dma_start3A = arith.constant 0 : i32
      %dma_start3A_20 = arith.constant 0 : i32
      %dma_start3A_21 = tpu.memref_slice %arg3[%add3A, %dma_start3A, %dma_start3A_20] : memref<32x128x128xi32, #tpu.memory_space<hbm>> -> memref<1x128x128xi32, #tpu.memory_space<hbm>>
      %dma_start3A_22 = tpu.memref_squeeze %dma_start3A_21 : memref<1x128x128xi32, #tpu.memory_space<hbm>> -> memref<128x128xi32, #tpu.memory_space<hbm>>
      %dma_start3A_23 = arith.constant 0 : i32
      %dma_start3A_24 = arith.constant 0 : i32
      %dma_start3A_25 = tpu.memref_slice %arg3[%add3A, %dma_start3A_23, %dma_start3A_24] : memref<32x128x128xi32, #tpu.memory_space<hbm>> -> memref<1x128x128xi32, #tpu.memory_space<hbm>>
      %dma_start3A_26 = tpu.memref_squeeze %dma_start3A_25 : memref<1x128x128xi32, #tpu.memory_space<hbm>> -> memref<128x128xi32, #tpu.memory_space<hbm>>
      tpu.enqueue_dma source(%dma_start3A_26 : memref<128x128xi32, #tpu.memory_space<hbm>>) target(%arg8 : memref<128x128xi32, #tpu.memory_space<vmem>>) target_semaphore(%run_scoped3A : memref<!tpu.dma_semaphore, #tpu.memory_space<semaphore_mem>>)
      %dma_wait3A = arith.constant 0 : i32
      %dma_wait3A_27 = arith.constant 0 : i32
      %dma_wait3A_28 = tpu.memref_slice %arg3[%add3A, %dma_wait3A, %dma_wait3A_27] : memref<32x128x128xi32, #tpu.memory_space<hbm>> -> memref<1x128x128xi32, #tpu.memory_space<hbm>>
      %dma_wait3A_29 = tpu.memref_squeeze %dma_wait3A_28 : memref<1x128x128xi32, #tpu.memory_space<hbm>> -> memref<128x128xi32, #tpu.memory_space<hbm>>
      %dma_wait3A_30 = arith.constant 0 : i32
      %dma_wait3A_31 = arith.constant 0 : i32
      %dma_wait3A_32 = tpu.memref_slice %arg3[%add3A, %dma_wait3A_30, %dma_wait3A_31] : memref<32x128x128xi32, #tpu.memory_space<hbm>> -> memref<1x128x128xi32, #tpu.memory_space<hbm>>
      %dma_wait3A_33 = tpu.memref_squeeze %dma_wait3A_32 : memref<1x128x128xi32, #tpu.memory_space<hbm>> -> memref<128x128xi32, #tpu.memory_space<hbm>>
      tpu.wait_dma2 semaphore(%run_scoped3A : memref<!tpu.dma_semaphore, #tpu.memory_space<semaphore_mem>>) src(%dma_wait3A_33 : memref<128x128xi32, #tpu.memory_space<hbm>>) dst(%arg8 : memref<128x128xi32, #tpu.memory_space<vmem>>)
      tpu.yield
    }) : () -> ()
    %mul3A_1 = arith.constant 512 : i32
    %mul3A_2 = arith.muli %add3A, %mul3A_1 : i32
    %mul3A_3 = arith.constant 64 : i32
    %mul3A_4 = arith.muli %mul3A_2, %mul3A_3 : i32
    "tpu.region"() ({
      %run_scoped3A = tpu.sem_alloc : memref<!tpu.dma_semaphore, #tpu.memory_space<semaphore_mem>>
      %dma_start3A = tpu.memref_slice %arg5[%mul3A_4] : memref<1048576xf32, #tpu.memory_space<hbm>> -> memref<32768xf32, #tpu.memory_space<hbm>>
      %dma_start3A_20 = tpu.memref_slice %arg5[%mul3A_4] : memref<1048576xf32, #tpu.memory_space<hbm>> -> memref<32768xf32, #tpu.memory_space<hbm>>
      tpu.enqueue_dma source(%dma_start3A_20 : memref<32768xf32, #tpu.memory_space<hbm>>) target(%arg9 : memref<32768xf32, #tpu.memory_space<vmem>>) target_semaphore(%run_scoped3A : memref<!tpu.dma_semaphore, #tpu.memory_space<semaphore_mem>>)
      %dma_wait3A = tpu.memref_slice %arg5[%mul3A_4] : memref<1048576xf32, #tpu.memory_space<hbm>> -> memref<32768xf32, #tpu.memory_space<hbm>>
      %dma_wait3A_21 = tpu.memref_slice %arg5[%mul3A_4] : memref<1048576xf32, #tpu.memory_space<hbm>> -> memref<32768xf32, #tpu.memory_space<hbm>>
      tpu.wait_dma2 semaphore(%run_scoped3A : memref<!tpu.dma_semaphore, #tpu.memory_space<semaphore_mem>>) src(%dma_wait3A_21 : memref<32768xf32, #tpu.memory_space<hbm>>) dst(%arg9 : memref<32768xf32, #tpu.memory_space<vmem>>)
      tpu.yield
    }) : () -> ()
    %scan3A = arith.constant 0 : i32
    %scan3A_5 = arith.constant 0 : i32
    %scan3A_6 = arith.constant 32 : i32
    %scan3A_7 = arith.addi %scan3A_5, %scan3A_6 : i32
    %scan3A_8 = arith.constant 1 : i32
    scf.for %scan3A_20 = %scan3A_5 to %scan3A_7 step %scan3A_8  : i32 {
      %shift_right_arithmetic3A = arith.constant 3 : i32
      %shift_right_arithmetic3A_21 = arith.shrsi %scan3A_20, %shift_right_arithmetic3A : i32
      %and3A = arith.constant 7 : i32
      %and3A_22 = arith.andi %scan3A_20, %and3A : i32
      %mul3A_23 = arith.constant 16 : i32
      %mul3A_24 = arith.muli %and3A_22, %mul3A_23 : i32
      %get3A = arith.index_cast %shift_right_arithmetic3A_21 : i32 to index
      %get3A_25 = arith.index_cast %mul3A_24 : i32 to index
      %get3A_26 = tpu.vector_load %arg7[%get3A, %get3A_25] {strides = array<i32>} : memref<4x128xi32, #tpu.memory_space<vmem>>, vector<16xi32>,
      %slice3A = vector.extract_strided_slice %get3A_26 {offsets = [0], sizes = [1], strides = [1]} : vector<16xi32> to vector<1xi32>
      %squeeze3A = vector.extract %slice3A[0] : i32 from vector<1xi32>
      %mul3A_27 = arith.constant 16 : i32
      %mul3A_28 = arith.muli %scan3A_20, %mul3A_27 : i32
      %add3A_29 = arith.constant 0 : i32
      %add3A_30 = arith.addi %mul3A_28, %add3A_29 : i32
      %swap3A = arith.index_cast %add3A_30 : i32 to index
      %swap3A_31 = memref.load %arg12[%swap3A] : memref<512xi32, #tpu.memory_space<smem>>
      memref.store %squeeze3A, %arg12[%swap3A] : memref<512xi32, #tpu.memory_space<smem>>
      %slice3A_32 = vector.extract_strided_slice %get3A_26 {offsets = [1], sizes = [1], strides = [1]} : vector<16xi32> to vector<1xi32>
      %squeeze3A_33 = vector.extract %slice3A_32[0] : i32 from vector<1xi32>
      %mul3A_34 = arith.constant 16 : i32
      %mul3A_35 = arith.muli %scan3A_20, %mul3A_34 : i32
      %add3A_36 = arith.constant 1 : i32
      %add3A_37 = arith.addi %mul3A_35, %add3A_36 : i32
      %swap3A_38 = arith.index_cast %add3A_37 : i32 to index
      %swap3A_39 = memref.load %arg12[%swap3A_38] : memref<512xi32, #tpu.memory_space<smem>>
      memref.store %squeeze3A_33, %arg12[%swap3A_38] : memref<512xi32, #tpu.memory_space<smem>>
      %slice3A_40 = vector.extract_strided_slice %get3A_26 {offsets = [2], sizes = [1], strides = [1]} : vector<16xi32> to vector<1xi32>
      %squeeze3A_41 = vector.extract %slice3A_40[0] : i32 from vector<1xi32>
      %mul3A_42 = arith.constant 16 : i32
      %mul3A_43 = arith.muli %scan3A_20, %mul3A_42 : i32
      %add3A_44 = arith.constant 2 : i32
      %add3A_45 = arith.addi %mul3A_43, %add3A_44 : i32
      %swap3A_46 = arith.index_cast %add3A_45 : i32 to index
      %swap3A_47 = memref.load %arg12[%swap3A_46] : memref<512xi32, #tpu.memory_space<smem>>
      memref.store %squeeze3A_41, %arg12[%swap3A_46] : memref<512xi32, #tpu.memory_space<smem>>
      %slice3A_48 = vector.extract_strided_slice %get3A_26 {offsets = [3], sizes = [1], strides = [1]} : vector<16xi32> to vector<1xi32>
      %squeeze3A_49 = vector.extract %slice3A_48[0] : i32 from vector<1xi32>
      %mul3A_50 = arith.constant 16 : i32
      %mul3A_51 = arith.muli %scan3A_20, %mul3A_50 : i32
      %add3A_52 = arith.constant 3 : i32
      %add3A_53 = arith.addi %mul3A_51, %add3A_52 : i32
      %swap3A_54 = arith.index_cast %add3A_53 : i32 to index
      %swap3A_55 = memref.load %arg12[%swap3A_54] : memref<512xi32, #tpu.memory_space<smem>>
      memref.store %squeeze3A_49, %arg12[%swap3A_54] : memref<512xi32, #tpu.memory_space<smem>>
      %slice3A_56 = vector.extract_strided_slice %get3A_26 {offsets = [4], sizes = [1], strides = [1]} : vector<16xi32> to vector<1xi32>
      %squeeze3A_57 = vector.extract %slice3A_56[0] : i32 from vector<1xi32>
      %mul3A_58 = arith.constant 16 : i32
      %mul3A_59 = arith.muli %scan3A_20, %mul3A_58 : i32
      %add3A_60 = arith.constant 4 : i32
      %add3A_61 = arith.addi %mul3A_59, %add3A_60 : i32
      %swap3A_62 = arith.index_cast %add3A_61 : i32 to index
      %swap3A_63 = memref.load %arg12[%swap3A_62] : memref<512xi32, #tpu.memory_space<smem>>
      memref.store %squeeze3A_57, %arg12[%swap3A_62] : memref<512xi32, #tpu.memory_space<smem>>
      %slice3A_64 = vector.extract_strided_slice %get3A_26 {offsets = [5], sizes = [1], strides = [1]} : vector<16xi32> to vector<1xi32>
      %squeeze3A_65 = vector.extract %slice3A_64[0] : i32 from vector<1xi32>
      %mul3A_66 = arith.constant 16 : i32
      %mul3A_67 = arith.muli %scan3A_20, %mul3A_66 : i32
      %add3A_68 = arith.constant 5 : i32
      %add3A_69 = arith.addi %mul3A_67, %add3A_68 : i32
      %swap3A_70 = arith.index_cast %add3A_69 : i32 to index
      %swap3A_71 = memref.load %arg12[%swap3A_70] : memref<512xi32, #tpu.memory_space<smem>>
      memref.store %squeeze3A_65, %arg12[%swap3A_70] : memref<512xi32, #tpu.memory_space<smem>>
      %slice3A_72 = vector.extract_strided_slice %get3A_26 {offsets = [6], sizes = [1], strides = [1]} : vector<16xi32> to vector<1xi32>
      %squeeze3A_73 = vector.extract %slice3A_72[0] : i32 from vector<1xi32>
      %mul3A_74 = arith.constant 16 : i32
      %mul3A_75 = arith.muli %scan3A_20, %mul3A_74 : i32
      %add3A_76 = arith.constant 6 : i32
      %add3A_77 = arith.addi %mul3A_75, %add3A_76 : i32
      %swap3A_78 = arith.index_cast %add3A_77 : i32 to index
      %swap3A_79 = memref.load %arg12[%swap3A_78] : memref<512xi32, #tpu.memory_space<smem>>
      memref.store %squeeze3A_73, %arg12[%swap3A_78] : memref<512xi32, #tpu.memory_space<smem>>
      %slice3A_80 = vector.extract_strided_slice %get3A_26 {offsets = [7], sizes = [1], strides = [1]} : vector<16xi32> to vector<1xi32>
      %squeeze3A_81 = vector.extract %slice3A_80[0] : i32 from vector<1xi32>
      %mul3A_82 = arith.constant 16 : i32
      %mul3A_83 = arith.muli %scan3A_20, %mul3A_82 : i32
      %add3A_84 = arith.constant 7 : i32
      %add3A_85 = arith.addi %mul3A_83, %add3A_84 : i32
      %swap3A_86 = arith.index_cast %add3A_85 : i32 to index
      %swap3A_87 = memref.load %arg12[%swap3A_86] : memref<512xi32, #tpu.memory_space<smem>>
      memref.store %squeeze3A_81, %arg12[%swap3A_86] : memref<512xi32, #tpu.memory_space<smem>>
      %slice3A_88 = vector.extract_strided_slice %get3A_26 {offsets = [8], sizes = [1], strides = [1]} : vector<16xi32> to vector<1xi32>
      %squeeze3A_89 = vector.extract %slice3A_88[0] : i32 from vector<1xi32>
      %mul3A_90 = arith.constant 16 : i32
      %mul3A_91 = arith.muli %scan3A_20, %mul3A_90 : i32
      %add3A_92 = arith.constant 8 : i32
      %add3A_93 = arith.addi %mul3A_91, %add3A_92 : i32
      %swap3A_94 = arith.index_cast %add3A_93 : i32 to index
      %swap3A_95 = memref.load %arg12[%swap3A_94] : memref<512xi32, #tpu.memory_space<smem>>
      memref.store %squeeze3A_89, %arg12[%swap3A_94] : memref<512xi32, #tpu.memory_space<smem>>
      %slice3A_96 = vector.extract_strided_slice %get3A_26 {offsets = [9], sizes = [1], strides = [1]} : vector<16xi32> to vector<1xi32>
      %squeeze3A_97 = vector.extract %slice3A_96[0] : i32 from vector<1xi32>
      %mul3A_98 = arith.constant 16 : i32
      %mul3A_99 = arith.muli %scan3A_20, %mul3A_98 : i32
      %add3A_100 = arith.constant 9 : i32
      %add3A_101 = arith.addi %mul3A_99, %add3A_100 : i32
      %swap3A_102 = arith.index_cast %add3A_101 : i32 to index
      %swap3A_103 = memref.load %arg12[%swap3A_102] : memref<512xi32, #tpu.memory_space<smem>>
      memref.store %squeeze3A_97, %arg12[%swap3A_102] : memref<512xi32, #tpu.memory_space<smem>>
      %slice3A_104 = vector.extract_strided_slice %get3A_26 {offsets = [10], sizes = [1], strides = [1]} : vector<16xi32> to vector<1xi32>
      %squeeze3A_105 = vector.extract %slice3A_104[0] : i32 from vector<1xi32>
      %mul3A_106 = arith.constant 16 : i32
      %mul3A_107 = arith.muli %scan3A_20, %mul3A_106 : i32
      %add3A_108 = arith.constant 10 : i32
      %add3A_109 = arith.addi %mul3A_107, %add3A_108 : i32
      %swap3A_110 = arith.index_cast %add3A_109 : i32 to index
      %swap3A_111 = memref.load %arg12[%swap3A_110] : memref<512xi32, #tpu.memory_space<smem>>
      memref.store %squeeze3A_105, %arg12[%swap3A_110] : memref<512xi32, #tpu.memory_space<smem>>
      %slice3A_112 = vector.extract_strided_slice %get3A_26 {offsets = [11], sizes = [1], strides = [1]} : vector<16xi32> to vector<1xi32>
      %squeeze3A_113 = vector.extract %slice3A_112[0] : i32 from vector<1xi32>
      %mul3A_114 = arith.constant 16 : i32
      %mul3A_115 = arith.muli %scan3A_20, %mul3A_114 : i32
      %add3A_116 = arith.constant 11 : i32
      %add3A_117 = arith.addi %mul3A_115, %add3A_116 : i32
      %swap3A_118 = arith.index_cast %add3A_117 : i32 to index
      %swap3A_119 = memref.load %arg12[%swap3A_118] : memref<512xi32, #tpu.memory_space<smem>>
      memref.store %squeeze3A_113, %arg12[%swap3A_118] : memref<512xi32, #tpu.memory_space<smem>>
      %slice3A_120 = vector.extract_strided_slice %get3A_26 {offsets = [12], sizes = [1], strides = [1]} : vector<16xi32> to vector<1xi32>
      %squeeze3A_121 = vector.extract %slice3A_120[0] : i32 from vector<1xi32>
      %mul3A_122 = arith.constant 16 : i32
      %mul3A_123 = arith.muli %scan3A_20, %mul3A_122 : i32
      %add3A_124 = arith.constant 12 : i32
      %add3A_125 = arith.addi %mul3A_123, %add3A_124 : i32
      %swap3A_126 = arith.index_cast %add3A_125 : i32 to index
      %swap3A_127 = memref.load %arg12[%swap3A_126] : memref<512xi32, #tpu.memory_space<smem>>
      memref.store %squeeze3A_121, %arg12[%swap3A_126] : memref<512xi32, #tpu.memory_space<smem>>
      %slice3A_128 = vector.extract_strided_slice %get3A_26 {offsets = [13], sizes = [1], strides = [1]} : vector<16xi32> to vector<1xi32>
      %squeeze3A_129 = vector.extract %slice3A_128[0] : i32 from vector<1xi32>
      %mul3A_130 = arith.constant 16 : i32
      %mul3A_131 = arith.muli %scan3A_20, %mul3A_130 : i32
      %add3A_132 = arith.constant 13 : i32
      %add3A_133 = arith.addi %mul3A_131, %add3A_132 : i32
      %swap3A_134 = arith.index_cast %add3A_133 : i32 to index
      %swap3A_135 = memref.load %arg12[%swap3A_134] : memref<512xi32, #tpu.memory_space<smem>>
      memref.store %squeeze3A_129, %arg12[%swap3A_134] : memref<512xi32, #tpu.memory_space<smem>>
      %slice3A_136 = vector.extract_strided_slice %get3A_26 {offsets = [14], sizes = [1], strides = [1]} : vector<16xi32> to vector<1xi32>
      %squeeze3A_137 = vector.extract %slice3A_136[0] : i32 from vector<1xi32>
      %mul3A_138 = arith.constant 16 : i32
      %mul3A_139 = arith.muli %scan3A_20, %mul3A_138 : i32
      %add3A_140 = arith.constant 14 : i32
      %add3A_141 = arith.addi %mul3A_139, %add3A_140 : i32
      %swap3A_142 = arith.index_cast %add3A_141 : i32 to index
      %swap3A_143 = memref.load %arg12[%swap3A_142] : memref<512xi32, #tpu.memory_space<smem>>
      memref.store %squeeze3A_137, %arg12[%swap3A_142] : memref<512xi32, #tpu.memory_space<smem>>
      %slice3A_144 = vector.extract_strided_slice %get3A_26 {offsets = [15], sizes = [1], strides = [1]} : vector<16xi32> to vector<1xi32>
      %squeeze3A_145 = vector.extract %slice3A_144[0] : i32 from vector<1xi32>
      %mul3A_146 = arith.constant 16 : i32
      %mul3A_147 = arith.muli %scan3A_20, %mul3A_146 : i32
      %add3A_148 = arith.constant 15 : i32
      %add3A_149 = arith.addi %mul3A_147, %add3A_148 : i32
      %swap3A_150 = arith.index_cast %add3A_149 : i32 to index
      %swap3A_151 = memref.load %arg12[%swap3A_150] : memref<512xi32, #tpu.memory_space<smem>>
      memref.store %squeeze3A_145, %arg12[%swap3A_150] : memref<512xi32, #tpu.memory_space<smem>>
    }
    %scan3A_9 = arith.constant 32 : i32
    %scan3A_10 = arith.constant 0 : i32
    %scan3A_11 = arith.constant 0 : i32
    %scan3A_12 = arith.constant 514 : i32
    %scan3A_13 = arith.addi %scan3A_11, %scan3A_12 : i32
    %scan3A_14 = arith.constant 1 : i32
    scf.for %scan3A_20 = %scan3A_11 to %scan3A_13 step %scan3A_14  : i32 {
      %lt3A = arith.constant 512 : i32
      %lt3A_21 = arith.cmpi slt, %scan3A_20, %lt3A : i32
      %convert_element_type3A = arith.extui %lt3A_21 : i1 to i32
      %cond3A = arith.constant 0 : i32
      %cond3A_22 = arith.cmpi ne, %convert_element_type3A, %cond3A : i32
      scf.if %cond3A_22 {
        %jit3A = arith.constant 3 : i32
        %eq3A = arith.constant 0 : i32
        %eq3A_27 = arith.cmpi eq, %jit3A, %eq3A : i32
        %jit3A_28 = arith.constant 1 : i32
        %select_n3A = arith.select %eq3A_27, %jit3A_28, %jit3A : i32
        %rem3A = arith.remsi %scan3A_20, %select_n3A : i32
        %ne3A = arith.constant 0 : i32
        %ne3A_29 = arith.cmpi ne, %rem3A, %ne3A : i32
        %lt3A_30 = arith.constant 0 : i32
        %lt3A_31 = arith.cmpi slt, %rem3A, %lt3A_30 : i32
        %lt3A_32 = arith.constant 0 : i32
        %lt3A_33 = arith.cmpi slt, %select_n3A, %lt3A_32 : i32
        %ne3A_34 = arith.xori %lt3A_31, %lt3A_33 : i1
        %and3A = arith.andi %ne3A_34, %ne3A_29 : i1
        %add3A_35 = arith.addi %rem3A, %select_n3A : i32
        %select_n3A_36 = arith.select %and3A, %add3A_35, %rem3A : i32
        %get3A = arith.index_cast %scan3A_20 : i32 to index
        %get3A_37 = memref.load %arg12[%get3A] : memref<512xi32, #tpu.memory_space<smem>>
        %shift_right_arithmetic3A = arith.constant 3 : i32
        %shift_right_arithmetic3A_38 = arith.shrsi %get3A_37, %shift_right_arithmetic3A : i32
        %mul3A_39 = arith.constant 8 : i32
        %mul3A_40 = arith.muli %shift_right_arithmetic3A_38, %mul3A_39 : i32
        %mul3A_41 = arith.constant 21 : i32
        %mul3A_42 = arith.muli %select_n3A_36, %mul3A_41 : i32
        %mul3A_43 = arith.constant 8 : i32
        %mul3A_44 = arith.muli %mul3A_42, %mul3A_43 : i32
        %dma_start3A = arith.constant 0 : i32
        %dma_start3A_45 = tpu.memref_slice %arg10[%mul3A_44, %dma_start3A] : memref<504x64xf32, #tpu.memory_space<vmem>> -> memref<8x64xf32, #tpu.memory_space<vmem>>
        %dma_start3A_46 = arith.constant 0 : i32
        %dma_start3A_47 = tpu.memref_slice %arg4[%mul3A_40, %dma_start3A_46] : memref<2495767x64xf32, #tpu.memory_space<hbm>> -> memref<8x64xf32, #tpu.memory_space<hbm>>
        %dma_start3A_48 = arith.constant 0 : i32
        %dma_start3A_49 = tpu.memref_slice %arg10[%mul3A_44, %dma_start3A_48] : memref<504x64xf32, #tpu.memory_space<vmem>> -> memref<8x64xf32, #tpu.memory_space<vmem>>
        %dma_start3A_50 = arith.constant 0 : i32
        %dma_start3A_51 = tpu.memref_slice %arg4[%mul3A_40, %dma_start3A_50] : memref<2495767x64xf32, #tpu.memory_space<hbm>> -> memref<8x64xf32, #tpu.memory_space<hbm>>
        tpu.enqueue_dma source(%dma_start3A_51 : memref<8x64xf32, #tpu.memory_space<hbm>>) target(%dma_start3A_49 : memref<8x64xf32, #tpu.memory_space<vmem>>) target_semaphore(%arg13 : memref<!tpu.dma_semaphore, #tpu.memory_space<semaphore_mem>>)
        %shift_right_arithmetic3A_52 = arith.constant 2 : i32
        %shift_right_arithmetic3A_53 = arith.shrsi %scan3A_20, %shift_right_arithmetic3A_52 : i32
        %and3A_54 = arith.constant 3 : i32
        %and3A_55 = arith.andi %scan3A_20, %and3A_54 : i32
        %mul3A_56 = arith.constant 32 : i32
        %mul3A_57 = arith.muli %and3A_55, %mul3A_56 : i32
        %get3A_58 = arith.index_cast %shift_right_arithmetic3A_53 : i32 to index
        %get3A_59 = arith.index_cast %mul3A_57 : i32 to index
        %get3A_60 = tpu.vector_load %arg8[%get3A_58, %get3A_59] {strides = array<i32>} : memref<128x128xi32, #tpu.memory_space<vmem>>, vector<16xi32>,
        %shift_right_arithmetic3A_61 = arith.constant 2 : i32
        %shift_right_arithmetic3A_62 = arith.shrsi %scan3A_20, %shift_right_arithmetic3A_61 : i32
        %and3A_63 = arith.constant 3 : i32
        %and3A_64 = arith.andi %scan3A_20, %and3A_63 : i32
        %mul3A_65 = arith.constant 32 : i32
        %mul3A_66 = arith.muli %and3A_64, %mul3A_65 : i32
        %add3A_67 = arith.constant 16 : i32
        %add3A_68 = arith.addi %mul3A_66, %add3A_67 : i32
        %get3A_69 = arith.index_cast %shift_right_arithmetic3A_62 : i32 to index
        %get3A_70 = arith.index_cast %add3A_68 : i32 to index
        %get3A_71 = tpu.vector_load %arg8[%get3A_69, %get3A_70] {strides = array<i32>} : memref<128x128xi32, #tpu.memory_space<vmem>>, vector<16xi32>,
        %slice3A = vector.extract_strided_slice %get3A_60 {offsets = [0], sizes = [1], strides = [1]} : vector<16xi32> to vector<1xi32>
        %squeeze3A = vector.extract %slice3A[0] : i32 from vector<1xi32>
        %shift_right_arithmetic3A_72 = arith.constant 3 : i32
        %shift_right_arithmetic3A_73 = arith.shrsi %squeeze3A, %shift_right_arithmetic3A_72 : i32
        %mul3A_74 = arith.constant 8 : i32
        %mul3A_75 = arith.muli %shift_right_arithmetic3A_73, %mul3A_74 : i32
        %mul3A_76 = arith.constant 21 : i32
        %mul3A_77 = arith.muli %select_n3A_36, %mul3A_76 : i32
        %add3A_78 = arith.constant 1 : i32
        %add3A_79 = arith.addi %mul3A_77, %add3A_78 : i32
        %add3A_80 = arith.constant 0 : i32
        %add3A_81 = arith.addi %add3A_79, %add3A_80 : i32
        %mul3A_82 = arith.constant 8 : i32
        %mul3A_83 = arith.muli %add3A_81, %mul3A_82 : i32
        %dma_start3A_84 = arith.constant 0 : i32
        %dma_start3A_85 = tpu.memref_slice %arg10[%mul3A_83, %dma_start3A_84] : memref<504x64xf32, #tpu.memory_space<vmem>> -> memref<8x64xf32, #tpu.memory_space<vmem>>
        %dma_start3A_86 = arith.constant 0 : i32
        %dma_start3A_87 = tpu.memref_slice %arg4[%mul3A_75, %dma_start3A_86] : memref<2495767x64xf32, #tpu.memory_space<hbm>> -> memref<8x64xf32, #tpu.memory_space<hbm>>
        %dma_start3A_88 = arith.constant 0 : i32
        %dma_start3A_89 = tpu.memref_slice %arg10[%mul3A_83, %dma_start3A_88] : memref<504x64xf32, #tpu.memory_space<vmem>> -> memref<8x64xf32, #tpu.memory_space<vmem>>
        %dma_start3A_90 = arith.constant 0 : i32
        %dma_start3A_91 = tpu.memref_slice %arg4[%mul3A_75, %dma_start3A_90] : memref<2495767x64xf32, #tpu.memory_space<hbm>> -> memref<8x64xf32, #tpu.memory_space<hbm>>
        tpu.enqueue_dma source(%dma_start3A_91 : memref<8x64xf32, #tpu.memory_space<hbm>>) target(%dma_start3A_89 : memref<8x64xf32, #tpu.memory_space<vmem>>) target_semaphore(%arg13 : memref<!tpu.dma_semaphore, #tpu.memory_space<semaphore_mem>>)
        %slice3A_92 = vector.extract_strided_slice %get3A_60 {offsets = [1], sizes = [1], strides = [1]} : vector<16xi32> to vector<1xi32>
        %squeeze3A_93 = vector.extract %slice3A_92[0] : i32 from vector<1xi32>
        %shift_right_arithmetic3A_94 = arith.constant 3 : i32
        %shift_right_arithmetic3A_95 = arith.shrsi %squeeze3A_93, %shift_right_arithmetic3A_94 : i32
        %mul3A_96 = arith.constant 8 : i32
        %mul3A_97 = arith.muli %shift_right_arithmetic3A_95, %mul3A_96 : i32
        %mul3A_98 = arith.constant 21 : i32
        %mul3A_99 = arith.muli %select_n3A_36, %mul3A_98 : i32
        %add3A_100 = arith.constant 1 : i32
        %add3A_101 = arith.addi %mul3A_99, %add3A_100 : i32
        %add3A_102 = arith.constant 1 : i32
        %add3A_103 = arith.addi %add3A_101, %add3A_102 : i32
        %mul3A_104 = arith.constant 8 : i32
        %mul3A_105 = arith.muli %add3A_103, %mul3A_104 : i32
        %dma_start3A_106 = arith.constant 0 : i32
        %dma_start3A_107 = tpu.memref_slice %arg10[%mul3A_105, %dma_start3A_106] : memref<504x64xf32, #tpu.memory_space<vmem>> -> memref<8x64xf32, #tpu.memory_space<vmem>>
        %dma_start3A_108 = arith.constant 0 : i32
        %dma_start3A_109 = tpu.memref_slice %arg4[%mul3A_97, %dma_start3A_108] : memref<2495767x64xf32, #tpu.memory_space<hbm>> -> memref<8x64xf32, #tpu.memory_space<hbm>>
        %dma_start3A_110 = arith.constant 0 : i32
        %dma_start3A_111 = tpu.memref_slice %arg10[%mul3A_105, %dma_start3A_110] : memref<504x64xf32, #tpu.memory_space<vmem>> -> memref<8x64xf32, #tpu.memory_space<vmem>>
        %dma_start3A_112 = arith.constant 0 : i32
        %dma_start3A_113 = tpu.memref_slice %arg4[%mul3A_97, %dma_start3A_112] : memref<2495767x64xf32, #tpu.memory_space<hbm>> -> memref<8x64xf32, #tpu.memory_space<hbm>>
        tpu.enqueue_dma source(%dma_start3A_113 : memref<8x64xf32, #tpu.memory_space<hbm>>) target(%dma_start3A_111 : memref<8x64xf32, #tpu.memory_space<vmem>>) target_semaphore(%arg13 : memref<!tpu.dma_semaphore, #tpu.memory_space<semaphore_mem>>)
        %slice3A_114 = vector.extract_strided_slice %get3A_60 {offsets = [2], sizes = [1], strides = [1]} : vector<16xi32> to vector<1xi32>
        %squeeze3A_115 = vector.extract %slice3A_114[0] : i32 from vector<1xi32>
        %shift_right_arithmetic3A_116 = arith.constant 3 : i32
        %shift_right_arithmetic3A_117 = arith.shrsi %squeeze3A_115, %shift_right_arithmetic3A_116 : i32
        %mul3A_118 = arith.constant 8 : i32
        %mul3A_119 = arith.muli %shift_right_arithmetic3A_117, %mul3A_118 : i32
        %mul3A_120 = arith.constant 21 : i32
        %mul3A_121 = arith.muli %select_n3A_36, %mul3A_120 : i32
        %add3A_122 = arith.constant 1 : i32
        %add3A_123 = arith.addi %mul3A_121, %add3A_122 : i32
        %add3A_124 = arith.constant 2 : i32
        %add3A_125 = arith.addi %add3A_123, %add3A_124 : i32
        %mul3A_126 = arith.constant 8 : i32
        %mul3A_127 = arith.muli %add3A_125, %mul3A_126 : i32
        %dma_start3A_128 = arith.constant 0 : i32
        %dma_start3A_129 = tpu.memref_slice %arg10[%mul3A_127, %dma_start3A_128] : memref<504x64xf32, #tpu.memory_space<vmem>> -> memref<8x64xf32, #tpu.memory_space<vmem>>
        %dma_start3A_130 = arith.constant 0 : i32
        %dma_start3A_131 = tpu.memref_slice %arg4[%mul3A_119, %dma_start3A_130] : memref<2495767x64xf32, #tpu.memory_space<hbm>> -> memref<8x64xf32, #tpu.memory_space<hbm>>
        %dma_start3A_132 = arith.constant 0 : i32
        %dma_start3A_133 = tpu.memref_slice %arg10[%mul3A_127, %dma_start3A_132] : memref<504x64xf32, #tpu.memory_space<vmem>> -> memref<8x64xf32, #tpu.memory_space<vmem>>
        %dma_start3A_134 = arith.constant 0 : i32
        %dma_start3A_135 = tpu.memref_slice %arg4[%mul3A_119, %dma_start3A_134] : memref<2495767x64xf32, #tpu.memory_space<hbm>> -> memref<8x64xf32, #tpu.memory_space<hbm>>
        tpu.enqueue_dma source(%dma_start3A_135 : memref<8x64xf32, #tpu.memory_space<hbm>>) target(%dma_start3A_133 : memref<8x64xf32, #tpu.memory_space<vmem>>) target_semaphore(%arg13 : memref<!tpu.dma_semaphore, #tpu.memory_space<semaphore_mem>>)
        %slice3A_136 = vector.extract_strided_slice %get3A_60 {offsets = [3], sizes = [1], strides = [1]} : vector<16xi32> to vector<1xi32>
        %squeeze3A_137 = vector.extract %slice3A_136[0] : i32 from vector<1xi32>
        %shift_right_arithmetic3A_138 = arith.constant 3 : i32
        %shift_right_arithmetic3A_139 = arith.shrsi %squeeze3A_137, %shift_right_arithmetic3A_138 : i32
        %mul3A_140 = arith.constant 8 : i32
        %mul3A_141 = arith.muli %shift_right_arithmetic3A_139, %mul3A_140 : i32
        %mul3A_142 = arith.constant 21 : i32
        %mul3A_143 = arith.muli %select_n3A_36, %mul3A_142 : i32
        %add3A_144 = arith.constant 1 : i32
        %add3A_145 = arith.addi %mul3A_143, %add3A_144 : i32
        %add3A_146 = arith.constant 3 : i32
        %add3A_147 = arith.addi %add3A_145, %add3A_146 : i32
        %mul3A_148 = arith.constant 8 : i32
        %mul3A_149 = arith.muli %add3A_147, %mul3A_148 : i32
        %dma_start3A_150 = arith.constant 0 : i32
        %dma_start3A_151 = tpu.memref_slice %arg10[%mul3A_149, %dma_start3A_150] : memref<504x64xf32, #tpu.memory_space<vmem>> -> memref<8x64xf32, #tpu.memory_space<vmem>>
        %dma_start3A_152 = arith.constant 0 : i32
        %dma_start3A_153 = tpu.memref_slice %arg4[%mul3A_141, %dma_start3A_152] : memref<2495767x64xf32, #tpu.memory_space<hbm>> -> memref<8x64xf32, #tpu.memory_space<hbm>>
        %dma_start3A_154 = arith.constant 0 : i32
        %dma_start3A_155 = tpu.memref_slice %arg10[%mul3A_149, %dma_start3A_154] : memref<504x64xf32, #tpu.memory_space<vmem>> -> memref<8x64xf32, #tpu.memory_space<vmem>>
        %dma_start3A_156 = arith.constant 0 : i32
        %dma_start3A_157 = tpu.memref_slice %arg4[%mul3A_141, %dma_start3A_156] : memref<2495767x64xf32, #tpu.memory_space<hbm>> -> memref<8x64xf32, #tpu.memory_space<hbm>>
        tpu.enqueue_dma source(%dma_start3A_157 : memref<8x64xf32, #tpu.memory_space<hbm>>) target(%dma_start3A_155 : memref<8x64xf32, #tpu.memory_space<vmem>>) target_semaphore(%arg13 : memref<!tpu.dma_semaphore, #tpu.memory_space<semaphore_mem>>)
        %slice3A_158 = vector.extract_strided_slice %get3A_60 {offsets = [4], sizes = [1], strides = [1]} : vector<16xi32> to vector<1xi32>
        %squeeze3A_159 = vector.extract %slice3A_158[0] : i32 from vector<1xi32>
        %shift_right_arithmetic3A_160 = arith.constant 3 : i32
        %shift_right_arithmetic3A_161 = arith.shrsi %squeeze3A_159, %shift_right_arithmetic3A_160 : i32
        %mul3A_162 = arith.constant 8 : i32
        %mul3A_163 = arith.muli %shift_right_arithmetic3A_161, %mul3A_162 : i32
        %mul3A_164 = arith.constant 21 : i32
        %mul3A_165 = arith.muli %select_n3A_36, %mul3A_164 : i32
        %add3A_166 = arith.constant 1 : i32
        %add3A_167 = arith.addi %mul3A_165, %add3A_166 : i32
        %add3A_168 = arith.constant 4 : i32
        %add3A_169 = arith.addi %add3A_167, %add3A_168 : i32
        %mul3A_170 = arith.constant 8 : i32
        %mul3A_171 = arith.muli %add3A_169, %mul3A_170 : i32
        %dma_start3A_172 = arith.constant 0 : i32
        %dma_start3A_173 = tpu.memref_slice %arg10[%mul3A_171, %dma_start3A_172] : memref<504x64xf32, #tpu.memory_space<vmem>> -> memref<8x64xf32, #tpu.memory_space<vmem>>
        %dma_start3A_174 = arith.constant 0 : i32
        %dma_start3A_175 = tpu.memref_slice %arg4[%mul3A_163, %dma_start3A_174] : memref<2495767x64xf32, #tpu.memory_space<hbm>> -> memref<8x64xf32, #tpu.memory_space<hbm>>
        %dma_start3A_176 = arith.constant 0 : i32
        %dma_start3A_177 = tpu.memref_slice %arg10[%mul3A_171, %dma_start3A_176] : memref<504x64xf32, #tpu.memory_space<vmem>> -> memref<8x64xf32, #tpu.memory_space<vmem>>
        %dma_start3A_178 = arith.constant 0 : i32
        %dma_start3A_179 = tpu.memref_slice %arg4[%mul3A_163, %dma_start3A_178] : memref<2495767x64xf32, #tpu.memory_space<hbm>> -> memref<8x64xf32, #tpu.memory_space<hbm>>
        tpu.enqueue_dma source(%dma_start3A_179 : memref<8x64xf32, #tpu.memory_space<hbm>>) target(%dma_start3A_177 : memref<8x64xf32, #tpu.memory_space<vmem>>) target_semaphore(%arg13 : memref<!tpu.dma_semaphore, #tpu.memory_space<semaphore_mem>>)
        %slice3A_180 = vector.extract_strided_slice %get3A_60 {offsets = [5], sizes = [1], strides = [1]} : vector<16xi32> to vector<1xi32>
        %squeeze3A_181 = vector.extract %slice3A_180[0] : i32 from vector<1xi32>
        %shift_right_arithmetic3A_182 = arith.constant 3 : i32
        %shift_right_arithmetic3A_183 = arith.shrsi %squeeze3A_181, %shift_right_arithmetic3A_182 : i32
        %mul3A_184 = arith.constant 8 : i32
        %mul3A_185 = arith.muli %shift_right_arithmetic3A_183, %mul3A_184 : i32
        %mul3A_186 = arith.constant 21 : i32
        %mul3A_187 = arith.muli %select_n3A_36, %mul3A_186 : i32
        %add3A_188 = arith.constant 1 : i32
        %add3A_189 = arith.addi %mul3A_187, %add3A_188 : i32
        %add3A_190 = arith.constant 5 : i32
        %add3A_191 = arith.addi %add3A_189, %add3A_190 : i32
        %mul3A_192 = arith.constant 8 : i32
        %mul3A_193 = arith.muli %add3A_191, %mul3A_192 : i32
        %dma_start3A_194 = arith.constant 0 : i32
        %dma_start3A_195 = tpu.memref_slice %arg10[%mul3A_193, %dma_start3A_194] : memref<504x64xf32, #tpu.memory_space<vmem>> -> memref<8x64xf32, #tpu.memory_space<vmem>>
        %dma_start3A_196 = arith.constant 0 : i32
        %dma_start3A_197 = tpu.memref_slice %arg4[%mul3A_185, %dma_start3A_196] : memref<2495767x64xf32, #tpu.memory_space<hbm>> -> memref<8x64xf32, #tpu.memory_space<hbm>>
        %dma_start3A_198 = arith.constant 0 : i32
        %dma_start3A_199 = tpu.memref_slice %arg10[%mul3A_193, %dma_start3A_198] : memref<504x64xf32, #tpu.memory_space<vmem>> -> memref<8x64xf32, #tpu.memory_space<vmem>>
        %dma_start3A_200 = arith.constant 0 : i32
        %dma_start3A_201 = tpu.memref_slice %arg4[%mul3A_185, %dma_start3A_200] : memref<2495767x64xf32, #tpu.memory_space<hbm>> -> memref<8x64xf32, #tpu.memory_space<hbm>>
        tpu.enqueue_dma source(%dma_start3A_201 : memref<8x64xf32, #tpu.memory_space<hbm>>) target(%dma_start3A_199 : memref<8x64xf32, #tpu.memory_space<vmem>>) target_semaphore(%arg13 : memref<!tpu.dma_semaphore, #tpu.memory_space<semaphore_mem>>)
        %slice3A_202 = vector.extract_strided_slice %get3A_60 {offsets = [6], sizes = [1], strides = [1]} : vector<16xi32> to vector<1xi32>
        %squeeze3A_203 = vector.extract %slice3A_202[0] : i32 from vector<1xi32>
        %shift_right_arithmetic3A_204 = arith.constant 3 : i32
        %shift_right_arithmetic3A_205 = arith.shrsi %squeeze3A_203, %shift_right_arithmetic3A_204 : i32
        %mul3A_206 = arith.constant 8 : i32
        %mul3A_207 = arith.muli %shift_right_arithmetic3A_205, %mul3A_206 : i32
        %mul3A_208 = arith.constant 21 : i32
        %mul3A_209 = arith.muli %select_n3A_36, %mul3A_208 : i32
        %add3A_210 = arith.constant 1 : i32
        %add3A_211 = arith.addi %mul3A_209, %add3A_210 : i32
        %add3A_212 = arith.constant 6 : i32
        %add3A_213 = arith.addi %add3A_211, %add3A_212 : i32
        %mul3A_214 = arith.constant 8 : i32
        %mul3A_215 = arith.muli %add3A_213, %mul3A_214 : i32
        %dma_start3A_216 = arith.constant 0 : i32
        %dma_start3A_217 = tpu.memref_slice %arg10[%mul3A_215, %dma_start3A_216] : memref<504x64xf32, #tpu.memory_space<vmem>> -> memref<8x64xf32, #tpu.memory_space<vmem>>
        %dma_start3A_218 = arith.constant 0 : i32
        %dma_start3A_219 = tpu.memref_slice %arg4[%mul3A_207, %dma_start3A_218] : memref<2495767x64xf32, #tpu.memory_space<hbm>> -> memref<8x64xf32, #tpu.memory_space<hbm>>
        %dma_start3A_220 = arith.constant 0 : i32
        %dma_start3A_221 = tpu.memref_slice %arg10[%mul3A_215, %dma_start3A_220] : memref<504x64xf32, #tpu.memory_space<vmem>> -> memref<8x64xf32, #tpu.memory_space<vmem>>
        %dma_start3A_222 = arith.constant 0 : i32
        %dma_start3A_223 = tpu.memref_slice %arg4[%mul3A_207, %dma_start3A_222] : memref<2495767x64xf32, #tpu.memory_space<hbm>> -> memref<8x64xf32, #tpu.memory_space<hbm>>
        tpu.enqueue_dma source(%dma_start3A_223 : memref<8x64xf32, #tpu.memory_space<hbm>>) target(%dma_start3A_221 : memref<8x64xf32, #tpu.memory_space<vmem>>) target_semaphore(%arg13 : memref<!tpu.dma_semaphore, #tpu.memory_space<semaphore_mem>>)
        %slice3A_224 = vector.extract_strided_slice %get3A_60 {offsets = [7], sizes = [1], strides = [1]} : vector<16xi32> to vector<1xi32>
        %squeeze3A_225 = vector.extract %slice3A_224[0] : i32 from vector<1xi32>
        %shift_right_arithmetic3A_226 = arith.constant 3 : i32
        %shift_right_arithmetic3A_227 = arith.shrsi %squeeze3A_225, %shift_right_arithmetic3A_226 : i32
        %mul3A_228 = arith.constant 8 : i32
        %mul3A_229 = arith.muli %shift_right_arithmetic3A_227, %mul3A_228 : i32
        %mul3A_230 = arith.constant 21 : i32
        %mul3A_231 = arith.muli %select_n3A_36, %mul3A_230 : i32
        %add3A_232 = arith.constant 1 : i32
        %add3A_233 = arith.addi %mul3A_231, %add3A_232 : i32
        %add3A_234 = arith.constant 7 : i32
        %add3A_235 = arith.addi %add3A_233, %add3A_234 : i32
        %mul3A_236 = arith.constant 8 : i32
        %mul3A_237 = arith.muli %add3A_235, %mul3A_236 : i32
        %dma_start3A_238 = arith.constant 0 : i32
        %dma_start3A_239 = tpu.memref_slice %arg10[%mul3A_237, %dma_start3A_238] : memref<504x64xf32, #tpu.memory_space<vmem>> -> memref<8x64xf32, #tpu.memory_space<vmem>>
        %dma_start3A_240 = arith.constant 0 : i32
        %dma_start3A_241 = tpu.memref_slice %arg4[%mul3A_229, %dma_start3A_240] : memref<2495767x64xf32, #tpu.memory_space<hbm>> -> memref<8x64xf32, #tpu.memory_space<hbm>>
        %dma_start3A_242 = arith.constant 0 : i32
        %dma_start3A_243 = tpu.memref_slice %arg10[%mul3A_237, %dma_start3A_242] : memref<504x64xf32, #tpu.memory_space<vmem>> -> memref<8x64xf32, #tpu.memory_space<vmem>>
        %dma_start3A_244 = arith.constant 0 : i32
        %dma_start3A_245 = tpu.memref_slice %arg4[%mul3A_229, %dma_start3A_244] : memref<2495767x64xf32, #tpu.memory_space<hbm>> -> memref<8x64xf32, #tpu.memory_space<hbm>>
        tpu.enqueue_dma source(%dma_start3A_245 : memref<8x64xf32, #tpu.memory_space<hbm>>) target(%dma_start3A_243 : memref<8x64xf32, #tpu.memory_space<vmem>>) target_semaphore(%arg13 : memref<!tpu.dma_semaphore, #tpu.memory_space<semaphore_mem>>)
        %slice3A_246 = vector.extract_strided_slice %get3A_60 {offsets = [8], sizes = [1], strides = [1]} : vector<16xi32> to vector<1xi32>
        %squeeze3A_247 = vector.extract %slice3A_246[0] : i32 from vector<1xi32>
        %shift_right_arithmetic3A_248 = arith.constant 3 : i32
        %shift_right_arithmetic3A_249 = arith.shrsi %squeeze3A_247, %shift_right_arithmetic3A_248 : i32
        %mul3A_250 = arith.constant 8 : i32
        %mul3A_251 = arith.muli %shift_right_arithmetic3A_249, %mul3A_250 : i32
        %mul3A_252 = arith.constant 21 : i32
        %mul3A_253 = arith.muli %select_n3A_36, %mul3A_252 : i32
        %add3A_254 = arith.constant 1 : i32
        %add3A_255 = arith.addi %mul3A_253, %add3A_254 : i32
        %add3A_256 = arith.constant 8 : i32
        %add3A_257 = arith.addi %add3A_255, %add3A_256 : i32
        %mul3A_258 = arith.constant 8 : i32
        %mul3A_259 = arith.muli %add3A_257, %mul3A_258 : i32
        %dma_start3A_260 = arith.constant 0 : i32
        %dma_start3A_261 = tpu.memref_slice %arg10[%mul3A_259, %dma_start3A_260] : memref<504x64xf32, #tpu.memory_space<vmem>> -> memref<8x64xf32, #tpu.memory_space<vmem>>
        %dma_start3A_262 = arith.constant 0 : i32
        %dma_start3A_263 = tpu.memref_slice %arg4[%mul3A_251, %dma_start3A_262] : memref<2495767x64xf32, #tpu.memory_space<hbm>> -> memref<8x64xf32, #tpu.memory_space<hbm>>
        %dma_start3A_264 = arith.constant 0 : i32
        %dma_start3A_265 = tpu.memref_slice %arg10[%mul3A_259, %dma_start3A_264] : memref<504x64xf32, #tpu.memory_space<vmem>> -> memref<8x64xf32, #tpu.memory_space<vmem>>
        %dma_start3A_266 = arith.constant 0 : i32
        %dma_start3A_267 = tpu.memref_slice %arg4[%mul3A_251, %dma_start3A_266] : memref<2495767x64xf32, #tpu.memory_space<hbm>> -> memref<8x64xf32, #tpu.memory_space<hbm>>
        tpu.enqueue_dma source(%dma_start3A_267 : memref<8x64xf32, #tpu.memory_space<hbm>>) target(%dma_start3A_265 : memref<8x64xf32, #tpu.memory_space<vmem>>) target_semaphore(%arg13 : memref<!tpu.dma_semaphore, #tpu.memory_space<semaphore_mem>>)
        %slice3A_268 = vector.extract_strided_slice %get3A_60 {offsets = [9], sizes = [1], strides = [1]} : vector<16xi32> to vector<1xi32>
        %squeeze3A_269 = vector.extract %slice3A_268[0] : i32 from vector<1xi32>
        %shift_right_arithmetic3A_270 = arith.constant 3 : i32
        %shift_right_arithmetic3A_271 = arith.shrsi %squeeze3A_269, %shift_right_arithmetic3A_270 : i32
        %mul3A_272 = arith.constant 8 : i32
        %mul3A_273 = arith.muli %shift_right_arithmetic3A_271, %mul3A_272 : i32
        %mul3A_274 = arith.constant 21 : i32
        %mul3A_275 = arith.muli %select_n3A_36, %mul3A_274 : i32
        %add3A_276 = arith.constant 1 : i32
        %add3A_277 = arith.addi %mul3A_275, %add3A_276 : i32
        %add3A_278 = arith.constant 9 : i32
        %add3A_279 = arith.addi %add3A_277, %add3A_278 : i32
        %mul3A_280 = arith.constant 8 : i32
        %mul3A_281 = arith.muli %add3A_279, %mul3A_280 : i32
        %dma_start3A_282 = arith.constant 0 : i32
        %dma_start3A_283 = tpu.memref_slice %arg10[%mul3A_281, %dma_start3A_282] : memref<504x64xf32, #tpu.memory_space<vmem>> -> memref<8x64xf32, #tpu.memory_space<vmem>>
        %dma_start3A_284 = arith.constant 0 : i32
        %dma_start3A_285 = tpu.memref_slice %arg4[%mul3A_273, %dma_start3A_284] : memref<2495767x64xf32, #tpu.memory_space<hbm>> -> memref<8x64xf32, #tpu.memory_space<hbm>>
        %dma_start3A_286 = arith.constant 0 : i32
        %dma_start3A_287 = tpu.memref_slice %arg10[%mul3A_281, %dma_start3A_286] : memref<504x64xf32, #tpu.memory_space<vmem>> -> memref<8x64xf32, #tpu.memory_space<vmem>>
        %dma_start3A_288 = arith.constant 0 : i32
        %dma_start3A_289 = tpu.memref_slice %arg4[%mul3A_273, %dma_start3A_288] : memref<2495767x64xf32, #tpu.memory_space<hbm>> -> memref<8x64xf32, #tpu.memory_space<hbm>>
        tpu.enqueue_dma source(%dma_start3A_289 : memref<8x64xf32, #tpu.memory_space<hbm>>) target(%dma_start3A_287 : memref<8x64xf32, #tpu.memory_space<vmem>>) target_semaphore(%arg13 : memref<!tpu.dma_semaphore, #tpu.memory_space<semaphore_mem>>)
        %slice3A_290 = vector.extract_strided_slice %get3A_60 {offsets = [10], sizes = [1], strides = [1]} : vector<16xi32> to vector<1xi32>
        %squeeze3A_291 = vector.extract %slice3A_290[0] : i32 from vector<1xi32>
        %shift_right_arithmetic3A_292 = arith.constant 3 : i32
        %shift_right_arithmetic3A_293 = arith.shrsi %squeeze3A_291, %shift_right_arithmetic3A_292 : i32
        %mul3A_294 = arith.constant 8 : i32
        %mul3A_295 = arith.muli %shift_right_arithmetic3A_293, %mul3A_294 : i32
        %mul3A_296 = arith.constant 21 : i32
        %mul3A_297 = arith.muli %select_n3A_36, %mul3A_296 : i32
        %add3A_298 = arith.constant 1 : i32
        %add3A_299 = arith.addi %mul3A_297, %add3A_298 : i32
        %add3A_300 = arith.constant 10 : i32
        %add3A_301 = arith.addi %add3A_299, %add3A_300 : i32
        %mul3A_302 = arith.constant 8 : i32
        %mul3A_303 = arith.muli %add3A_301, %mul3A_302 : i32
        %dma_start3A_304 = arith.constant 0 : i32
        %dma_start3A_305 = tpu.memref_slice %arg10[%mul3A_303, %dma_start3A_304] : memref<504x64xf32, #tpu.memory_space<vmem>> -> memref<8x64xf32, #tpu.memory_space<vmem>>
        %dma_start3A_306 = arith.constant 0 : i32
        %dma_start3A_307 = tpu.memref_slice %arg4[%mul3A_295, %dma_start3A_306] : memref<2495767x64xf32, #tpu.memory_space<hbm>> -> memref<8x64xf32, #tpu.memory_space<hbm>>
        %dma_start3A_308 = arith.constant 0 : i32
        %dma_start3A_309 = tpu.memref_slice %arg10[%mul3A_303, %dma_start3A_308] : memref<504x64xf32, #tpu.memory_space<vmem>> -> memref<8x64xf32, #tpu.memory_space<vmem>>
        %dma_start3A_310 = arith.constant 0 : i32
        %dma_start3A_311 = tpu.memref_slice %arg4[%mul3A_295, %dma_start3A_310] : memref<2495767x64xf32, #tpu.memory_space<hbm>> -> memref<8x64xf32, #tpu.memory_space<hbm>>
        tpu.enqueue_dma source(%dma_start3A_311 : memref<8x64xf32, #tpu.memory_space<hbm>>) target(%dma_start3A_309 : memref<8x64xf32, #tpu.memory_space<vmem>>) target_semaphore(%arg13 : memref<!tpu.dma_semaphore, #tpu.memory_space<semaphore_mem>>)
        %slice3A_312 = vector.extract_strided_slice %get3A_60 {offsets = [11], sizes = [1], strides = [1]} : vector<16xi32> to vector<1xi32>
        %squeeze3A_313 = vector.extract %slice3A_312[0] : i32 from vector<1xi32>
        %shift_right_arithmetic3A_314 = arith.constant 3 : i32
        %shift_right_arithmetic3A_315 = arith.shrsi %squeeze3A_313, %shift_right_arithmetic3A_314 : i32
        %mul3A_316 = arith.constant 8 : i32
        %mul3A_317 = arith.muli %shift_right_arithmetic3A_315, %mul3A_316 : i32
        %mul3A_318 = arith.constant 21 : i32
        %mul3A_319 = arith.muli %select_n3A_36, %mul3A_318 : i32
        %add3A_320 = arith.constant 1 : i32
        %add3A_321 = arith.addi %mul3A_319, %add3A_320 : i32
        %add3A_322 = arith.constant 11 : i32
        %add3A_323 = arith.addi %add3A_321, %add3A_322 : i32
        %mul3A_324 = arith.constant 8 : i32
        %mul3A_325 = arith.muli %add3A_323, %mul3A_324 : i32
        %dma_start3A_326 = arith.constant 0 : i32
        %dma_start3A_327 = tpu.memref_slice %arg10[%mul3A_325, %dma_start3A_326] : memref<504x64xf32, #tpu.memory_space<vmem>> -> memref<8x64xf32, #tpu.memory_space<vmem>>
        %dma_start3A_328 = arith.constant 0 : i32
        %dma_start3A_329 = tpu.memref_slice %arg4[%mul3A_317, %dma_start3A_328] : memref<2495767x64xf32, #tpu.memory_space<hbm>> -> memref<8x64xf32, #tpu.memory_space<hbm>>
        %dma_start3A_330 = arith.constant 0 : i32
        %dma_start3A_331 = tpu.memref_slice %arg10[%mul3A_325, %dma_start3A_330] : memref<504x64xf32, #tpu.memory_space<vmem>> -> memref<8x64xf32, #tpu.memory_space<vmem>>
        %dma_start3A_332 = arith.constant 0 : i32
        %dma_start3A_333 = tpu.memref_slice %arg4[%mul3A_317, %dma_start3A_332] : memref<2495767x64xf32, #tpu.memory_space<hbm>> -> memref<8x64xf32, #tpu.memory_space<hbm>>
        tpu.enqueue_dma source(%dma_start3A_333 : memref<8x64xf32, #tpu.memory_space<hbm>>) target(%dma_start3A_331 : memref<8x64xf32, #tpu.memory_space<vmem>>) target_semaphore(%arg13 : memref<!tpu.dma_semaphore, #tpu.memory_space<semaphore_mem>>)
        %slice3A_334 = vector.extract_strided_slice %get3A_60 {offsets = [12], sizes = [1], strides = [1]} : vector<16xi32> to vector<1xi32>
        %squeeze3A_335 = vector.extract %slice3A_334[0] : i32 from vector<1xi32>
        %shift_right_arithmetic3A_336 = arith.constant 3 : i32
        %shift_right_arithmetic3A_337 = arith.shrsi %squeeze3A_335, %shift_right_arithmetic3A_336 : i32
        %mul3A_338 = arith.constant 8 : i32
        %mul3A_339 = arith.muli %shift_right_arithmetic3A_337, %mul3A_338 : i32
        %mul3A_340 = arith.constant 21 : i32
        %mul3A_341 = arith.muli %select_n3A_36, %mul3A_340 : i32
        %add3A_342 = arith.constant 1 : i32
        %add3A_343 = arith.addi %mul3A_341, %add3A_342 : i32
        %add3A_344 = arith.constant 12 : i32
        %add3A_345 = arith.addi %add3A_343, %add3A_344 : i32
        %mul3A_346 = arith.constant 8 : i32
        %mul3A_347 = arith.muli %add3A_345, %mul3A_346 : i32
        %dma_start3A_348 = arith.constant 0 : i32
        %dma_start3A_349 = tpu.memref_slice %arg10[%mul3A_347, %dma_start3A_348] : memref<504x64xf32, #tpu.memory_space<vmem>> -> memref<8x64xf32, #tpu.memory_space<vmem>>
        %dma_start3A_350 = arith.constant 0 : i32
        %dma_start3A_351 = tpu.memref_slice %arg4[%mul3A_339, %dma_start3A_350] : memref<2495767x64xf32, #tpu.memory_space<hbm>> -> memref<8x64xf32, #tpu.memory_space<hbm>>
        %dma_start3A_352 = arith.constant 0 : i32
        %dma_start3A_353 = tpu.memref_slice %arg10[%mul3A_347, %dma_start3A_352] : memref<504x64xf32, #tpu.memory_space<vmem>> -> memref<8x64xf32, #tpu.memory_space<vmem>>
        %dma_start3A_354 = arith.constant 0 : i32
        %dma_start3A_355 = tpu.memref_slice %arg4[%mul3A_339, %dma_start3A_354] : memref<2495767x64xf32, #tpu.memory_space<hbm>> -> memref<8x64xf32, #tpu.memory_space<hbm>>
        tpu.enqueue_dma source(%dma_start3A_355 : memref<8x64xf32, #tpu.memory_space<hbm>>) target(%dma_start3A_353 : memref<8x64xf32, #tpu.memory_space<vmem>>) target_semaphore(%arg13 : memref<!tpu.dma_semaphore, #tpu.memory_space<semaphore_mem>>)
        %slice3A_356 = vector.extract_strided_slice %get3A_60 {offsets = [13], sizes = [1], strides = [1]} : vector<16xi32> to vector<1xi32>
        %squeeze3A_357 = vector.extract %slice3A_356[0] : i32 from vector<1xi32>
        %shift_right_arithmetic3A_358 = arith.constant 3 : i32
        %shift_right_arithmetic3A_359 = arith.shrsi %squeeze3A_357, %shift_right_arithmetic3A_358 : i32
        %mul3A_360 = arith.constant 8 : i32
        %mul3A_361 = arith.muli %shift_right_arithmetic3A_359, %mul3A_360 : i32
        %mul3A_362 = arith.constant 21 : i32
        %mul3A_363 = arith.muli %select_n3A_36, %mul3A_362 : i32
        %add3A_364 = arith.constant 1 : i32
        %add3A_365 = arith.addi %mul3A_363, %add3A_364 : i32
        %add3A_366 = arith.constant 13 : i32
        %add3A_367 = arith.addi %add3A_365, %add3A_366 : i32
        %mul3A_368 = arith.constant 8 : i32
        %mul3A_369 = arith.muli %add3A_367, %mul3A_368 : i32
        %dma_start3A_370 = arith.constant 0 : i32
        %dma_start3A_371 = tpu.memref_slice %arg10[%mul3A_369, %dma_start3A_370] : memref<504x64xf32, #tpu.memory_space<vmem>> -> memref<8x64xf32, #tpu.memory_space<vmem>>
        %dma_start3A_372 = arith.constant 0 : i32
        %dma_start3A_373 = tpu.memref_slice %arg4[%mul3A_361, %dma_start3A_372] : memref<2495767x64xf32, #tpu.memory_space<hbm>> -> memref<8x64xf32, #tpu.memory_space<hbm>>
        %dma_start3A_374 = arith.constant 0 : i32
        %dma_start3A_375 = tpu.memref_slice %arg10[%mul3A_369, %dma_start3A_374] : memref<504x64xf32, #tpu.memory_space<vmem>> -> memref<8x64xf32, #tpu.memory_space<vmem>>
        %dma_start3A_376 = arith.constant 0 : i32
        %dma_start3A_377 = tpu.memref_slice %arg4[%mul3A_361, %dma_start3A_376] : memref<2495767x64xf32, #tpu.memory_space<hbm>> -> memref<8x64xf32, #tpu.memory_space<hbm>>
        tpu.enqueue_dma source(%dma_start3A_377 : memref<8x64xf32, #tpu.memory_space<hbm>>) target(%dma_start3A_375 : memref<8x64xf32, #tpu.memory_space<vmem>>) target_semaphore(%arg13 : memref<!tpu.dma_semaphore, #tpu.memory_space<semaphore_mem>>)
        %slice3A_378 = vector.extract_strided_slice %get3A_60 {offsets = [14], sizes = [1], strides = [1]} : vector<16xi32> to vector<1xi32>
        %squeeze3A_379 = vector.extract %slice3A_378[0] : i32 from vector<1xi32>
        %shift_right_arithmetic3A_380 = arith.constant 3 : i32
        %shift_right_arithmetic3A_381 = arith.shrsi %squeeze3A_379, %shift_right_arithmetic3A_380 : i32
        %mul3A_382 = arith.constant 8 : i32
        %mul3A_383 = arith.muli %shift_right_arithmetic3A_381, %mul3A_382 : i32
        %mul3A_384 = arith.constant 21 : i32
        %mul3A_385 = arith.muli %select_n3A_36, %mul3A_384 : i32
        %add3A_386 = arith.constant 1 : i32
        %add3A_387 = arith.addi %mul3A_385, %add3A_386 : i32
        %add3A_388 = arith.constant 14 : i32
        %add3A_389 = arith.addi %add3A_387, %add3A_388 : i32
        %mul3A_390 = arith.constant 8 : i32
        %mul3A_391 = arith.muli %add3A_389, %mul3A_390 : i32
        %dma_start3A_392 = arith.constant 0 : i32
        %dma_start3A_393 = tpu.memref_slice %arg10[%mul3A_391, %dma_start3A_392] : memref<504x64xf32, #tpu.memory_space<vmem>> -> memref<8x64xf32, #tpu.memory_space<vmem>>
        %dma_start3A_394 = arith.constant 0 : i32
        %dma_start3A_395 = tpu.memref_slice %arg4[%mul3A_383, %dma_start3A_394] : memref<2495767x64xf32, #tpu.memory_space<hbm>> -> memref<8x64xf32, #tpu.memory_space<hbm>>
        %dma_start3A_396 = arith.constant 0 : i32
        %dma_start3A_397 = tpu.memref_slice %arg10[%mul3A_391, %dma_start3A_396] : memref<504x64xf32, #tpu.memory_space<vmem>> -> memref<8x64xf32, #tpu.memory_space<vmem>>
        %dma_start3A_398 = arith.constant 0 : i32
        %dma_start3A_399 = tpu.memref_slice %arg4[%mul3A_383, %dma_start3A_398] : memref<2495767x64xf32, #tpu.memory_space<hbm>> -> memref<8x64xf32, #tpu.memory_space<hbm>>
        tpu.enqueue_dma source(%dma_start3A_399 : memref<8x64xf32, #tpu.memory_space<hbm>>) target(%dma_start3A_397 : memref<8x64xf32, #tpu.memory_space<vmem>>) target_semaphore(%arg13 : memref<!tpu.dma_semaphore, #tpu.memory_space<semaphore_mem>>)
        %slice3A_400 = vector.extract_strided_slice %get3A_60 {offsets = [15], sizes = [1], strides = [1]} : vector<16xi32> to vector<1xi32>
        %squeeze3A_401 = vector.extract %slice3A_400[0] : i32 from vector<1xi32>
        %shift_right_arithmetic3A_402 = arith.constant 3 : i32
        %shift_right_arithmetic3A_403 = arith.shrsi %squeeze3A_401, %shift_right_arithmetic3A_402 : i32
        %mul3A_404 = arith.constant 8 : i32
        %mul3A_405 = arith.muli %shift_right_arithmetic3A_403, %mul3A_404 : i32
        %mul3A_406 = arith.constant 21 : i32
        %mul3A_407 = arith.muli %select_n3A_36, %mul3A_406 : i32
        %add3A_408 = arith.constant 1 : i32
        %add3A_409 = arith.addi %mul3A_407, %add3A_408 : i32
        %add3A_410 = arith.constant 15 : i32
        %add3A_411 = arith.addi %add3A_409, %add3A_410 : i32
        %mul3A_412 = arith.constant 8 : i32
        %mul3A_413 = arith.muli %add3A_411, %mul3A_412 : i32
        %dma_start3A_414 = arith.constant 0 : i32
        %dma_start3A_415 = tpu.memref_slice %arg10[%mul3A_413, %dma_start3A_414] : memref<504x64xf32, #tpu.memory_space<vmem>> -> memref<8x64xf32, #tpu.memory_space<vmem>>
        %dma_start3A_416 = arith.constant 0 : i32
        %dma_start3A_417 = tpu.memref_slice %arg4[%mul3A_405, %dma_start3A_416] : memref<2495767x64xf32, #tpu.memory_space<hbm>> -> memref<8x64xf32, #tpu.memory_space<hbm>>
        %dma_start3A_418 = arith.constant 0 : i32
        %dma_start3A_419 = tpu.memref_slice %arg10[%mul3A_413, %dma_start3A_418] : memref<504x64xf32, #tpu.memory_space<vmem>> -> memref<8x64xf32, #tpu.memory_space<vmem>>
        %dma_start3A_420 = arith.constant 0 : i32
        %dma_start3A_421 = tpu.memref_slice %arg4[%mul3A_405, %dma_start3A_420] : memref<2495767x64xf32, #tpu.memory_space<hbm>> -> memref<8x64xf32, #tpu.memory_space<hbm>>
        tpu.enqueue_dma source(%dma_start3A_421 : memref<8x64xf32, #tpu.memory_space<hbm>>) target(%dma_start3A_419 : memref<8x64xf32, #tpu.memory_space<vmem>>) target_semaphore(%arg13 : memref<!tpu.dma_semaphore, #tpu.memory_space<semaphore_mem>>)
        %slice3A_422 = vector.extract_strided_slice %get3A_71 {offsets = [0], sizes = [1], strides = [1]} : vector<16xi32> to vector<1xi32>
        %squeeze3A_423 = vector.extract %slice3A_422[0] : i32 from vector<1xi32>
        %shift_right_arithmetic3A_424 = arith.constant 3 : i32
        %shift_right_arithmetic3A_425 = arith.shrsi %squeeze3A_423, %shift_right_arithmetic3A_424 : i32
        %mul3A_426 = arith.constant 8 : i32
        %mul3A_427 = arith.muli %shift_right_arithmetic3A_425, %mul3A_426 : i32
        %mul3A_428 = arith.constant 21 : i32
        %mul3A_429 = arith.muli %select_n3A_36, %mul3A_428 : i32
        %add3A_430 = arith.constant 1 : i32
        %add3A_431 = arith.addi %mul3A_429, %add3A_430 : i32
        %add3A_432 = arith.constant 16 : i32
        %add3A_433 = arith.addi %add3A_431, %add3A_432 : i32
        %mul3A_434 = arith.constant 8 : i32
        %mul3A_435 = arith.muli %add3A_433, %mul3A_434 : i32
        %dma_start3A_436 = arith.constant 0 : i32
        %dma_start3A_437 = tpu.memref_slice %arg10[%mul3A_435, %dma_start3A_436] : memref<504x64xf32, #tpu.memory_space<vmem>> -> memref<8x64xf32, #tpu.memory_space<vmem>>
        %dma_start3A_438 = arith.constant 0 : i32
        %dma_start3A_439 = tpu.memref_slice %arg4[%mul3A_427, %dma_start3A_438] : memref<2495767x64xf32, #tpu.memory_space<hbm>> -> memref<8x64xf32, #tpu.memory_space<hbm>>
        %dma_start3A_440 = arith.constant 0 : i32
        %dma_start3A_441 = tpu.memref_slice %arg10[%mul3A_435, %dma_start3A_440] : memref<504x64xf32, #tpu.memory_space<vmem>> -> memref<8x64xf32, #tpu.memory_space<vmem>>
        %dma_start3A_442 = arith.constant 0 : i32
        %dma_start3A_443 = tpu.memref_slice %arg4[%mul3A_427, %dma_start3A_442] : memref<2495767x64xf32, #tpu.memory_space<hbm>> -> memref<8x64xf32, #tpu.memory_space<hbm>>
        tpu.enqueue_dma source(%dma_start3A_443 : memref<8x64xf32, #tpu.memory_space<hbm>>) target(%dma_start3A_441 : memref<8x64xf32, #tpu.memory_space<vmem>>) target_semaphore(%arg13 : memref<!tpu.dma_semaphore, #tpu.memory_space<semaphore_mem>>)
        %slice3A_444 = vector.extract_strided_slice %get3A_71 {offsets = [1], sizes = [1], strides = [1]} : vector<16xi32> to vector<1xi32>
        %squeeze3A_445 = vector.extract %slice3A_444[0] : i32 from vector<1xi32>
        %shift_right_arithmetic3A_446 = arith.constant 3 : i32
        %shift_right_arithmetic3A_447 = arith.shrsi %squeeze3A_445, %shift_right_arithmetic3A_446 : i32
        %mul3A_448 = arith.constant 8 : i32
        %mul3A_449 = arith.muli %shift_right_arithmetic3A_447, %mul3A_448 : i32
        %mul3A_450 = arith.constant 21 : i32
        %mul3A_451 = arith.muli %select_n3A_36, %mul3A_450 : i32
        %add3A_452 = arith.constant 1 : i32
        %add3A_453 = arith.addi %mul3A_451, %add3A_452 : i32
        %add3A_454 = arith.constant 17 : i32
        %add3A_455 = arith.addi %add3A_453, %add3A_454 : i32
        %mul3A_456 = arith.constant 8 : i32
        %mul3A_457 = arith.muli %add3A_455, %mul3A_456 : i32
        %dma_start3A_458 = arith.constant 0 : i32
        %dma_start3A_459 = tpu.memref_slice %arg10[%mul3A_457, %dma_start3A_458] : memref<504x64xf32, #tpu.memory_space<vmem>> -> memref<8x64xf32, #tpu.memory_space<vmem>>
        %dma_start3A_460 = arith.constant 0 : i32
        %dma_start3A_461 = tpu.memref_slice %arg4[%mul3A_449, %dma_start3A_460] : memref<2495767x64xf32, #tpu.memory_space<hbm>> -> memref<8x64xf32, #tpu.memory_space<hbm>>
        %dma_start3A_462 = arith.constant 0 : i32
        %dma_start3A_463 = tpu.memref_slice %arg10[%mul3A_457, %dma_start3A_462] : memref<504x64xf32, #tpu.memory_space<vmem>> -> memref<8x64xf32, #tpu.memory_space<vmem>>
        %dma_start3A_464 = arith.constant 0 : i32
        %dma_start3A_465 = tpu.memref_slice %arg4[%mul3A_449, %dma_start3A_464] : memref<2495767x64xf32, #tpu.memory_space<hbm>> -> memref<8x64xf32, #tpu.memory_space<hbm>>
        tpu.enqueue_dma source(%dma_start3A_465 : memref<8x64xf32, #tpu.memory_space<hbm>>) target(%dma_start3A_463 : memref<8x64xf32, #tpu.memory_space<vmem>>) target_semaphore(%arg13 : memref<!tpu.dma_semaphore, #tpu.memory_space<semaphore_mem>>)
        %slice3A_466 = vector.extract_strided_slice %get3A_71 {offsets = [2], sizes = [1], strides = [1]} : vector<16xi32> to vector<1xi32>
        %squeeze3A_467 = vector.extract %slice3A_466[0] : i32 from vector<1xi32>
        %shift_right_arithmetic3A_468 = arith.constant 3 : i32
        %shift_right_arithmetic3A_469 = arith.shrsi %squeeze3A_467, %shift_right_arithmetic3A_468 : i32
        %mul3A_470 = arith.constant 8 : i32
        %mul3A_471 = arith.muli %shift_right_arithmetic3A_469, %mul3A_470 : i32
        %mul3A_472 = arith.constant 21 : i32
        %mul3A_473 = arith.muli %select_n3A_36, %mul3A_472 : i32
        %add3A_474 = arith.constant 1 : i32
        %add3A_475 = arith.addi %mul3A_473, %add3A_474 : i32
        %add3A_476 = arith.constant 18 : i32
        %add3A_477 = arith.addi %add3A_475, %add3A_476 : i32
        %mul3A_478 = arith.constant 8 : i32
        %mul3A_479 = arith.muli %add3A_477, %mul3A_478 : i32
        %dma_start3A_480 = arith.constant 0 : i32
        %dma_start3A_481 = tpu.memref_slice %arg10[%mul3A_479, %dma_start3A_480] : memref<504x64xf32, #tpu.memory_space<vmem>> -> memref<8x64xf32, #tpu.memory_space<vmem>>
        %dma_start3A_482 = arith.constant 0 : i32
        %dma_start3A_483 = tpu.memref_slice %arg4[%mul3A_471, %dma_start3A_482] : memref<2495767x64xf32, #tpu.memory_space<hbm>> -> memref<8x64xf32, #tpu.memory_space<hbm>>
        %dma_start3A_484 = arith.constant 0 : i32
        %dma_start3A_485 = tpu.memref_slice %arg10[%mul3A_479, %dma_start3A_484] : memref<504x64xf32, #tpu.memory_space<vmem>> -> memref<8x64xf32, #tpu.memory_space<vmem>>
        %dma_start3A_486 = arith.constant 0 : i32
        %dma_start3A_487 = tpu.memref_slice %arg4[%mul3A_471, %dma_start3A_486] : memref<2495767x64xf32, #tpu.memory_space<hbm>> -> memref<8x64xf32, #tpu.memory_space<hbm>>
        tpu.enqueue_dma source(%dma_start3A_487 : memref<8x64xf32, #tpu.memory_space<hbm>>) target(%dma_start3A_485 : memref<8x64xf32, #tpu.memory_space<vmem>>) target_semaphore(%arg13 : memref<!tpu.dma_semaphore, #tpu.memory_space<semaphore_mem>>)
        %slice3A_488 = vector.extract_strided_slice %get3A_71 {offsets = [3], sizes = [1], strides = [1]} : vector<16xi32> to vector<1xi32>
        %squeeze3A_489 = vector.extract %slice3A_488[0] : i32 from vector<1xi32>
        %shift_right_arithmetic3A_490 = arith.constant 3 : i32
        %shift_right_arithmetic3A_491 = arith.shrsi %squeeze3A_489, %shift_right_arithmetic3A_490 : i32
        %mul3A_492 = arith.constant 8 : i32
        %mul3A_493 = arith.muli %shift_right_arithmetic3A_491, %mul3A_492 : i32
        %mul3A_494 = arith.constant 21 : i32
        %mul3A_495 = arith.muli %select_n3A_36, %mul3A_494 : i32
        %add3A_496 = arith.constant 1 : i32
        %add3A_497 = arith.addi %mul3A_495, %add3A_496 : i32
        %add3A_498 = arith.constant 19 : i32
        %add3A_499 = arith.addi %add3A_497, %add3A_498 : i32
        %mul3A_500 = arith.constant 8 : i32
        %mul3A_501 = arith.muli %add3A_499, %mul3A_500 : i32
        %dma_start3A_502 = arith.constant 0 : i32
        %dma_start3A_503 = tpu.memref_slice %arg10[%mul3A_501, %dma_start3A_502] : memref<504x64xf32, #tpu.memory_space<vmem>> -> memref<8x64xf32, #tpu.memory_space<vmem>>
        %dma_start3A_504 = arith.constant 0 : i32
        %dma_start3A_505 = tpu.memref_slice %arg4[%mul3A_493, %dma_start3A_504] : memref<2495767x64xf32, #tpu.memory_space<hbm>> -> memref<8x64xf32, #tpu.memory_space<hbm>>
        %dma_start3A_506 = arith.constant 0 : i32
        %dma_start3A_507 = tpu.memref_slice %arg10[%mul3A_501, %dma_start3A_506] : memref<504x64xf32, #tpu.memory_space<vmem>> -> memref<8x64xf32, #tpu.memory_space<vmem>>
        %dma_start3A_508 = arith.constant 0 : i32
        %dma_start3A_509 = tpu.memref_slice %arg4[%mul3A_493, %dma_start3A_508] : memref<2495767x64xf32, #tpu.memory_space<hbm>> -> memref<8x64xf32, #tpu.memory_space<hbm>>
        tpu.enqueue_dma source(%dma_start3A_509 : memref<8x64xf32, #tpu.memory_space<hbm>>) target(%dma_start3A_507 : memref<8x64xf32, #tpu.memory_space<vmem>>) target_semaphore(%arg13 : memref<!tpu.dma_semaphore, #tpu.memory_space<semaphore_mem>>)
      } else {
      }
      %ge3A = arith.constant 2 : i32
      %ge3A_23 = arith.cmpi sge, %scan3A_20, %ge3A : i32
      %convert_element_type3A_24 = arith.extui %ge3A_23 : i1 to i32
      %cond3A_25 = arith.constant 0 : i32
      %cond3A_26 = arith.cmpi ne, %convert_element_type3A_24, %cond3A_25 : i32
      scf.if %cond3A_26 {
        %sub3A = arith.constant 2 : i32
        %sub3A_27 = arith.subi %scan3A_20, %sub3A : i32
        %jit3A = arith.constant 3 : i32
        %eq3A = arith.constant 0 : i32
        %eq3A_28 = arith.cmpi eq, %jit3A, %eq3A : i32
        %jit3A_29 = arith.constant 1 : i32
        %select_n3A = arith.select %eq3A_28, %jit3A_29, %jit3A : i32
        %rem3A = arith.remsi %sub3A_27, %select_n3A : i32
        %ne3A = arith.constant 0 : i32
        %ne3A_30 = arith.cmpi ne, %rem3A, %ne3A : i32
        %lt3A_31 = arith.constant 0 : i32
        %lt3A_32 = arith.cmpi slt, %rem3A, %lt3A_31 : i32
        %lt3A_33 = arith.constant 0 : i32
        %lt3A_34 = arith.cmpi slt, %select_n3A, %lt3A_33 : i32
        %ne3A_35 = arith.xori %lt3A_32, %lt3A_34 : i1
        %and3A = arith.andi %ne3A_35, %ne3A_30 : i1
        %add3A_36 = arith.addi %rem3A, %select_n3A : i32
        %select_n3A_37 = arith.select %and3A, %add3A_36, %rem3A : i32
        %dma_wait3A = arith.constant 0 : i32
        %dma_wait3A_38 = arith.constant 0 : i32
        %dma_wait3A_39 = tpu.memref_slice %arg10[%dma_wait3A, %dma_wait3A_38] : memref<504x64xf32, #tpu.memory_space<vmem>> -> memref<168x64xf32, #tpu.memory_space<vmem>>
        %dma_wait3A_40 = arith.constant 0 : i32
        %dma_wait3A_41 = arith.constant 0 : i32
        %dma_wait3A_42 = tpu.memref_slice %arg4[%dma_wait3A_40, %dma_wait3A_41] : memref<2495767x64xf32, #tpu.memory_space<hbm>> -> memref<168x64xf32, #tpu.memory_space<hbm>>
        %dma_wait3A_43 = arith.constant 0 : i32
        %dma_wait3A_44 = arith.constant 0 : i32
        %dma_wait3A_45 = tpu.memref_slice %arg10[%dma_wait3A_43, %dma_wait3A_44] : memref<504x64xf32, #tpu.memory_space<vmem>> -> memref<168x64xf32, #tpu.memory_space<vmem>>
        %dma_wait3A_46 = arith.constant 0 : i32
        %dma_wait3A_47 = arith.constant 0 : i32
        %dma_wait3A_48 = tpu.memref_slice %arg4[%dma_wait3A_46, %dma_wait3A_47] : memref<2495767x64xf32, #tpu.memory_space<hbm>> -> memref<168x64xf32, #tpu.memory_space<hbm>>
        tpu.wait_dma2 semaphore(%arg13 : memref<!tpu.dma_semaphore, #tpu.memory_space<semaphore_mem>>) src(%dma_wait3A_48 : memref<168x64xf32, #tpu.memory_space<hbm>>) dst(%dma_wait3A_45 : memref<168x64xf32, #tpu.memory_space<vmem>>)
        %mul3A_49 = arith.constant 64 : i32
        %mul3A_50 = arith.muli %sub3A_27, %mul3A_49 : i32
        %get3A = arith.index_cast %mul3A_50 : i32 to index
        %get3A_51 = tpu.vector_load %arg9[%get3A] {strides = array<i32>} : memref<32768xf32, #tpu.memory_space<vmem>>, vector<16xf32>,
        %mul3A_52 = arith.constant 64 : i32
        %mul3A_53 = arith.muli %sub3A_27, %mul3A_52 : i32
        %add3A_54 = arith.constant 16 : i32
        %add3A_55 = arith.addi %mul3A_53, %add3A_54 : i32
        %get3A_56 = arith.index_cast %add3A_55 : i32 to index
        %get3A_57 = tpu.vector_load %arg9[%get3A_56] {strides = array<i32>} : memref<32768xf32, #tpu.memory_space<vmem>>, vector<16xf32>,
        %mul3A_58 = arith.constant 64 : i32
        %mul3A_59 = arith.muli %sub3A_27, %mul3A_58 : i32
        %add3A_60 = arith.constant 32 : i32
        %add3A_61 = arith.addi %mul3A_59, %add3A_60 : i32
        %get3A_62 = arith.index_cast %add3A_61 : i32 to index
        %get3A_63 = tpu.vector_load %arg9[%get3A_62] {strides = array<i32>} : memref<32768xf32, #tpu.memory_space<vmem>>, vector<16xf32>,
        %mul3A_64 = arith.constant 64 : i32
        %mul3A_65 = arith.muli %sub3A_27, %mul3A_64 : i32
        %add3A_66 = arith.constant 48 : i32
        %add3A_67 = arith.addi %mul3A_65, %add3A_66 : i32
        %get3A_68 = arith.index_cast %add3A_67 : i32 to index
        %get3A_69 = tpu.vector_load %arg9[%get3A_68] {strides = array<i32>} : memref<32768xf32, #tpu.memory_space<vmem>>, vector<16xf32>,
        %shift_right_arithmetic3A = arith.constant 2 : i32
        %shift_right_arithmetic3A_70 = arith.shrsi %sub3A_27, %shift_right_arithmetic3A : i32
        %and3A_71 = arith.constant 3 : i32
        %and3A_72 = arith.andi %sub3A_27, %and3A_71 : i32
        %mul3A_73 = arith.constant 32 : i32
        %mul3A_74 = arith.muli %and3A_72, %mul3A_73 : i32
        %get3A_75 = arith.index_cast %shift_right_arithmetic3A_70 : i32 to index
        %get3A_76 = arith.index_cast %mul3A_74 : i32 to index
        %get3A_77 = tpu.vector_load %arg8[%get3A_75, %get3A_76] {strides = array<i32>} : memref<128x128xi32, #tpu.memory_space<vmem>>, vector<16xi32>,
        %shift_right_arithmetic3A_78 = arith.constant 2 : i32
        %shift_right_arithmetic3A_79 = arith.shrsi %sub3A_27, %shift_right_arithmetic3A_78 : i32
        %and3A_80 = arith.constant 3 : i32
        %and3A_81 = arith.andi %sub3A_27, %and3A_80 : i32
        %mul3A_82 = arith.constant 32 : i32
        %mul3A_83 = arith.muli %and3A_81, %mul3A_82 : i32
        %add3A_84 = arith.constant 16 : i32
        %add3A_85 = arith.addi %mul3A_83, %add3A_84 : i32
        %get3A_86 = arith.index_cast %shift_right_arithmetic3A_79 : i32 to index
        %get3A_87 = arith.index_cast %add3A_85 : i32 to index
        %get3A_88 = tpu.vector_load %arg8[%get3A_86, %get3A_87] {strides = array<i32>} : memref<128x128xi32, #tpu.memory_space<vmem>>, vector<16xi32>,
        %eq3A_89 = arith.constant 0 : i32
        %eq3A_90 = vector.broadcast %eq3A_89 : i32 to vector<16xi32>
        %eq3A_91 = arith.cmpi eq, %iota3A, %eq3A_90 : vector<16xi32>
        %get3A_92 = arith.index_cast %sub3A_27 : i32 to index
        %get3A_93 = memref.load %arg12[%get3A_92] : memref<512xi32, #tpu.memory_space<smem>>
        %mul3A_94 = arith.constant 21 : i32
        %mul3A_95 = arith.muli %select_n3A_37, %mul3A_94 : i32
        %add3A_96 = arith.constant 0 : i32
        %add3A_97 = arith.addi %mul3A_95, %add3A_96 : i32
        %mul3A_98 = arith.constant 8 : i32
        %mul3A_99 = arith.muli %add3A_97, %mul3A_98 : i32
        %and3A_100 = arith.constant 7 : i32
        %and3A_101 = arith.andi %get3A_93, %and3A_100 : i32
        %add3A_102 = arith.addi %mul3A_99, %and3A_101 : i32
        %get3A_103 = arith.index_cast %add3A_102 : i32 to index
        %get3A_104 = arith.constant 0 : index
        %get3A_105 = tpu.vector_load %arg10[%get3A_103, %get3A_104] {strides = array<i32>} : memref<504x64xf32, #tpu.memory_space<vmem>>, vector<16xf32>,
        %mul3A_106 = arith.mulf %get3A_51, %get3A_105 : vector<16xf32>
        %get3A_107 = arith.index_cast %add3A_102 : i32 to index
        %get3A_108 = arith.constant 16 : index
        %get3A_109 = tpu.vector_load %arg10[%get3A_107, %get3A_108] {strides = array<i32>} : memref<504x64xf32, #tpu.memory_space<vmem>>, vector<16xf32>,
        %mul3A_110 = arith.mulf %get3A_57, %get3A_109 : vector<16xf32>
        %add3A_111 = arith.addf %mul3A_106, %mul3A_110 : vector<16xf32>
        %get3A_112 = arith.index_cast %add3A_102 : i32 to index
        %get3A_113 = arith.constant 32 : index
        %get3A_114 = tpu.vector_load %arg10[%get3A_112, %get3A_113] {strides = array<i32>} : memref<504x64xf32, #tpu.memory_space<vmem>>, vector<16xf32>,
        %mul3A_115 = arith.mulf %get3A_63, %get3A_114 : vector<16xf32>
        %add3A_116 = arith.addf %add3A_111, %mul3A_115 : vector<16xf32>
        %get3A_117 = arith.index_cast %add3A_102 : i32 to index
        %get3A_118 = arith.constant 48 : index
        %get3A_119 = tpu.vector_load %arg10[%get3A_117, %get3A_118] {strides = array<i32>} : memref<504x64xf32, #tpu.memory_space<vmem>>, vector<16xf32>,
        %mul3A_120 = arith.mulf %get3A_69, %get3A_119 : vector<16xf32>
        %add3A_121 = arith.addf %add3A_116, %mul3A_120 : vector<16xf32>
        %reduce_sum3A = arith.constant true
        %reduce_sum3A_122 = vector.broadcast %reduce_sum3A : i1 to vector<16xi1>
        %reduce_sum3A_123 = tpu.scan <sum>, %add3A_121 masked %reduce_sum3A_122 : vector<16xf32>, vector<16xi1> -> vector<16xf32>
        %reduce_sum3A_124 = vector.extract %reduce_sum3A_123[15] : f32 from vector<16xf32>
        %jit3A_125 = arith.constant 0.000000e+00 : f32
        %broadcast_in_dim3A = vector.broadcast %reduce_sum3A_124 : f32 to vector<16xf32>
        %broadcast_in_dim3A_126 = vector.broadcast %jit3A_125 : f32 to vector<16xf32>
        %select_n3A_127 = arith.select %eq3A_91, %broadcast_in_dim3A, %broadcast_in_dim3A_126 : vector<16xi1>, vector<16xf32>
        %broadcast_in_dim3A_128 = arith.constant 0.000000e+00 : f32
        %broadcast_in_dim3A_129 = vector.broadcast %broadcast_in_dim3A_128 : f32 to vector<16xf32>
        %slice3A = vector.extract_strided_slice %get3A_77 {offsets = [0], sizes = [1], strides = [1]} : vector<16xi32> to vector<1xi32>
        %squeeze3A = vector.extract %slice3A[0] : i32 from vector<1xi32>
        %mul3A_130 = arith.constant 21 : i32
        %mul3A_131 = arith.muli %select_n3A_37, %mul3A_130 : i32
        %add3A_132 = arith.constant 1 : i32
        %add3A_133 = arith.addi %mul3A_131, %add3A_132 : i32
        %mul3A_134 = arith.constant 8 : i32
        %mul3A_135 = arith.muli %add3A_133, %mul3A_134 : i32
        %and3A_136 = arith.constant 7 : i32
        %and3A_137 = arith.andi %squeeze3A, %and3A_136 : i32
        %add3A_138 = arith.addi %mul3A_135, %and3A_137 : i32
        %get3A_139 = arith.index_cast %add3A_138 : i32 to index
        %get3A_140 = arith.constant 0 : index
        %get3A_141 = tpu.vector_load %arg10[%get3A_139, %get3A_140] {strides = array<i32>} : memref<504x64xf32, #tpu.memory_space<vmem>>, vector<16xf32>,
        %mul3A_142 = arith.mulf %get3A_51, %get3A_141 : vector<16xf32>
        %get3A_143 = arith.index_cast %add3A_138 : i32 to index
        %get3A_144 = arith.constant 16 : index
        %get3A_145 = tpu.vector_load %arg10[%get3A_143, %get3A_144] {strides = array<i32>} : memref<504x64xf32, #tpu.memory_space<vmem>>, vector<16xf32>,
        %mul3A_146 = arith.mulf %get3A_57, %get3A_145 : vector<16xf32>
        %add3A_147 = arith.addf %mul3A_142, %mul3A_146 : vector<16xf32>
        %get3A_148 = arith.index_cast %add3A_138 : i32 to index
        %get3A_149 = arith.constant 32 : index
        %get3A_150 = tpu.vector_load %arg10[%get3A_148, %get3A_149] {strides = array<i32>} : memref<504x64xf32, #tpu.memory_space<vmem>>, vector<16xf32>,
        %mul3A_151 = arith.mulf %get3A_63, %get3A_150 : vector<16xf32>
        %add3A_152 = arith.addf %add3A_147, %mul3A_151 : vector<16xf32>
        %get3A_153 = arith.index_cast %add3A_138 : i32 to index
        %get3A_154 = arith.constant 48 : index
        %get3A_155 = tpu.vector_load %arg10[%get3A_153, %get3A_154] {strides = array<i32>} : memref<504x64xf32, #tpu.memory_space<vmem>>, vector<16xf32>,
        %mul3A_156 = arith.mulf %get3A_69, %get3A_155 : vector<16xf32>
        %add3A_157 = arith.addf %add3A_152, %mul3A_156 : vector<16xf32>
        %reduce_sum3A_158 = arith.constant true
        %reduce_sum3A_159 = vector.broadcast %reduce_sum3A_158 : i1 to vector<16xi1>
        %reduce_sum3A_160 = tpu.scan <sum>, %add3A_157 masked %reduce_sum3A_159 : vector<16xf32>, vector<16xi1> -> vector<16xf32>
        %reduce_sum3A_161 = vector.extract %reduce_sum3A_160[15] : f32 from vector<16xf32>
        %neg3A = arith.constant 0.000000e+00 : f32
        %neg3A_162 = arith.subf %neg3A, %reduce_sum3A_161 : f32
        %eq3A_163 = arith.constant 1 : i32
        %eq3A_164 = vector.broadcast %eq3A_163 : i32 to vector<16xi32>
        %eq3A_165 = arith.cmpi eq, %iota3A, %eq3A_164 : vector<16xi32>
        %broadcast_in_dim3A_166 = vector.broadcast %neg3A_162 : f32 to vector<16xf32>
        %select_n3A_167 = arith.select %eq3A_165, %broadcast_in_dim3A_166, %select_n3A_127 : vector<16xi1>, vector<16xf32>
        %slice3A_168 = vector.extract_strided_slice %get3A_77 {offsets = [1], sizes = [1], strides = [1]} : vector<16xi32> to vector<1xi32>
        %squeeze3A_169 = vector.extract %slice3A_168[0] : i32 from vector<1xi32>
        %mul3A_170 = arith.constant 21 : i32
        %mul3A_171 = arith.muli %select_n3A_37, %mul3A_170 : i32
        %add3A_172 = arith.constant 2 : i32
        %add3A_173 = arith.addi %mul3A_171, %add3A_172 : i32
        %mul3A_174 = arith.constant 8 : i32
        %mul3A_175 = arith.muli %add3A_173, %mul3A_174 : i32
        %and3A_176 = arith.constant 7 : i32
        %and3A_177 = arith.andi %squeeze3A_169, %and3A_176 : i32
        %add3A_178 = arith.addi %mul3A_175, %and3A_177 : i32
        %get3A_179 = arith.index_cast %add3A_178 : i32 to index
        %get3A_180 = arith.constant 0 : index
        %get3A_181 = tpu.vector_load %arg10[%get3A_179, %get3A_180] {strides = array<i32>} : memref<504x64xf32, #tpu.memory_space<vmem>>, vector<16xf32>,
        %mul3A_182 = arith.mulf %get3A_51, %get3A_181 : vector<16xf32>
        %get3A_183 = arith.index_cast %add3A_178 : i32 to index
        %get3A_184 = arith.constant 16 : index
        %get3A_185 = tpu.vector_load %arg10[%get3A_183, %get3A_184] {strides = array<i32>} : memref<504x64xf32, #tpu.memory_space<vmem>>, vector<16xf32>,
        %mul3A_186 = arith.mulf %get3A_57, %get3A_185 : vector<16xf32>
        %add3A_187 = arith.addf %mul3A_182, %mul3A_186 : vector<16xf32>
        %get3A_188 = arith.index_cast %add3A_178 : i32 to index
        %get3A_189 = arith.constant 32 : index
        %get3A_190 = tpu.vector_load %arg10[%get3A_188, %get3A_189] {strides = array<i32>} : memref<504x64xf32, #tpu.memory_space<vmem>>, vector<16xf32>,
        %mul3A_191 = arith.mulf %get3A_63, %get3A_190 : vector<16xf32>
        %add3A_192 = arith.addf %add3A_187, %mul3A_191 : vector<16xf32>
        %get3A_193 = arith.index_cast %add3A_178 : i32 to index
        %get3A_194 = arith.constant 48 : index
        %get3A_195 = tpu.vector_load %arg10[%get3A_193, %get3A_194] {strides = array<i32>} : memref<504x64xf32, #tpu.memory_space<vmem>>, vector<16xf32>,
        %mul3A_196 = arith.mulf %get3A_69, %get3A_195 : vector<16xf32>
        %add3A_197 = arith.addf %add3A_192, %mul3A_196 : vector<16xf32>
        %reduce_sum3A_198 = arith.constant true
        %reduce_sum3A_199 = vector.broadcast %reduce_sum3A_198 : i1 to vector<16xi1>
        %reduce_sum3A_200 = tpu.scan <sum>, %add3A_197 masked %reduce_sum3A_199 : vector<16xf32>, vector<16xi1> -> vector<16xf32>
        %reduce_sum3A_201 = vector.extract %reduce_sum3A_200[15] : f32 from vector<16xf32>
        %neg3A_202 = arith.constant 0.000000e+00 : f32
        %neg3A_203 = arith.subf %neg3A_202, %reduce_sum3A_201 : f32
        %eq3A_204 = arith.constant 2 : i32
        %eq3A_205 = vector.broadcast %eq3A_204 : i32 to vector<16xi32>
        %eq3A_206 = arith.cmpi eq, %iota3A, %eq3A_205 : vector<16xi32>
        %broadcast_in_dim3A_207 = vector.broadcast %neg3A_203 : f32 to vector<16xf32>
        %select_n3A_208 = arith.select %eq3A_206, %broadcast_in_dim3A_207, %select_n3A_167 : vector<16xi1>, vector<16xf32>
        %slice3A_209 = vector.extract_strided_slice %get3A_77 {offsets = [2], sizes = [1], strides = [1]} : vector<16xi32> to vector<1xi32>
        %squeeze3A_210 = vector.extract %slice3A_209[0] : i32 from vector<1xi32>
        %mul3A_211 = arith.constant 21 : i32
        %mul3A_212 = arith.muli %select_n3A_37, %mul3A_211 : i32
        %add3A_213 = arith.constant 3 : i32
        %add3A_214 = arith.addi %mul3A_212, %add3A_213 : i32
        %mul3A_215 = arith.constant 8 : i32
        %mul3A_216 = arith.muli %add3A_214, %mul3A_215 : i32
        %and3A_217 = arith.constant 7 : i32
        %and3A_218 = arith.andi %squeeze3A_210, %and3A_217 : i32
        %add3A_219 = arith.addi %mul3A_216, %and3A_218 : i32
        %get3A_220 = arith.index_cast %add3A_219 : i32 to index
        %get3A_221 = arith.constant 0 : index
        %get3A_222 = tpu.vector_load %arg10[%get3A_220, %get3A_221] {strides = array<i32>} : memref<504x64xf32, #tpu.memory_space<vmem>>, vector<16xf32>,
        %mul3A_223 = arith.mulf %get3A_51, %get3A_222 : vector<16xf32>
        %get3A_224 = arith.index_cast %add3A_219 : i32 to index
        %get3A_225 = arith.constant 16 : index
        %get3A_226 = tpu.vector_load %arg10[%get3A_224, %get3A_225] {strides = array<i32>} : memref<504x64xf32, #tpu.memory_space<vmem>>, vector<16xf32>,
        %mul3A_227 = arith.mulf %get3A_57, %get3A_226 : vector<16xf32>
        %add3A_228 = arith.addf %mul3A_223, %mul3A_227 : vector<16xf32>
        %get3A_229 = arith.index_cast %add3A_219 : i32 to index
        %get3A_230 = arith.constant 32 : index
        %get3A_231 = tpu.vector_load %arg10[%get3A_229, %get3A_230] {strides = array<i32>} : memref<504x64xf32, #tpu.memory_space<vmem>>, vector<16xf32>,
        %mul3A_232 = arith.mulf %get3A_63, %get3A_231 : vector<16xf32>
        %add3A_233 = arith.addf %add3A_228, %mul3A_232 : vector<16xf32>
        %get3A_234 = arith.index_cast %add3A_219 : i32 to index
        %get3A_235 = arith.constant 48 : index
        %get3A_236 = tpu.vector_load %arg10[%get3A_234, %get3A_235] {strides = array<i32>} : memref<504x64xf32, #tpu.memory_space<vmem>>, vector<16xf32>,
        %mul3A_237 = arith.mulf %get3A_69, %get3A_236 : vector<16xf32>
        %add3A_238 = arith.addf %add3A_233, %mul3A_237 : vector<16xf32>
        %reduce_sum3A_239 = arith.constant true
        %reduce_sum3A_240 = vector.broadcast %reduce_sum3A_239 : i1 to vector<16xi1>
        %reduce_sum3A_241 = tpu.scan <sum>, %add3A_238 masked %reduce_sum3A_240 : vector<16xf32>, vector<16xi1> -> vector<16xf32>
        %reduce_sum3A_242 = vector.extract %reduce_sum3A_241[15] : f32 from vector<16xf32>
        %neg3A_243 = arith.constant 0.000000e+00 : f32
        %neg3A_244 = arith.subf %neg3A_243, %reduce_sum3A_242 : f32
        %eq3A_245 = arith.constant 3 : i32
        %eq3A_246 = vector.broadcast %eq3A_245 : i32 to vector<16xi32>
        %eq3A_247 = arith.cmpi eq, %iota3A, %eq3A_246 : vector<16xi32>
        %broadcast_in_dim3A_248 = vector.broadcast %neg3A_244 : f32 to vector<16xf32>
        %select_n3A_249 = arith.select %eq3A_247, %broadcast_in_dim3A_248, %select_n3A_208 : vector<16xi1>, vector<16xf32>
        %slice3A_250 = vector.extract_strided_slice %get3A_77 {offsets = [3], sizes = [1], strides = [1]} : vector<16xi32> to vector<1xi32>
        %squeeze3A_251 = vector.extract %slice3A_250[0] : i32 from vector<1xi32>
        %mul3A_252 = arith.constant 21 : i32
        %mul3A_253 = arith.muli %select_n3A_37, %mul3A_252 : i32
        %add3A_254 = arith.constant 4 : i32
        %add3A_255 = arith.addi %mul3A_253, %add3A_254 : i32
        %mul3A_256 = arith.constant 8 : i32
        %mul3A_257 = arith.muli %add3A_255, %mul3A_256 : i32
        %and3A_258 = arith.constant 7 : i32
        %and3A_259 = arith.andi %squeeze3A_251, %and3A_258 : i32
        %add3A_260 = arith.addi %mul3A_257, %and3A_259 : i32
        %get3A_261 = arith.index_cast %add3A_260 : i32 to index
        %get3A_262 = arith.constant 0 : index
        %get3A_263 = tpu.vector_load %arg10[%get3A_261, %get3A_262] {strides = array<i32>} : memref<504x64xf32, #tpu.memory_space<vmem>>, vector<16xf32>,
        %mul3A_264 = arith.mulf %get3A_51, %get3A_263 : vector<16xf32>
        %get3A_265 = arith.index_cast %add3A_260 : i32 to index
        %get3A_266 = arith.constant 16 : index
        %get3A_267 = tpu.vector_load %arg10[%get3A_265, %get3A_266] {strides = array<i32>} : memref<504x64xf32, #tpu.memory_space<vmem>>, vector<16xf32>,
        %mul3A_268 = arith.mulf %get3A_57, %get3A_267 : vector<16xf32>
        %add3A_269 = arith.addf %mul3A_264, %mul3A_268 : vector<16xf32>
        %get3A_270 = arith.index_cast %add3A_260 : i32 to index
        %get3A_271 = arith.constant 32 : index
        %get3A_272 = tpu.vector_load %arg10[%get3A_270, %get3A_271] {strides = array<i32>} : memref<504x64xf32, #tpu.memory_space<vmem>>, vector<16xf32>,
        %mul3A_273 = arith.mulf %get3A_63, %get3A_272 : vector<16xf32>
        %add3A_274 = arith.addf %add3A_269, %mul3A_273 : vector<16xf32>
        %get3A_275 = arith.index_cast %add3A_260 : i32 to index
        %get3A_276 = arith.constant 48 : index
        %get3A_277 = tpu.vector_load %arg10[%get3A_275, %get3A_276] {strides = array<i32>} : memref<504x64xf32, #tpu.memory_space<vmem>>, vector<16xf32>,
        %mul3A_278 = arith.mulf %get3A_69, %get3A_277 : vector<16xf32>
        %add3A_279 = arith.addf %add3A_274, %mul3A_278 : vector<16xf32>
        %reduce_sum3A_280 = arith.constant true
        %reduce_sum3A_281 = vector.broadcast %reduce_sum3A_280 : i1 to vector<16xi1>
        %reduce_sum3A_282 = tpu.scan <sum>, %add3A_279 masked %reduce_sum3A_281 : vector<16xf32>, vector<16xi1> -> vector<16xf32>
        %reduce_sum3A_283 = vector.extract %reduce_sum3A_282[15] : f32 from vector<16xf32>
        %neg3A_284 = arith.constant 0.000000e+00 : f32
        %neg3A_285 = arith.subf %neg3A_284, %reduce_sum3A_283 : f32
        %eq3A_286 = arith.constant 4 : i32
        %eq3A_287 = vector.broadcast %eq3A_286 : i32 to vector<16xi32>
        %eq3A_288 = arith.cmpi eq, %iota3A, %eq3A_287 : vector<16xi32>
        %broadcast_in_dim3A_289 = vector.broadcast %neg3A_285 : f32 to vector<16xf32>
        %select_n3A_290 = arith.select %eq3A_288, %broadcast_in_dim3A_289, %select_n3A_249 : vector<16xi1>, vector<16xf32>
        %slice3A_291 = vector.extract_strided_slice %get3A_77 {offsets = [4], sizes = [1], strides = [1]} : vector<16xi32> to vector<1xi32>
        %squeeze3A_292 = vector.extract %slice3A_291[0] : i32 from vector<1xi32>
        %mul3A_293 = arith.constant 21 : i32
        %mul3A_294 = arith.muli %select_n3A_37, %mul3A_293 : i32
        %add3A_295 = arith.constant 5 : i32
        %add3A_296 = arith.addi %mul3A_294, %add3A_295 : i32
        %mul3A_297 = arith.constant 8 : i32
        %mul3A_298 = arith.muli %add3A_296, %mul3A_297 : i32
        %and3A_299 = arith.constant 7 : i32
        %and3A_300 = arith.andi %squeeze3A_292, %and3A_299 : i32
        %add3A_301 = arith.addi %mul3A_298, %and3A_300 : i32
        %get3A_302 = arith.index_cast %add3A_301 : i32 to index
        %get3A_303 = arith.constant 0 : index
        %get3A_304 = tpu.vector_load %arg10[%get3A_302, %get3A_303] {strides = array<i32>} : memref<504x64xf32, #tpu.memory_space<vmem>>, vector<16xf32>,
        %mul3A_305 = arith.mulf %get3A_51, %get3A_304 : vector<16xf32>
        %get3A_306 = arith.index_cast %add3A_301 : i32 to index
        %get3A_307 = arith.constant 16 : index
        %get3A_308 = tpu.vector_load %arg10[%get3A_306, %get3A_307] {strides = array<i32>} : memref<504x64xf32, #tpu.memory_space<vmem>>, vector<16xf32>,
        %mul3A_309 = arith.mulf %get3A_57, %get3A_308 : vector<16xf32>
        %add3A_310 = arith.addf %mul3A_305, %mul3A_309 : vector<16xf32>
        %get3A_311 = arith.index_cast %add3A_301 : i32 to index
        %get3A_312 = arith.constant 32 : index
        %get3A_313 = tpu.vector_load %arg10[%get3A_311, %get3A_312] {strides = array<i32>} : memref<504x64xf32, #tpu.memory_space<vmem>>, vector<16xf32>,
        %mul3A_314 = arith.mulf %get3A_63, %get3A_313 : vector<16xf32>
        %add3A_315 = arith.addf %add3A_310, %mul3A_314 : vector<16xf32>
        %get3A_316 = arith.index_cast %add3A_301 : i32 to index
        %get3A_317 = arith.constant 48 : index
        %get3A_318 = tpu.vector_load %arg10[%get3A_316, %get3A_317] {strides = array<i32>} : memref<504x64xf32, #tpu.memory_space<vmem>>, vector<16xf32>,
        %mul3A_319 = arith.mulf %get3A_69, %get3A_318 : vector<16xf32>
        %add3A_320 = arith.addf %add3A_315, %mul3A_319 : vector<16xf32>
        %reduce_sum3A_321 = arith.constant true
        %reduce_sum3A_322 = vector.broadcast %reduce_sum3A_321 : i1 to vector<16xi1>
        %reduce_sum3A_323 = tpu.scan <sum>, %add3A_320 masked %reduce_sum3A_322 : vector<16xf32>, vector<16xi1> -> vector<16xf32>
        %reduce_sum3A_324 = vector.extract %reduce_sum3A_323[15] : f32 from vector<16xf32>
        %neg3A_325 = arith.constant 0.000000e+00 : f32
        %neg3A_326 = arith.subf %neg3A_325, %reduce_sum3A_324 : f32
        %eq3A_327 = arith.constant 5 : i32
        %eq3A_328 = vector.broadcast %eq3A_327 : i32 to vector<16xi32>
        %eq3A_329 = arith.cmpi eq, %iota3A, %eq3A_328 : vector<16xi32>
        %broadcast_in_dim3A_330 = vector.broadcast %neg3A_326 : f32 to vector<16xf32>
        %select_n3A_331 = arith.select %eq3A_329, %broadcast_in_dim3A_330, %select_n3A_290 : vector<16xi1>, vector<16xf32>
        %slice3A_332 = vector.extract_strided_slice %get3A_77 {offsets = [5], sizes = [1], strides = [1]} : vector<16xi32> to vector<1xi32>
        %squeeze3A_333 = vector.extract %slice3A_332[0] : i32 from vector<1xi32>
        %mul3A_334 = arith.constant 21 : i32
        %mul3A_335 = arith.muli %select_n3A_37, %mul3A_334 : i32
        %add3A_336 = arith.constant 6 : i32
        %add3A_337 = arith.addi %mul3A_335, %add3A_336 : i32
        %mul3A_338 = arith.constant 8 : i32
        %mul3A_339 = arith.muli %add3A_337, %mul3A_338 : i32
        %and3A_340 = arith.constant 7 : i32
        %and3A_341 = arith.andi %squeeze3A_333, %and3A_340 : i32
        %add3A_342 = arith.addi %mul3A_339, %and3A_341 : i32
        %get3A_343 = arith.index_cast %add3A_342 : i32 to index
        %get3A_344 = arith.constant 0 : index
        %get3A_345 = tpu.vector_load %arg10[%get3A_343, %get3A_344] {strides = array<i32>} : memref<504x64xf32, #tpu.memory_space<vmem>>, vector<16xf32>,
        %mul3A_346 = arith.mulf %get3A_51, %get3A_345 : vector<16xf32>
        %get3A_347 = arith.index_cast %add3A_342 : i32 to index
        %get3A_348 = arith.constant 16 : index
        %get3A_349 = tpu.vector_load %arg10[%get3A_347, %get3A_348] {strides = array<i32>} : memref<504x64xf32, #tpu.memory_space<vmem>>, vector<16xf32>,
        %mul3A_350 = arith.mulf %get3A_57, %get3A_349 : vector<16xf32>
        %add3A_351 = arith.addf %mul3A_346, %mul3A_350 : vector<16xf32>
        %get3A_352 = arith.index_cast %add3A_342 : i32 to index
        %get3A_353 = arith.constant 32 : index
        %get3A_354 = tpu.vector_load %arg10[%get3A_352, %get3A_353] {strides = array<i32>} : memref<504x64xf32, #tpu.memory_space<vmem>>, vector<16xf32>,
        %mul3A_355 = arith.mulf %get3A_63, %get3A_354 : vector<16xf32>
        %add3A_356 = arith.addf %add3A_351, %mul3A_355 : vector<16xf32>
        %get3A_357 = arith.index_cast %add3A_342 : i32 to index
        %get3A_358 = arith.constant 48 : index
        %get3A_359 = tpu.vector_load %arg10[%get3A_357, %get3A_358] {strides = array<i32>} : memref<504x64xf32, #tpu.memory_space<vmem>>, vector<16xf32>,
        %mul3A_360 = arith.mulf %get3A_69, %get3A_359 : vector<16xf32>
        %add3A_361 = arith.addf %add3A_356, %mul3A_360 : vector<16xf32>
        %reduce_sum3A_362 = arith.constant true
        %reduce_sum3A_363 = vector.broadcast %reduce_sum3A_362 : i1 to vector<16xi1>
        %reduce_sum3A_364 = tpu.scan <sum>, %add3A_361 masked %reduce_sum3A_363 : vector<16xf32>, vector<16xi1> -> vector<16xf32>
        %reduce_sum3A_365 = vector.extract %reduce_sum3A_364[15] : f32 from vector<16xf32>
        %neg3A_366 = arith.constant 0.000000e+00 : f32
        %neg3A_367 = arith.subf %neg3A_366, %reduce_sum3A_365 : f32
        %eq3A_368 = arith.constant 6 : i32
        %eq3A_369 = vector.broadcast %eq3A_368 : i32 to vector<16xi32>
        %eq3A_370 = arith.cmpi eq, %iota3A, %eq3A_369 : vector<16xi32>
        %broadcast_in_dim3A_371 = vector.broadcast %neg3A_367 : f32 to vector<16xf32>
        %select_n3A_372 = arith.select %eq3A_370, %broadcast_in_dim3A_371, %select_n3A_331 : vector<16xi1>, vector<16xf32>
        %slice3A_373 = vector.extract_strided_slice %get3A_77 {offsets = [6], sizes = [1], strides = [1]} : vector<16xi32> to vector<1xi32>
        %squeeze3A_374 = vector.extract %slice3A_373[0] : i32 from vector<1xi32>
        %mul3A_375 = arith.constant 21 : i32
        %mul3A_376 = arith.muli %select_n3A_37, %mul3A_375 : i32
        %add3A_377 = arith.constant 7 : i32
        %add3A_378 = arith.addi %mul3A_376, %add3A_377 : i32
        %mul3A_379 = arith.constant 8 : i32
        %mul3A_380 = arith.muli %add3A_378, %mul3A_379 : i32
        %and3A_381 = arith.constant 7 : i32
        %and3A_382 = arith.andi %squeeze3A_374, %and3A_381 : i32
        %add3A_383 = arith.addi %mul3A_380, %and3A_382 : i32
        %get3A_384 = arith.index_cast %add3A_383 : i32 to index
        %get3A_385 = arith.constant 0 : index
        %get3A_386 = tpu.vector_load %arg10[%get3A_384, %get3A_385] {strides = array<i32>} : memref<504x64xf32, #tpu.memory_space<vmem>>, vector<16xf32>,
        %mul3A_387 = arith.mulf %get3A_51, %get3A_386 : vector<16xf32>
        %get3A_388 = arith.index_cast %add3A_383 : i32 to index
        %get3A_389 = arith.constant 16 : index
        %get3A_390 = tpu.vector_load %arg10[%get3A_388, %get3A_389] {strides = array<i32>} : memref<504x64xf32, #tpu.memory_space<vmem>>, vector<16xf32>,
        %mul3A_391 = arith.mulf %get3A_57, %get3A_390 : vector<16xf32>
        %add3A_392 = arith.addf %mul3A_387, %mul3A_391 : vector<16xf32>
        %get3A_393 = arith.index_cast %add3A_383 : i32 to index
        %get3A_394 = arith.constant 32 : index
        %get3A_395 = tpu.vector_load %arg10[%get3A_393, %get3A_394] {strides = array<i32>} : memref<504x64xf32, #tpu.memory_space<vmem>>, vector<16xf32>,
        %mul3A_396 = arith.mulf %get3A_63, %get3A_395 : vector<16xf32>
        %add3A_397 = arith.addf %add3A_392, %mul3A_396 : vector<16xf32>
        %get3A_398 = arith.index_cast %add3A_383 : i32 to index
        %get3A_399 = arith.constant 48 : index
        %get3A_400 = tpu.vector_load %arg10[%get3A_398, %get3A_399] {strides = array<i32>} : memref<504x64xf32, #tpu.memory_space<vmem>>, vector<16xf32>,
        %mul3A_401 = arith.mulf %get3A_69, %get3A_400 : vector<16xf32>
        %add3A_402 = arith.addf %add3A_397, %mul3A_401 : vector<16xf32>
        %reduce_sum3A_403 = arith.constant true
        %reduce_sum3A_404 = vector.broadcast %reduce_sum3A_403 : i1 to vector<16xi1>
        %reduce_sum3A_405 = tpu.scan <sum>, %add3A_402 masked %reduce_sum3A_404 : vector<16xf32>, vector<16xi1> -> vector<16xf32>
        %reduce_sum3A_406 = vector.extract %reduce_sum3A_405[15] : f32 from vector<16xf32>
        %neg3A_407 = arith.constant 0.000000e+00 : f32
        %neg3A_408 = arith.subf %neg3A_407, %reduce_sum3A_406 : f32
        %eq3A_409 = arith.constant 7 : i32
        %eq3A_410 = vector.broadcast %eq3A_409 : i32 to vector<16xi32>
        %eq3A_411 = arith.cmpi eq, %iota3A, %eq3A_410 : vector<16xi32>
        %broadcast_in_dim3A_412 = vector.broadcast %neg3A_408 : f32 to vector<16xf32>
        %select_n3A_413 = arith.select %eq3A_411, %broadcast_in_dim3A_412, %select_n3A_372 : vector<16xi1>, vector<16xf32>
        %slice3A_414 = vector.extract_strided_slice %get3A_77 {offsets = [7], sizes = [1], strides = [1]} : vector<16xi32> to vector<1xi32>
        %squeeze3A_415 = vector.extract %slice3A_414[0] : i32 from vector<1xi32>
        %mul3A_416 = arith.constant 21 : i32
        %mul3A_417 = arith.muli %select_n3A_37, %mul3A_416 : i32
        %add3A_418 = arith.constant 8 : i32
        %add3A_419 = arith.addi %mul3A_417, %add3A_418 : i32
        %mul3A_420 = arith.constant 8 : i32
        %mul3A_421 = arith.muli %add3A_419, %mul3A_420 : i32
        %and3A_422 = arith.constant 7 : i32
        %and3A_423 = arith.andi %squeeze3A_415, %and3A_422 : i32
        %add3A_424 = arith.addi %mul3A_421, %and3A_423 : i32
        %get3A_425 = arith.index_cast %add3A_424 : i32 to index
        %get3A_426 = arith.constant 0 : index
        %get3A_427 = tpu.vector_load %arg10[%get3A_425, %get3A_426] {strides = array<i32>} : memref<504x64xf32, #tpu.memory_space<vmem>>, vector<16xf32>,
        %mul3A_428 = arith.mulf %get3A_51, %get3A_427 : vector<16xf32>
        %get3A_429 = arith.index_cast %add3A_424 : i32 to index
        %get3A_430 = arith.constant 16 : index
        %get3A_431 = tpu.vector_load %arg10[%get3A_429, %get3A_430] {strides = array<i32>} : memref<504x64xf32, #tpu.memory_space<vmem>>, vector<16xf32>,
        %mul3A_432 = arith.mulf %get3A_57, %get3A_431 : vector<16xf32>
        %add3A_433 = arith.addf %mul3A_428, %mul3A_432 : vector<16xf32>
        %get3A_434 = arith.index_cast %add3A_424 : i32 to index
        %get3A_435 = arith.constant 32 : index
        %get3A_436 = tpu.vector_load %arg10[%get3A_434, %get3A_435] {strides = array<i32>} : memref<504x64xf32, #tpu.memory_space<vmem>>, vector<16xf32>,
        %mul3A_437 = arith.mulf %get3A_63, %get3A_436 : vector<16xf32>
        %add3A_438 = arith.addf %add3A_433, %mul3A_437 : vector<16xf32>
        %get3A_439 = arith.index_cast %add3A_424 : i32 to index
        %get3A_440 = arith.constant 48 : index
        %get3A_441 = tpu.vector_load %arg10[%get3A_439, %get3A_440] {strides = array<i32>} : memref<504x64xf32, #tpu.memory_space<vmem>>, vector<16xf32>,
        %mul3A_442 = arith.mulf %get3A_69, %get3A_441 : vector<16xf32>
        %add3A_443 = arith.addf %add3A_438, %mul3A_442 : vector<16xf32>
        %reduce_sum3A_444 = arith.constant true
        %reduce_sum3A_445 = vector.broadcast %reduce_sum3A_444 : i1 to vector<16xi1>
        %reduce_sum3A_446 = tpu.scan <sum>, %add3A_443 masked %reduce_sum3A_445 : vector<16xf32>, vector<16xi1> -> vector<16xf32>
        %reduce_sum3A_447 = vector.extract %reduce_sum3A_446[15] : f32 from vector<16xf32>
        %neg3A_448 = arith.constant 0.000000e+00 : f32
        %neg3A_449 = arith.subf %neg3A_448, %reduce_sum3A_447 : f32
        %eq3A_450 = arith.constant 8 : i32
        %eq3A_451 = vector.broadcast %eq3A_450 : i32 to vector<16xi32>
        %eq3A_452 = arith.cmpi eq, %iota3A, %eq3A_451 : vector<16xi32>
        %broadcast_in_dim3A_453 = vector.broadcast %neg3A_449 : f32 to vector<16xf32>
        %select_n3A_454 = arith.select %eq3A_452, %broadcast_in_dim3A_453, %select_n3A_413 : vector<16xi1>, vector<16xf32>
        %slice3A_455 = vector.extract_strided_slice %get3A_77 {offsets = [8], sizes = [1], strides = [1]} : vector<16xi32> to vector<1xi32>
        %squeeze3A_456 = vector.extract %slice3A_455[0] : i32 from vector<1xi32>
        %mul3A_457 = arith.constant 21 : i32
        %mul3A_458 = arith.muli %select_n3A_37, %mul3A_457 : i32
        %add3A_459 = arith.constant 9 : i32
        %add3A_460 = arith.addi %mul3A_458, %add3A_459 : i32
        %mul3A_461 = arith.constant 8 : i32
        %mul3A_462 = arith.muli %add3A_460, %mul3A_461 : i32
        %and3A_463 = arith.constant 7 : i32
        %and3A_464 = arith.andi %squeeze3A_456, %and3A_463 : i32
        %add3A_465 = arith.addi %mul3A_462, %and3A_464 : i32
        %get3A_466 = arith.index_cast %add3A_465 : i32 to index
        %get3A_467 = arith.constant 0 : index
        %get3A_468 = tpu.vector_load %arg10[%get3A_466, %get3A_467] {strides = array<i32>} : memref<504x64xf32, #tpu.memory_space<vmem>>, vector<16xf32>,
        %mul3A_469 = arith.mulf %get3A_51, %get3A_468 : vector<16xf32>
        %get3A_470 = arith.index_cast %add3A_465 : i32 to index
        %get3A_471 = arith.constant 16 : index
        %get3A_472 = tpu.vector_load %arg10[%get3A_470, %get3A_471] {strides = array<i32>} : memref<504x64xf32, #tpu.memory_space<vmem>>, vector<16xf32>,
        %mul3A_473 = arith.mulf %get3A_57, %get3A_472 : vector<16xf32>
        %add3A_474 = arith.addf %mul3A_469, %mul3A_473 : vector<16xf32>
        %get3A_475 = arith.index_cast %add3A_465 : i32 to index
        %get3A_476 = arith.constant 32 : index
        %get3A_477 = tpu.vector_load %arg10[%get3A_475, %get3A_476] {strides = array<i32>} : memref<504x64xf32, #tpu.memory_space<vmem>>, vector<16xf32>,
        %mul3A_478 = arith.mulf %get3A_63, %get3A_477 : vector<16xf32>
        %add3A_479 = arith.addf %add3A_474, %mul3A_478 : vector<16xf32>
        %get3A_480 = arith.index_cast %add3A_465 : i32 to index
        %get3A_481 = arith.constant 48 : index
        %get3A_482 = tpu.vector_load %arg10[%get3A_480, %get3A_481] {strides = array<i32>} : memref<504x64xf32, #tpu.memory_space<vmem>>, vector<16xf32>,
        %mul3A_483 = arith.mulf %get3A_69, %get3A_482 : vector<16xf32>
        %add3A_484 = arith.addf %add3A_479, %mul3A_483 : vector<16xf32>
        %reduce_sum3A_485 = arith.constant true
        %reduce_sum3A_486 = vector.broadcast %reduce_sum3A_485 : i1 to vector<16xi1>
        %reduce_sum3A_487 = tpu.scan <sum>, %add3A_484 masked %reduce_sum3A_486 : vector<16xf32>, vector<16xi1> -> vector<16xf32>
        %reduce_sum3A_488 = vector.extract %reduce_sum3A_487[15] : f32 from vector<16xf32>
        %neg3A_489 = arith.constant 0.000000e+00 : f32
        %neg3A_490 = arith.subf %neg3A_489, %reduce_sum3A_488 : f32
        %eq3A_491 = arith.constant 9 : i32
        %eq3A_492 = vector.broadcast %eq3A_491 : i32 to vector<16xi32>
        %eq3A_493 = arith.cmpi eq, %iota3A, %eq3A_492 : vector<16xi32>
        %broadcast_in_dim3A_494 = vector.broadcast %neg3A_490 : f32 to vector<16xf32>
        %select_n3A_495 = arith.select %eq3A_493, %broadcast_in_dim3A_494, %select_n3A_454 : vector<16xi1>, vector<16xf32>
        %slice3A_496 = vector.extract_strided_slice %get3A_77 {offsets = [9], sizes = [1], strides = [1]} : vector<16xi32> to vector<1xi32>
        %squeeze3A_497 = vector.extract %slice3A_496[0] : i32 from vector<1xi32>
        %mul3A_498 = arith.constant 21 : i32
        %mul3A_499 = arith.muli %select_n3A_37, %mul3A_498 : i32
        %add3A_500 = arith.constant 10 : i32
        %add3A_501 = arith.addi %mul3A_499, %add3A_500 : i32
        %mul3A_502 = arith.constant 8 : i32
        %mul3A_503 = arith.muli %add3A_501, %mul3A_502 : i32
        %and3A_504 = arith.constant 7 : i32
        %and3A_505 = arith.andi %squeeze3A_497, %and3A_504 : i32
        %add3A_506 = arith.addi %mul3A_503, %and3A_505 : i32
        %get3A_507 = arith.index_cast %add3A_506 : i32 to index
        %get3A_508 = arith.constant 0 : index
        %get3A_509 = tpu.vector_load %arg10[%get3A_507, %get3A_508] {strides = array<i32>} : memref<504x64xf32, #tpu.memory_space<vmem>>, vector<16xf32>,
        %mul3A_510 = arith.mulf %get3A_51, %get3A_509 : vector<16xf32>
        %get3A_511 = arith.index_cast %add3A_506 : i32 to index
        %get3A_512 = arith.constant 16 : index
        %get3A_513 = tpu.vector_load %arg10[%get3A_511, %get3A_512] {strides = array<i32>} : memref<504x64xf32, #tpu.memory_space<vmem>>, vector<16xf32>,
        %mul3A_514 = arith.mulf %get3A_57, %get3A_513 : vector<16xf32>
        %add3A_515 = arith.addf %mul3A_510, %mul3A_514 : vector<16xf32>
        %get3A_516 = arith.index_cast %add3A_506 : i32 to index
        %get3A_517 = arith.constant 32 : index
        %get3A_518 = tpu.vector_load %arg10[%get3A_516, %get3A_517] {strides = array<i32>} : memref<504x64xf32, #tpu.memory_space<vmem>>, vector<16xf32>,
        %mul3A_519 = arith.mulf %get3A_63, %get3A_518 : vector<16xf32>
        %add3A_520 = arith.addf %add3A_515, %mul3A_519 : vector<16xf32>
        %get3A_521 = arith.index_cast %add3A_506 : i32 to index
        %get3A_522 = arith.constant 48 : index
        %get3A_523 = tpu.vector_load %arg10[%get3A_521, %get3A_522] {strides = array<i32>} : memref<504x64xf32, #tpu.memory_space<vmem>>, vector<16xf32>,
        %mul3A_524 = arith.mulf %get3A_69, %get3A_523 : vector<16xf32>
        %add3A_525 = arith.addf %add3A_520, %mul3A_524 : vector<16xf32>
        %reduce_sum3A_526 = arith.constant true
        %reduce_sum3A_527 = vector.broadcast %reduce_sum3A_526 : i1 to vector<16xi1>
        %reduce_sum3A_528 = tpu.scan <sum>, %add3A_525 masked %reduce_sum3A_527 : vector<16xf32>, vector<16xi1> -> vector<16xf32>
        %reduce_sum3A_529 = vector.extract %reduce_sum3A_528[15] : f32 from vector<16xf32>
        %neg3A_530 = arith.constant 0.000000e+00 : f32
        %neg3A_531 = arith.subf %neg3A_530, %reduce_sum3A_529 : f32
        %eq3A_532 = arith.constant 10 : i32
        %eq3A_533 = vector.broadcast %eq3A_532 : i32 to vector<16xi32>
        %eq3A_534 = arith.cmpi eq, %iota3A, %eq3A_533 : vector<16xi32>
        %broadcast_in_dim3A_535 = vector.broadcast %neg3A_531 : f32 to vector<16xf32>
        %select_n3A_536 = arith.select %eq3A_534, %broadcast_in_dim3A_535, %select_n3A_495 : vector<16xi1>, vector<16xf32>
        %slice3A_537 = vector.extract_strided_slice %get3A_77 {offsets = [10], sizes = [1], strides = [1]} : vector<16xi32> to vector<1xi32>
        %squeeze3A_538 = vector.extract %slice3A_537[0] : i32 from vector<1xi32>
        %mul3A_539 = arith.constant 21 : i32
        %mul3A_540 = arith.muli %select_n3A_37, %mul3A_539 : i32
        %add3A_541 = arith.constant 11 : i32
        %add3A_542 = arith.addi %mul3A_540, %add3A_541 : i32
        %mul3A_543 = arith.constant 8 : i32
        %mul3A_544 = arith.muli %add3A_542, %mul3A_543 : i32
        %and3A_545 = arith.constant 7 : i32
        %and3A_546 = arith.andi %squeeze3A_538, %and3A_545 : i32
        %add3A_547 = arith.addi %mul3A_544, %and3A_546 : i32
        %get3A_548 = arith.index_cast %add3A_547 : i32 to index
        %get3A_549 = arith.constant 0 : index
        %get3A_550 = tpu.vector_load %arg10[%get3A_548, %get3A_549] {strides = array<i32>} : memref<504x64xf32, #tpu.memory_space<vmem>>, vector<16xf32>,
        %mul3A_551 = arith.mulf %get3A_51, %get3A_550 : vector<16xf32>
        %get3A_552 = arith.index_cast %add3A_547 : i32 to index
        %get3A_553 = arith.constant 16 : index
        %get3A_554 = tpu.vector_load %arg10[%get3A_552, %get3A_553] {strides = array<i32>} : memref<504x64xf32, #tpu.memory_space<vmem>>, vector<16xf32>,
        %mul3A_555 = arith.mulf %get3A_57, %get3A_554 : vector<16xf32>
        %add3A_556 = arith.addf %mul3A_551, %mul3A_555 : vector<16xf32>
        %get3A_557 = arith.index_cast %add3A_547 : i32 to index
        %get3A_558 = arith.constant 32 : index
        %get3A_559 = tpu.vector_load %arg10[%get3A_557, %get3A_558] {strides = array<i32>} : memref<504x64xf32, #tpu.memory_space<vmem>>, vector<16xf32>,
        %mul3A_560 = arith.mulf %get3A_63, %get3A_559 : vector<16xf32>
        %add3A_561 = arith.addf %add3A_556, %mul3A_560 : vector<16xf32>
        %get3A_562 = arith.index_cast %add3A_547 : i32 to index
        %get3A_563 = arith.constant 48 : index
        %get3A_564 = tpu.vector_load %arg10[%get3A_562, %get3A_563] {strides = array<i32>} : memref<504x64xf32, #tpu.memory_space<vmem>>, vector<16xf32>,
        %mul3A_565 = arith.mulf %get3A_69, %get3A_564 : vector<16xf32>
        %add3A_566 = arith.addf %add3A_561, %mul3A_565 : vector<16xf32>
        %reduce_sum3A_567 = arith.constant true
        %reduce_sum3A_568 = vector.broadcast %reduce_sum3A_567 : i1 to vector<16xi1>
        %reduce_sum3A_569 = tpu.scan <sum>, %add3A_566 masked %reduce_sum3A_568 : vector<16xf32>, vector<16xi1> -> vector<16xf32>
        %reduce_sum3A_570 = vector.extract %reduce_sum3A_569[15] : f32 from vector<16xf32>
        %neg3A_571 = arith.constant 0.000000e+00 : f32
        %neg3A_572 = arith.subf %neg3A_571, %reduce_sum3A_570 : f32
        %eq3A_573 = arith.constant 11 : i32
        %eq3A_574 = vector.broadcast %eq3A_573 : i32 to vector<16xi32>
        %eq3A_575 = arith.cmpi eq, %iota3A, %eq3A_574 : vector<16xi32>
        %broadcast_in_dim3A_576 = vector.broadcast %neg3A_572 : f32 to vector<16xf32>
        %select_n3A_577 = arith.select %eq3A_575, %broadcast_in_dim3A_576, %select_n3A_536 : vector<16xi1>, vector<16xf32>
        %slice3A_578 = vector.extract_strided_slice %get3A_77 {offsets = [11], sizes = [1], strides = [1]} : vector<16xi32> to vector<1xi32>
        %squeeze3A_579 = vector.extract %slice3A_578[0] : i32 from vector<1xi32>
        %mul3A_580 = arith.constant 21 : i32
        %mul3A_581 = arith.muli %select_n3A_37, %mul3A_580 : i32
        %add3A_582 = arith.constant 12 : i32
        %add3A_583 = arith.addi %mul3A_581, %add3A_582 : i32
        %mul3A_584 = arith.constant 8 : i32
        %mul3A_585 = arith.muli %add3A_583, %mul3A_584 : i32
        %and3A_586 = arith.constant 7 : i32
        %and3A_587 = arith.andi %squeeze3A_579, %and3A_586 : i32
        %add3A_588 = arith.addi %mul3A_585, %and3A_587 : i32
        %get3A_589 = arith.index_cast %add3A_588 : i32 to index
        %get3A_590 = arith.constant 0 : index
        %get3A_591 = tpu.vector_load %arg10[%get3A_589, %get3A_590] {strides = array<i32>} : memref<504x64xf32, #tpu.memory_space<vmem>>, vector<16xf32>,
        %mul3A_592 = arith.mulf %get3A_51, %get3A_591 : vector<16xf32>
        %get3A_593 = arith.index_cast %add3A_588 : i32 to index
        %get3A_594 = arith.constant 16 : index
        %get3A_595 = tpu.vector_load %arg10[%get3A_593, %get3A_594] {strides = array<i32>} : memref<504x64xf32, #tpu.memory_space<vmem>>, vector<16xf32>,
        %mul3A_596 = arith.mulf %get3A_57, %get3A_595 : vector<16xf32>
        %add3A_597 = arith.addf %mul3A_592, %mul3A_596 : vector<16xf32>
        %get3A_598 = arith.index_cast %add3A_588 : i32 to index
        %get3A_599 = arith.constant 32 : index
        %get3A_600 = tpu.vector_load %arg10[%get3A_598, %get3A_599] {strides = array<i32>} : memref<504x64xf32, #tpu.memory_space<vmem>>, vector<16xf32>,
        %mul3A_601 = arith.mulf %get3A_63, %get3A_600 : vector<16xf32>
        %add3A_602 = arith.addf %add3A_597, %mul3A_601 : vector<16xf32>
        %get3A_603 = arith.index_cast %add3A_588 : i32 to index
        %get3A_604 = arith.constant 48 : index
        %get3A_605 = tpu.vector_load %arg10[%get3A_603, %get3A_604] {strides = array<i32>} : memref<504x64xf32, #tpu.memory_space<vmem>>, vector<16xf32>,
        %mul3A_606 = arith.mulf %get3A_69, %get3A_605 : vector<16xf32>
        %add3A_607 = arith.addf %add3A_602, %mul3A_606 : vector<16xf32>
        %reduce_sum3A_608 = arith.constant true
        %reduce_sum3A_609 = vector.broadcast %reduce_sum3A_608 : i1 to vector<16xi1>
        %reduce_sum3A_610 = tpu.scan <sum>, %add3A_607 masked %reduce_sum3A_609 : vector<16xf32>, vector<16xi1> -> vector<16xf32>
        %reduce_sum3A_611 = vector.extract %reduce_sum3A_610[15] : f32 from vector<16xf32>
        %neg3A_612 = arith.constant 0.000000e+00 : f32
        %neg3A_613 = arith.subf %neg3A_612, %reduce_sum3A_611 : f32
        %eq3A_614 = arith.constant 12 : i32
        %eq3A_615 = vector.broadcast %eq3A_614 : i32 to vector<16xi32>
        %eq3A_616 = arith.cmpi eq, %iota3A, %eq3A_615 : vector<16xi32>
        %broadcast_in_dim3A_617 = vector.broadcast %neg3A_613 : f32 to vector<16xf32>
        %select_n3A_618 = arith.select %eq3A_616, %broadcast_in_dim3A_617, %select_n3A_577 : vector<16xi1>, vector<16xf32>
        %slice3A_619 = vector.extract_strided_slice %get3A_77 {offsets = [12], sizes = [1], strides = [1]} : vector<16xi32> to vector<1xi32>
        %squeeze3A_620 = vector.extract %slice3A_619[0] : i32 from vector<1xi32>
        %mul3A_621 = arith.constant 21 : i32
        %mul3A_622 = arith.muli %select_n3A_37, %mul3A_621 : i32
        %add3A_623 = arith.constant 13 : i32
        %add3A_624 = arith.addi %mul3A_622, %add3A_623 : i32
        %mul3A_625 = arith.constant 8 : i32
        %mul3A_626 = arith.muli %add3A_624, %mul3A_625 : i32
        %and3A_627 = arith.constant 7 : i32
        %and3A_628 = arith.andi %squeeze3A_620, %and3A_627 : i32
        %add3A_629 = arith.addi %mul3A_626, %and3A_628 : i32
        %get3A_630 = arith.index_cast %add3A_629 : i32 to index
        %get3A_631 = arith.constant 0 : index
        %get3A_632 = tpu.vector_load %arg10[%get3A_630, %get3A_631] {strides = array<i32>} : memref<504x64xf32, #tpu.memory_space<vmem>>, vector<16xf32>,
        %mul3A_633 = arith.mulf %get3A_51, %get3A_632 : vector<16xf32>
        %get3A_634 = arith.index_cast %add3A_629 : i32 to index
        %get3A_635 = arith.constant 16 : index
        %get3A_636 = tpu.vector_load %arg10[%get3A_634, %get3A_635] {strides = array<i32>} : memref<504x64xf32, #tpu.memory_space<vmem>>, vector<16xf32>,
        %mul3A_637 = arith.mulf %get3A_57, %get3A_636 : vector<16xf32>
        %add3A_638 = arith.addf %mul3A_633, %mul3A_637 : vector<16xf32>
        %get3A_639 = arith.index_cast %add3A_629 : i32 to index
        %get3A_640 = arith.constant 32 : index
        %get3A_641 = tpu.vector_load %arg10[%get3A_639, %get3A_640] {strides = array<i32>} : memref<504x64xf32, #tpu.memory_space<vmem>>, vector<16xf32>,
        %mul3A_642 = arith.mulf %get3A_63, %get3A_641 : vector<16xf32>
        %add3A_643 = arith.addf %add3A_638, %mul3A_642 : vector<16xf32>
        %get3A_644 = arith.index_cast %add3A_629 : i32 to index
        %get3A_645 = arith.constant 48 : index
        %get3A_646 = tpu.vector_load %arg10[%get3A_644, %get3A_645] {strides = array<i32>} : memref<504x64xf32, #tpu.memory_space<vmem>>, vector<16xf32>,
        %mul3A_647 = arith.mulf %get3A_69, %get3A_646 : vector<16xf32>
        %add3A_648 = arith.addf %add3A_643, %mul3A_647 : vector<16xf32>
        %reduce_sum3A_649 = arith.constant true
        %reduce_sum3A_650 = vector.broadcast %reduce_sum3A_649 : i1 to vector<16xi1>
        %reduce_sum3A_651 = tpu.scan <sum>, %add3A_648 masked %reduce_sum3A_650 : vector<16xf32>, vector<16xi1> -> vector<16xf32>
        %reduce_sum3A_652 = vector.extract %reduce_sum3A_651[15] : f32 from vector<16xf32>
        %neg3A_653 = arith.constant 0.000000e+00 : f32
        %neg3A_654 = arith.subf %neg3A_653, %reduce_sum3A_652 : f32
        %eq3A_655 = arith.constant 13 : i32
        %eq3A_656 = vector.broadcast %eq3A_655 : i32 to vector<16xi32>
        %eq3A_657 = arith.cmpi eq, %iota3A, %eq3A_656 : vector<16xi32>
        %broadcast_in_dim3A_658 = vector.broadcast %neg3A_654 : f32 to vector<16xf32>
        %select_n3A_659 = arith.select %eq3A_657, %broadcast_in_dim3A_658, %select_n3A_618 : vector<16xi1>, vector<16xf32>
        %slice3A_660 = vector.extract_strided_slice %get3A_77 {offsets = [13], sizes = [1], strides = [1]} : vector<16xi32> to vector<1xi32>
        %squeeze3A_661 = vector.extract %slice3A_660[0] : i32 from vector<1xi32>
        %mul3A_662 = arith.constant 21 : i32
        %mul3A_663 = arith.muli %select_n3A_37, %mul3A_662 : i32
        %add3A_664 = arith.constant 14 : i32
        %add3A_665 = arith.addi %mul3A_663, %add3A_664 : i32
        %mul3A_666 = arith.constant 8 : i32
        %mul3A_667 = arith.muli %add3A_665, %mul3A_666 : i32
        %and3A_668 = arith.constant 7 : i32
        %and3A_669 = arith.andi %squeeze3A_661, %and3A_668 : i32
        %add3A_670 = arith.addi %mul3A_667, %and3A_669 : i32
        %get3A_671 = arith.index_cast %add3A_670 : i32 to index
        %get3A_672 = arith.constant 0 : index
        %get3A_673 = tpu.vector_load %arg10[%get3A_671, %get3A_672] {strides = array<i32>} : memref<504x64xf32, #tpu.memory_space<vmem>>, vector<16xf32>,
        %mul3A_674 = arith.mulf %get3A_51, %get3A_673 : vector<16xf32>
        %get3A_675 = arith.index_cast %add3A_670 : i32 to index
        %get3A_676 = arith.constant 16 : index
        %get3A_677 = tpu.vector_load %arg10[%get3A_675, %get3A_676] {strides = array<i32>} : memref<504x64xf32, #tpu.memory_space<vmem>>, vector<16xf32>,
        %mul3A_678 = arith.mulf %get3A_57, %get3A_677 : vector<16xf32>
        %add3A_679 = arith.addf %mul3A_674, %mul3A_678 : vector<16xf32>
        %get3A_680 = arith.index_cast %add3A_670 : i32 to index
        %get3A_681 = arith.constant 32 : index
        %get3A_682 = tpu.vector_load %arg10[%get3A_680, %get3A_681] {strides = array<i32>} : memref<504x64xf32, #tpu.memory_space<vmem>>, vector<16xf32>,
        %mul3A_683 = arith.mulf %get3A_63, %get3A_682 : vector<16xf32>
        %add3A_684 = arith.addf %add3A_679, %mul3A_683 : vector<16xf32>
        %get3A_685 = arith.index_cast %add3A_670 : i32 to index
        %get3A_686 = arith.constant 48 : index
        %get3A_687 = tpu.vector_load %arg10[%get3A_685, %get3A_686] {strides = array<i32>} : memref<504x64xf32, #tpu.memory_space<vmem>>, vector<16xf32>,
        %mul3A_688 = arith.mulf %get3A_69, %get3A_687 : vector<16xf32>
        %add3A_689 = arith.addf %add3A_684, %mul3A_688 : vector<16xf32>
        %reduce_sum3A_690 = arith.constant true
        %reduce_sum3A_691 = vector.broadcast %reduce_sum3A_690 : i1 to vector<16xi1>
        %reduce_sum3A_692 = tpu.scan <sum>, %add3A_689 masked %reduce_sum3A_691 : vector<16xf32>, vector<16xi1> -> vector<16xf32>
        %reduce_sum3A_693 = vector.extract %reduce_sum3A_692[15] : f32 from vector<16xf32>
        %neg3A_694 = arith.constant 0.000000e+00 : f32
        %neg3A_695 = arith.subf %neg3A_694, %reduce_sum3A_693 : f32
        %eq3A_696 = arith.constant 14 : i32
        %eq3A_697 = vector.broadcast %eq3A_696 : i32 to vector<16xi32>
        %eq3A_698 = arith.cmpi eq, %iota3A, %eq3A_697 : vector<16xi32>
        %broadcast_in_dim3A_699 = vector.broadcast %neg3A_695 : f32 to vector<16xf32>
        %select_n3A_700 = arith.select %eq3A_698, %broadcast_in_dim3A_699, %select_n3A_659 : vector<16xi1>, vector<16xf32>
        %slice3A_701 = vector.extract_strided_slice %get3A_77 {offsets = [14], sizes = [1], strides = [1]} : vector<16xi32> to vector<1xi32>
        %squeeze3A_702 = vector.extract %slice3A_701[0] : i32 from vector<1xi32>
        %mul3A_703 = arith.constant 21 : i32
        %mul3A_704 = arith.muli %select_n3A_37, %mul3A_703 : i32
        %add3A_705 = arith.constant 15 : i32
        %add3A_706 = arith.addi %mul3A_704, %add3A_705 : i32
        %mul3A_707 = arith.constant 8 : i32
        %mul3A_708 = arith.muli %add3A_706, %mul3A_707 : i32
        %and3A_709 = arith.constant 7 : i32
        %and3A_710 = arith.andi %squeeze3A_702, %and3A_709 : i32
        %add3A_711 = arith.addi %mul3A_708, %and3A_710 : i32
        %get3A_712 = arith.index_cast %add3A_711 : i32 to index
        %get3A_713 = arith.constant 0 : index
        %get3A_714 = tpu.vector_load %arg10[%get3A_712, %get3A_713] {strides = array<i32>} : memref<504x64xf32, #tpu.memory_space<vmem>>, vector<16xf32>,
        %mul3A_715 = arith.mulf %get3A_51, %get3A_714 : vector<16xf32>
        %get3A_716 = arith.index_cast %add3A_711 : i32 to index
        %get3A_717 = arith.constant 16 : index
        %get3A_718 = tpu.vector_load %arg10[%get3A_716, %get3A_717] {strides = array<i32>} : memref<504x64xf32, #tpu.memory_space<vmem>>, vector<16xf32>,
        %mul3A_719 = arith.mulf %get3A_57, %get3A_718 : vector<16xf32>
        %add3A_720 = arith.addf %mul3A_715, %mul3A_719 : vector<16xf32>
        %get3A_721 = arith.index_cast %add3A_711 : i32 to index
        %get3A_722 = arith.constant 32 : index
        %get3A_723 = tpu.vector_load %arg10[%get3A_721, %get3A_722] {strides = array<i32>} : memref<504x64xf32, #tpu.memory_space<vmem>>, vector<16xf32>,
        %mul3A_724 = arith.mulf %get3A_63, %get3A_723 : vector<16xf32>
        %add3A_725 = arith.addf %add3A_720, %mul3A_724 : vector<16xf32>
        %get3A_726 = arith.index_cast %add3A_711 : i32 to index
        %get3A_727 = arith.constant 48 : index
        %get3A_728 = tpu.vector_load %arg10[%get3A_726, %get3A_727] {strides = array<i32>} : memref<504x64xf32, #tpu.memory_space<vmem>>, vector<16xf32>,
        %mul3A_729 = arith.mulf %get3A_69, %get3A_728 : vector<16xf32>
        %add3A_730 = arith.addf %add3A_725, %mul3A_729 : vector<16xf32>
        %reduce_sum3A_731 = arith.constant true
        %reduce_sum3A_732 = vector.broadcast %reduce_sum3A_731 : i1 to vector<16xi1>
        %reduce_sum3A_733 = tpu.scan <sum>, %add3A_730 masked %reduce_sum3A_732 : vector<16xf32>, vector<16xi1> -> vector<16xf32>
        %reduce_sum3A_734 = vector.extract %reduce_sum3A_733[15] : f32 from vector<16xf32>
        %neg3A_735 = arith.constant 0.000000e+00 : f32
        %neg3A_736 = arith.subf %neg3A_735, %reduce_sum3A_734 : f32
        %eq3A_737 = arith.constant 15 : i32
        %eq3A_738 = vector.broadcast %eq3A_737 : i32 to vector<16xi32>
        %eq3A_739 = arith.cmpi eq, %iota3A, %eq3A_738 : vector<16xi32>
        %broadcast_in_dim3A_740 = vector.broadcast %neg3A_736 : f32 to vector<16xf32>
        %select_n3A_741 = arith.select %eq3A_739, %broadcast_in_dim3A_740, %select_n3A_700 : vector<16xi1>, vector<16xf32>
        %slice3A_742 = vector.extract_strided_slice %get3A_77 {offsets = [15], sizes = [1], strides = [1]} : vector<16xi32> to vector<1xi32>
        %squeeze3A_743 = vector.extract %slice3A_742[0] : i32 from vector<1xi32>
        %mul3A_744 = arith.constant 21 : i32
        %mul3A_745 = arith.muli %select_n3A_37, %mul3A_744 : i32
        %add3A_746 = arith.constant 16 : i32
        %add3A_747 = arith.addi %mul3A_745, %add3A_746 : i32
        %mul3A_748 = arith.constant 8 : i32
        %mul3A_749 = arith.muli %add3A_747, %mul3A_748 : i32
        %and3A_750 = arith.constant 7 : i32
        %and3A_751 = arith.andi %squeeze3A_743, %and3A_750 : i32
        %add3A_752 = arith.addi %mul3A_749, %and3A_751 : i32
        %get3A_753 = arith.index_cast %add3A_752 : i32 to index
        %get3A_754 = arith.constant 0 : index
        %get3A_755 = tpu.vector_load %arg10[%get3A_753, %get3A_754] {strides = array<i32>} : memref<504x64xf32, #tpu.memory_space<vmem>>, vector<16xf32>,
        %mul3A_756 = arith.mulf %get3A_51, %get3A_755 : vector<16xf32>
        %get3A_757 = arith.index_cast %add3A_752 : i32 to index
        %get3A_758 = arith.constant 16 : index
        %get3A_759 = tpu.vector_load %arg10[%get3A_757, %get3A_758] {strides = array<i32>} : memref<504x64xf32, #tpu.memory_space<vmem>>, vector<16xf32>,
        %mul3A_760 = arith.mulf %get3A_57, %get3A_759 : vector<16xf32>
        %add3A_761 = arith.addf %mul3A_756, %mul3A_760 : vector<16xf32>
        %get3A_762 = arith.index_cast %add3A_752 : i32 to index
        %get3A_763 = arith.constant 32 : index
        %get3A_764 = tpu.vector_load %arg10[%get3A_762, %get3A_763] {strides = array<i32>} : memref<504x64xf32, #tpu.memory_space<vmem>>, vector<16xf32>,
        %mul3A_765 = arith.mulf %get3A_63, %get3A_764 : vector<16xf32>
        %add3A_766 = arith.addf %add3A_761, %mul3A_765 : vector<16xf32>
        %get3A_767 = arith.index_cast %add3A_752 : i32 to index
        %get3A_768 = arith.constant 48 : index
        %get3A_769 = tpu.vector_load %arg10[%get3A_767, %get3A_768] {strides = array<i32>} : memref<504x64xf32, #tpu.memory_space<vmem>>, vector<16xf32>,
        %mul3A_770 = arith.mulf %get3A_69, %get3A_769 : vector<16xf32>
        %add3A_771 = arith.addf %add3A_766, %mul3A_770 : vector<16xf32>
        %reduce_sum3A_772 = arith.constant true
        %reduce_sum3A_773 = vector.broadcast %reduce_sum3A_772 : i1 to vector<16xi1>
        %reduce_sum3A_774 = tpu.scan <sum>, %add3A_771 masked %reduce_sum3A_773 : vector<16xf32>, vector<16xi1> -> vector<16xf32>
        %reduce_sum3A_775 = vector.extract %reduce_sum3A_774[15] : f32 from vector<16xf32>
        %neg3A_776 = arith.constant 0.000000e+00 : f32
        %neg3A_777 = arith.subf %neg3A_776, %reduce_sum3A_775 : f32
        %eq3A_778 = arith.constant 0 : i32
        %eq3A_779 = vector.broadcast %eq3A_778 : i32 to vector<16xi32>
        %eq3A_780 = arith.cmpi eq, %iota3A, %eq3A_779 : vector<16xi32>
        %broadcast_in_dim3A_781 = vector.broadcast %neg3A_777 : f32 to vector<16xf32>
        %select_n3A_782 = arith.select %eq3A_780, %broadcast_in_dim3A_781, %broadcast_in_dim3A_129 : vector<16xi1>, vector<16xf32>
        %slice3A_783 = vector.extract_strided_slice %get3A_88 {offsets = [0], sizes = [1], strides = [1]} : vector<16xi32> to vector<1xi32>
        %squeeze3A_784 = vector.extract %slice3A_783[0] : i32 from vector<1xi32>
        %mul3A_785 = arith.constant 21 : i32
        %mul3A_786 = arith.muli %select_n3A_37, %mul3A_785 : i32
        %add3A_787 = arith.constant 17 : i32
        %add3A_788 = arith.addi %mul3A_786, %add3A_787 : i32
        %mul3A_789 = arith.constant 8 : i32
        %mul3A_790 = arith.muli %add3A_788, %mul3A_789 : i32
        %and3A_791 = arith.constant 7 : i32
        %and3A_792 = arith.andi %squeeze3A_784, %and3A_791 : i32
        %add3A_793 = arith.addi %mul3A_790, %and3A_792 : i32
        %get3A_794 = arith.index_cast %add3A_793 : i32 to index
        %get3A_795 = arith.constant 0 : index
        %get3A_796 = tpu.vector_load %arg10[%get3A_794, %get3A_795] {strides = array<i32>} : memref<504x64xf32, #tpu.memory_space<vmem>>, vector<16xf32>,
        %mul3A_797 = arith.mulf %get3A_51, %get3A_796 : vector<16xf32>
        %get3A_798 = arith.index_cast %add3A_793 : i32 to index
        %get3A_799 = arith.constant 16 : index
        %get3A_800 = tpu.vector_load %arg10[%get3A_798, %get3A_799] {strides = array<i32>} : memref<504x64xf32, #tpu.memory_space<vmem>>, vector<16xf32>,
        %mul3A_801 = arith.mulf %get3A_57, %get3A_800 : vector<16xf32>
        %add3A_802 = arith.addf %mul3A_797, %mul3A_801 : vector<16xf32>
        %get3A_803 = arith.index_cast %add3A_793 : i32 to index
        %get3A_804 = arith.constant 32 : index
        %get3A_805 = tpu.vector_load %arg10[%get3A_803, %get3A_804] {strides = array<i32>} : memref<504x64xf32, #tpu.memory_space<vmem>>, vector<16xf32>,
        %mul3A_806 = arith.mulf %get3A_63, %get3A_805 : vector<16xf32>
        %add3A_807 = arith.addf %add3A_802, %mul3A_806 : vector<16xf32>
        %get3A_808 = arith.index_cast %add3A_793 : i32 to index
        %get3A_809 = arith.constant 48 : index
        %get3A_810 = tpu.vector_load %arg10[%get3A_808, %get3A_809] {strides = array<i32>} : memref<504x64xf32, #tpu.memory_space<vmem>>, vector<16xf32>,
        %mul3A_811 = arith.mulf %get3A_69, %get3A_810 : vector<16xf32>
        %add3A_812 = arith.addf %add3A_807, %mul3A_811 : vector<16xf32>
        %reduce_sum3A_813 = arith.constant true
        %reduce_sum3A_814 = vector.broadcast %reduce_sum3A_813 : i1 to vector<16xi1>
        %reduce_sum3A_815 = tpu.scan <sum>, %add3A_812 masked %reduce_sum3A_814 : vector<16xf32>, vector<16xi1> -> vector<16xf32>
        %reduce_sum3A_816 = vector.extract %reduce_sum3A_815[15] : f32 from vector<16xf32>
        %neg3A_817 = arith.constant 0.000000e+00 : f32
        %neg3A_818 = arith.subf %neg3A_817, %reduce_sum3A_816 : f32
        %eq3A_819 = arith.constant 1 : i32
        %eq3A_820 = vector.broadcast %eq3A_819 : i32 to vector<16xi32>
        %eq3A_821 = arith.cmpi eq, %iota3A, %eq3A_820 : vector<16xi32>
        %broadcast_in_dim3A_822 = vector.broadcast %neg3A_818 : f32 to vector<16xf32>
        %select_n3A_823 = arith.select %eq3A_821, %broadcast_in_dim3A_822, %select_n3A_782 : vector<16xi1>, vector<16xf32>
        %slice3A_824 = vector.extract_strided_slice %get3A_88 {offsets = [1], sizes = [1], strides = [1]} : vector<16xi32> to vector<1xi32>
        %squeeze3A_825 = vector.extract %slice3A_824[0] : i32 from vector<1xi32>
        %mul3A_826 = arith.constant 21 : i32
        %mul3A_827 = arith.muli %select_n3A_37, %mul3A_826 : i32
        %add3A_828 = arith.constant 18 : i32
        %add3A_829 = arith.addi %mul3A_827, %add3A_828 : i32
        %mul3A_830 = arith.constant 8 : i32
        %mul3A_831 = arith.muli %add3A_829, %mul3A_830 : i32
        %and3A_832 = arith.constant 7 : i32
        %and3A_833 = arith.andi %squeeze3A_825, %and3A_832 : i32
        %add3A_834 = arith.addi %mul3A_831, %and3A_833 : i32
        %get3A_835 = arith.index_cast %add3A_834 : i32 to index
        %get3A_836 = arith.constant 0 : index
        %get3A_837 = tpu.vector_load %arg10[%get3A_835, %get3A_836] {strides = array<i32>} : memref<504x64xf32, #tpu.memory_space<vmem>>, vector<16xf32>,
        %mul3A_838 = arith.mulf %get3A_51, %get3A_837 : vector<16xf32>
        %get3A_839 = arith.index_cast %add3A_834 : i32 to index
        %get3A_840 = arith.constant 16 : index
        %get3A_841 = tpu.vector_load %arg10[%get3A_839, %get3A_840] {strides = array<i32>} : memref<504x64xf32, #tpu.memory_space<vmem>>, vector<16xf32>,
        %mul3A_842 = arith.mulf %get3A_57, %get3A_841 : vector<16xf32>
        %add3A_843 = arith.addf %mul3A_838, %mul3A_842 : vector<16xf32>
        %get3A_844 = arith.index_cast %add3A_834 : i32 to index
        %get3A_845 = arith.constant 32 : index
        %get3A_846 = tpu.vector_load %arg10[%get3A_844, %get3A_845] {strides = array<i32>} : memref<504x64xf32, #tpu.memory_space<vmem>>, vector<16xf32>,
        %mul3A_847 = arith.mulf %get3A_63, %get3A_846 : vector<16xf32>
        %add3A_848 = arith.addf %add3A_843, %mul3A_847 : vector<16xf32>
        %get3A_849 = arith.index_cast %add3A_834 : i32 to index
        %get3A_850 = arith.constant 48 : index
        %get3A_851 = tpu.vector_load %arg10[%get3A_849, %get3A_850] {strides = array<i32>} : memref<504x64xf32, #tpu.memory_space<vmem>>, vector<16xf32>,
        %mul3A_852 = arith.mulf %get3A_69, %get3A_851 : vector<16xf32>
        %add3A_853 = arith.addf %add3A_848, %mul3A_852 : vector<16xf32>
        %reduce_sum3A_854 = arith.constant true
        %reduce_sum3A_855 = vector.broadcast %reduce_sum3A_854 : i1 to vector<16xi1>
        %reduce_sum3A_856 = tpu.scan <sum>, %add3A_853 masked %reduce_sum3A_855 : vector<16xf32>, vector<16xi1> -> vector<16xf32>
        %reduce_sum3A_857 = vector.extract %reduce_sum3A_856[15] : f32 from vector<16xf32>
        %neg3A_858 = arith.constant 0.000000e+00 : f32
        %neg3A_859 = arith.subf %neg3A_858, %reduce_sum3A_857 : f32
        %eq3A_860 = arith.constant 2 : i32
        %eq3A_861 = vector.broadcast %eq3A_860 : i32 to vector<16xi32>
        %eq3A_862 = arith.cmpi eq, %iota3A, %eq3A_861 : vector<16xi32>
        %broadcast_in_dim3A_863 = vector.broadcast %neg3A_859 : f32 to vector<16xf32>
        %select_n3A_864 = arith.select %eq3A_862, %broadcast_in_dim3A_863, %select_n3A_823 : vector<16xi1>, vector<16xf32>
        %slice3A_865 = vector.extract_strided_slice %get3A_88 {offsets = [2], sizes = [1], strides = [1]} : vector<16xi32> to vector<1xi32>
        %squeeze3A_866 = vector.extract %slice3A_865[0] : i32 from vector<1xi32>
        %mul3A_867 = arith.constant 21 : i32
        %mul3A_868 = arith.muli %select_n3A_37, %mul3A_867 : i32
        %add3A_869 = arith.constant 19 : i32
        %add3A_870 = arith.addi %mul3A_868, %add3A_869 : i32
        %mul3A_871 = arith.constant 8 : i32
        %mul3A_872 = arith.muli %add3A_870, %mul3A_871 : i32
        %and3A_873 = arith.constant 7 : i32
        %and3A_874 = arith.andi %squeeze3A_866, %and3A_873 : i32
        %add3A_875 = arith.addi %mul3A_872, %and3A_874 : i32
        %get3A_876 = arith.index_cast %add3A_875 : i32 to index
        %get3A_877 = arith.constant 0 : index
        %get3A_878 = tpu.vector_load %arg10[%get3A_876, %get3A_877] {strides = array<i32>} : memref<504x64xf32, #tpu.memory_space<vmem>>, vector<16xf32>,
        %mul3A_879 = arith.mulf %get3A_51, %get3A_878 : vector<16xf32>
        %get3A_880 = arith.index_cast %add3A_875 : i32 to index
        %get3A_881 = arith.constant 16 : index
        %get3A_882 = tpu.vector_load %arg10[%get3A_880, %get3A_881] {strides = array<i32>} : memref<504x64xf32, #tpu.memory_space<vmem>>, vector<16xf32>,
        %mul3A_883 = arith.mulf %get3A_57, %get3A_882 : vector<16xf32>
        %add3A_884 = arith.addf %mul3A_879, %mul3A_883 : vector<16xf32>
        %get3A_885 = arith.index_cast %add3A_875 : i32 to index
        %get3A_886 = arith.constant 32 : index
        %get3A_887 = tpu.vector_load %arg10[%get3A_885, %get3A_886] {strides = array<i32>} : memref<504x64xf32, #tpu.memory_space<vmem>>, vector<16xf32>,
        %mul3A_888 = arith.mulf %get3A_63, %get3A_887 : vector<16xf32>
        %add3A_889 = arith.addf %add3A_884, %mul3A_888 : vector<16xf32>
        %get3A_890 = arith.index_cast %add3A_875 : i32 to index
        %get3A_891 = arith.constant 48 : index
        %get3A_892 = tpu.vector_load %arg10[%get3A_890, %get3A_891] {strides = array<i32>} : memref<504x64xf32, #tpu.memory_space<vmem>>, vector<16xf32>,
        %mul3A_893 = arith.mulf %get3A_69, %get3A_892 : vector<16xf32>
        %add3A_894 = arith.addf %add3A_889, %mul3A_893 : vector<16xf32>
        %reduce_sum3A_895 = arith.constant true
        %reduce_sum3A_896 = vector.broadcast %reduce_sum3A_895 : i1 to vector<16xi1>
        %reduce_sum3A_897 = tpu.scan <sum>, %add3A_894 masked %reduce_sum3A_896 : vector<16xf32>, vector<16xi1> -> vector<16xf32>
        %reduce_sum3A_898 = vector.extract %reduce_sum3A_897[15] : f32 from vector<16xf32>
        %neg3A_899 = arith.constant 0.000000e+00 : f32
        %neg3A_900 = arith.subf %neg3A_899, %reduce_sum3A_898 : f32
        %eq3A_901 = arith.constant 3 : i32
        %eq3A_902 = vector.broadcast %eq3A_901 : i32 to vector<16xi32>
        %eq3A_903 = arith.cmpi eq, %iota3A, %eq3A_902 : vector<16xi32>
        %broadcast_in_dim3A_904 = vector.broadcast %neg3A_900 : f32 to vector<16xf32>
        %select_n3A_905 = arith.select %eq3A_903, %broadcast_in_dim3A_904, %select_n3A_864 : vector<16xi1>, vector<16xf32>
        %slice3A_906 = vector.extract_strided_slice %get3A_88 {offsets = [3], sizes = [1], strides = [1]} : vector<16xi32> to vector<1xi32>
        %squeeze3A_907 = vector.extract %slice3A_906[0] : i32 from vector<1xi32>
        %mul3A_908 = arith.constant 21 : i32
        %mul3A_909 = arith.muli %select_n3A_37, %mul3A_908 : i32
        %add3A_910 = arith.constant 20 : i32
        %add3A_911 = arith.addi %mul3A_909, %add3A_910 : i32
        %mul3A_912 = arith.constant 8 : i32
        %mul3A_913 = arith.muli %add3A_911, %mul3A_912 : i32
        %and3A_914 = arith.constant 7 : i32
        %and3A_915 = arith.andi %squeeze3A_907, %and3A_914 : i32
        %add3A_916 = arith.addi %mul3A_913, %and3A_915 : i32
        %get3A_917 = arith.index_cast %add3A_916 : i32 to index
        %get3A_918 = arith.constant 0 : index
        %get3A_919 = tpu.vector_load %arg10[%get3A_917, %get3A_918] {strides = array<i32>} : memref<504x64xf32, #tpu.memory_space<vmem>>, vector<16xf32>,
        %mul3A_920 = arith.mulf %get3A_51, %get3A_919 : vector<16xf32>
        %get3A_921 = arith.index_cast %add3A_916 : i32 to index
        %get3A_922 = arith.constant 16 : index
        %get3A_923 = tpu.vector_load %arg10[%get3A_921, %get3A_922] {strides = array<i32>} : memref<504x64xf32, #tpu.memory_space<vmem>>, vector<16xf32>,
        %mul3A_924 = arith.mulf %get3A_57, %get3A_923 : vector<16xf32>
        %add3A_925 = arith.addf %mul3A_920, %mul3A_924 : vector<16xf32>
        %get3A_926 = arith.index_cast %add3A_916 : i32 to index
        %get3A_927 = arith.constant 32 : index
        %get3A_928 = tpu.vector_load %arg10[%get3A_926, %get3A_927] {strides = array<i32>} : memref<504x64xf32, #tpu.memory_space<vmem>>, vector<16xf32>,
        %mul3A_929 = arith.mulf %get3A_63, %get3A_928 : vector<16xf32>
        %add3A_930 = arith.addf %add3A_925, %mul3A_929 : vector<16xf32>
        %get3A_931 = arith.index_cast %add3A_916 : i32 to index
        %get3A_932 = arith.constant 48 : index
        %get3A_933 = tpu.vector_load %arg10[%get3A_931, %get3A_932] {strides = array<i32>} : memref<504x64xf32, #tpu.memory_space<vmem>>, vector<16xf32>,
        %mul3A_934 = arith.mulf %get3A_69, %get3A_933 : vector<16xf32>
        %add3A_935 = arith.addf %add3A_930, %mul3A_934 : vector<16xf32>
        %reduce_sum3A_936 = arith.constant true
        %reduce_sum3A_937 = vector.broadcast %reduce_sum3A_936 : i1 to vector<16xi1>
        %reduce_sum3A_938 = tpu.scan <sum>, %add3A_935 masked %reduce_sum3A_937 : vector<16xf32>, vector<16xi1> -> vector<16xf32>
        %reduce_sum3A_939 = vector.extract %reduce_sum3A_938[15] : f32 from vector<16xf32>
        %neg3A_940 = arith.constant 0.000000e+00 : f32
        %neg3A_941 = arith.subf %neg3A_940, %reduce_sum3A_939 : f32
        %eq3A_942 = arith.constant 4 : i32
        %eq3A_943 = vector.broadcast %eq3A_942 : i32 to vector<16xi32>
        %eq3A_944 = arith.cmpi eq, %iota3A, %eq3A_943 : vector<16xi32>
        %broadcast_in_dim3A_945 = vector.broadcast %neg3A_941 : f32 to vector<16xf32>
        %select_n3A_946 = arith.select %eq3A_944, %broadcast_in_dim3A_945, %select_n3A_905 : vector<16xi1>, vector<16xf32>
        %mul3A_947 = arith.constant 32 : i32
        %mul3A_948 = arith.muli %sub3A_27, %mul3A_947 : i32
        %swap3A = arith.index_cast %mul3A_948 : i32 to index
        %swap3A_949 = tpu.vector_load %arg11[%swap3A] {strides = array<i32>} : memref<16384xf32, #tpu.memory_space<vmem>>, vector<16xf32>,
        tpu.vector_store %arg11[%swap3A], %select_n3A_741 {strides = array<i32>} : memref<16384xf32, #tpu.memory_space<vmem>>, vector<16xf32>,
        %mul3A_950 = arith.constant 32 : i32
        %mul3A_951 = arith.muli %sub3A_27, %mul3A_950 : i32
        %add3A_952 = arith.constant 16 : i32
        %add3A_953 = arith.addi %mul3A_951, %add3A_952 : i32
        %swap3A_954 = arith.index_cast %add3A_953 : i32 to index
        %swap3A_955 = tpu.vector_load %arg11[%swap3A_954] {strides = array<i32>} : memref<16384xf32, #tpu.memory_space<vmem>>, vector<16xf32>,
        tpu.vector_store %arg11[%swap3A_954], %select_n3A_946 {strides = array<i32>} : memref<16384xf32, #tpu.memory_space<vmem>>, vector<16xf32>,
      } else {
      }
    }
    %scan3A_15 = arith.constant 514 : i32
    %mul3A_16 = arith.constant 512 : i32
    %mul3A_17 = arith.muli %add3A, %mul3A_16 : i32
    %mul3A_18 = arith.constant 32 : i32
    %mul3A_19 = arith.muli %mul3A_17, %mul3A_18 : i32
    "tpu.region"() ({
      %run_scoped3A = tpu.sem_alloc : memref<!tpu.dma_semaphore, #tpu.memory_space<semaphore_mem>>
      %dma_start3A = tpu.memref_slice %arg6[%mul3A_19] : memref<524288xf32, #tpu.memory_space<hbm>> -> memref<16384xf32, #tpu.memory_space<hbm>>
      %dma_start3A_20 = tpu.memref_slice %arg6[%mul3A_19] : memref<524288xf32, #tpu.memory_space<hbm>> -> memref<16384xf32, #tpu.memory_space<hbm>>
      tpu.enqueue_dma source(%arg11 : memref<16384xf32, #tpu.memory_space<vmem>>) target(%dma_start3A_20 : memref<16384xf32, #tpu.memory_space<hbm>>) target_semaphore(%run_scoped3A : memref<!tpu.dma_semaphore, #tpu.memory_space<semaphore_mem>>)
      %dma_wait3A = tpu.memref_slice %arg6[%mul3A_19] : memref<524288xf32, #tpu.memory_space<hbm>> -> memref<16384xf32, #tpu.memory_space<hbm>>
      %dma_wait3A_21 = tpu.memref_slice %arg6[%mul3A_19] : memref<524288xf32, #tpu.memory_space<hbm>> -> memref<16384xf32, #tpu.memory_space<hbm>>
      tpu.wait_dma2 semaphore(%run_scoped3A : memref<!tpu.dma_semaphore, #tpu.memory_space<semaphore_mem>>) src(%arg11 : memref<16384xf32, #tpu.memory_space<vmem>>) dst(%dma_wait3A_21 : memref<16384xf32, #tpu.memory_space<hbm>>)
      tpu.yield
    }) : () -> ()
    return
  }
}

module attributes {stable_mosaic.version = 14 : i64} {
  func.func @_loss_body(%arg0: memref<4096x128xf32, #tpu.memory_space<vmem>>, %arg1: memref<1x1xf32, #tpu.memory_space<smem>>) attributes {dimension_semantics = [], scalar_prefetch = 0 : i64, scratch_operands = 0 : i64, tpu.core_type = #tpu.core_type<tc>} {
    %get3A = arith.constant 0 : index
    %get3A_0 = arith.constant 0 : index
    %get3A_1 = vector.load %arg0[%get3A, %get3A_0] : memref<4096x128xf32, #tpu.memory_space<vmem>>, vector<4096x128xf32>
    %iota3A = tpu.iota {dimensions = array<i32: 1>} : vector<4096x128xi32>
    %jit3A = arith.constant 32 : i32
    %eq3A = arith.constant 0 : i32
    %eq3A_2 = arith.cmpi eq, %jit3A, %eq3A : i32
    %jit3A_3 = arith.constant 1 : i32
    %select_n3A = arith.select %eq3A_2, %jit3A_3, %jit3A : i32
    %rem3A = vector.broadcast %select_n3A : i32 to vector<4096x128xi32>
    %rem3A_4 = arith.remsi %iota3A, %rem3A : vector<4096x128xi32>
    %ne3A = arith.constant 0 : i32
    %ne3A_5 = vector.broadcast %ne3A : i32 to vector<4096x128xi32>
    %ne3A_6 = arith.cmpi ne, %rem3A_4, %ne3A_5 : vector<4096x128xi32>
    %lt3A = arith.constant 0 : i32
    %lt3A_7 = vector.broadcast %lt3A : i32 to vector<4096x128xi32>
    %lt3A_8 = arith.cmpi slt, %rem3A_4, %lt3A_7 : vector<4096x128xi32>
    %lt3A_9 = arith.constant 0 : i32
    %lt3A_10 = arith.cmpi slt, %select_n3A, %lt3A_9 : i32
    %ne3A_11 = vector.broadcast %lt3A_10 : i1 to vector<4096x128xi1>
    %ne3A_12 = vector.broadcast %ne3A_11 : vector<4096x128xi1> to vector<4096x128xi1>
    %ne3A_13 = arith.xori %lt3A_8, %ne3A_12 : vector<4096x128xi1>
    %and3A = arith.andi %ne3A_13, %ne3A_6 : vector<4096x128xi1>
    %add3A = vector.broadcast %select_n3A : i32 to vector<4096x128xi32>
    %add3A_14 = arith.addi %rem3A_4, %add3A : vector<4096x128xi32>
    %select_n3A_15 = arith.select %and3A, %add3A_14, %rem3A_4 : vector<4096x128xi1>, vector<4096x128xi32>
    %lt3A_16 = arith.constant 21 : i32
    %lt3A_17 = vector.broadcast %lt3A_16 : i32 to vector<4096x128xi32>
    %lt3A_18 = arith.cmpi slt, %select_n3A_15, %lt3A_17 : vector<4096x128xi32>
    %neg3A = arith.constant 0.000000e+00 : f32
    %neg3A_19 = vector.broadcast %neg3A : f32 to vector<4096x128xf32>
    %neg3A_20 = arith.subf %neg3A_19, %get3A_1 : vector<4096x128xf32>
    %custom_jvp_call3A = arith.constant 0.000000e+00 : f32
    %max3A = vector.broadcast %custom_jvp_call3A : f32 to vector<4096x128xf32>
    %max3A_21 = arith.maximumf %neg3A_20, %max3A : vector<4096x128xf32>
    %sub3A = vector.broadcast %custom_jvp_call3A : f32 to vector<4096x128xf32>
    %sub3A_22 = arith.subf %neg3A_20, %sub3A : vector<4096x128xf32>
    %ne3A_23 = arith.cmpf one, %sub3A_22, %sub3A_22 : vector<4096x128xf32>
    %add3A_24 = vector.broadcast %custom_jvp_call3A : f32 to vector<4096x128xf32>
    %add3A_25 = arith.addf %neg3A_20, %add3A_24 : vector<4096x128xf32>
    %abs3A = math.absf %sub3A_22 : vector<4096x128xf32>
    %neg3A_26 = arith.constant 0.000000e+00 : f32
    %neg3A_27 = vector.broadcast %neg3A_26 : f32 to vector<4096x128xf32>
    %neg3A_28 = arith.subf %neg3A_27, %abs3A : vector<4096x128xf32>
    %exp3A = math.exp %neg3A_28 : vector<4096x128xf32>
    %log1p3A = math.log1p %exp3A : vector<4096x128xf32>
    %add3A_29 = arith.addf %max3A_21, %log1p3A : vector<4096x128xf32>
    %select_n3A_30 = arith.select %ne3A_23, %add3A_25, %add3A_29 : vector<4096x128xi1>, vector<4096x128xf32>
    %neg3A_31 = arith.constant 0.000000e+00 : f32
    %neg3A_32 = vector.broadcast %neg3A_31 : f32 to vector<4096x128xf32>
    %neg3A_33 = arith.subf %neg3A_32, %select_n3A_30 : vector<4096x128xf32>
    %jit3A_34 = arith.constant 0.000000e+00 : f32
    %broadcast_in_dim3A = vector.broadcast %jit3A_34 : f32 to vector<4096x128xf32>
    %select_n3A_35 = arith.select %lt3A_18, %neg3A_33, %broadcast_in_dim3A : vector<4096x128xi1>, vector<4096x128xf32>
    %reduce_sum3A = vector.shape_cast %select_n3A_35 : vector<4096x128xf32> to vector<1x4096x128xf32>
    %reduce_sum3A_36 = arith.constant dense<0.000000e+00> : vector<1xf32>
    %reduce_sum3A_37 = vector.multi_reduction <add>, %reduce_sum3A, %reduce_sum3A_36 [1, 2] : vector<1x4096x128xf32> to vector<1xf32>
    %reduce_sum3A_38 = vector.shape_cast %reduce_sum3A_37 : vector<1xf32> to vector<1x1x1xf32>
    %reduce_sum3A_39 = vector.extract %reduce_sum3A_38[0, 0, 0] : f32 from vector<1x1x1xf32>
    %neg3A_40 = arith.constant 0.000000e+00 : f32
    %neg3A_41 = arith.subf %neg3A_40, %reduce_sum3A_39 : f32
    %div3A = arith.constant 1.638400e+04 : f32
    %div3A_42 = arith.divf %neg3A_41, %div3A : f32
    %swap3A = arith.constant 0 : index
    %swap3A_43 = arith.constant 0 : index
    %swap3A_44 = memref.load %arg1[%swap3A, %swap3A_43] : memref<1x1xf32, #tpu.memory_space<smem>>
    memref.store %div3A_42, %arg1[%swap3A, %swap3A_43] : memref<1x1xf32, #tpu.memory_space<smem>>
    return
  }
}

</mosaic_0001>

<sc_bundles>
// kernel: kernel.5.cloned.1.call-start
scs
__scs_entry_jumppad:
0x0: {  	(pc) =	sbr.rel $0x88, $3  }
0x1: {  	(tag) =	ssettag $0x0;
	lr =	simm.s32 $0x1  }
0x2: {  	[smem:$0x3F9C] =	sst lr;
	_ =	strace $0xD0000000  }
0x3: {  	_ = 	snop  }
0x4: {  	_ = 	snop  }
0x5: {  	_ = 	snop  }
0x6: {  	_ = 	snop  }
0x7: {  	_ = 	snop  }
__scs_overlays_trampoline_lowered:
0x8: {  	[smem:$0x3FAB] =	sst s0  }
0x9: {  	[smem:$0x3FAC] =	sst s1  }
0xa: {  	[smem:$0x3FAD] =	sst s2  }
0xb: {  	[smem:$0x3FAE] =	sst s3  }
0xc: {  	[smem:$0x3FAF] =	sst s4  }
0xd: {  	[smem:$0x3FB0] =	sst s5  }
0xe: {  	[smem:$0x3FB1] =	sst s6  }
0xf: {  	[smem:$0x3FB2] =	sst s7  }
0x10: {  	[smem:$0x3FB3] =	sst s8  }
0x11: {  	[smem:$0x3FB4] =	sst s9;
	s0 =	simm.s32 @!p0 $0x0  }
0x12: {  	s1 =	sld [smem:$0x3F9A];
	s0 =	simm.s32 @p0 $0x1  }
0x13: {  	[smem:$0x3FB5] =	sst s0;
	s0 =	simm.s32 @!p1 $0x0  }
0x14: {  	s2 =	sld [smem:$0x3F99];
	s0 =	simm.s32 @p1 $0x1  }
0x15: {  	[smem:$0x3FB6] =	sst s0;
	s0 =	simm.s32 @!p2 $0x0  }
0x16: {  	s3 =	sld [smem:$0x3FDB];
	s0 =	simm.s32 @p2 $0x1  }
0x17: {  	s4 =	simm.s32 $0x1BF5;
	[smem:$0x3FB8] =	sst s0  }
0x18: {  	s0 =	sld [smem:$0x3F9B];
	_ =	swait.ge [sflag:s4], $0x0  }
0x19: {  	s7 =	sld [smem:$0x3F9C]  }
0x1a: {  	s8 =	sadd.s32 $0xFFFFE003, lr  }
0x1b: {  	s9 =	sadd.s32 $0xFFFFFEF7, lr;
	s5 =	simm.s32 $0xFFFFFFFF;
	p2 =	slt.u32 s8, $0xFFFFF086  }
0x1c: {  	p1 =	slt.u32 s9, $0xF7A;
	s5 =	simm.s32 @!p2 $0x0  }
0x1d: {  	s5 =	simm.s32 @p1 $0x1;
	p0 =	seq.s32 s7, s2  }
0x1e: {  	s7 =	smul.u32 @!p0 $0xF7A, s2;
	p2 =	seq.s32 @!p0 s5, $0x0  }
0x1f: {  	s9 =	smul.u32 $0xF7A, s1;
	s8 =	simm.s32 @!p0 $0x1BF5;
	p2 =	por !p2, p0  }
0x20: {  	[sflag:s8] =	ssyncset.s32 @!p0 $0xFFFFF086;
	s6 =	sadd.s32 @!p0 s3, s7;
	s7 =	simm.s32 @!p0 $0x108  }
0x21: {  	s3 =	sadd.s32 s3, s9;
	s6 =	sadd.s32 @!p0 $0x88, s6;
	s7 =	simm.s32 @p2 $0x1082  }
0x22: {  	[simem:s7], [sflag:s8] =	dma.local @!p0 [hbm:s6], $0xF7A  }
0x23: {  	s9 =	sor.u32 $0xD0000000, s2;
	s6 =	simm.s32 $0x108;
	_ =	swait.ge @!p0 [sflag:s8], $0x0  }
0x24: {  	s3 =	sadd.s32 $0x88, s3;
	s6 =	simm.s32 @!p1 $0x1082;
	[sflag:s4] =	ssyncset.s32 $0xFFFFF086  }
0x25: {  	[simem:s6], [sflag:s4] =	dma.local [hbm:s3], $0xF7A  }
0x26: {  	[smem:$0x3F9C] =	sst s1;
	(tag) =	ssettag s2;
	_ =	strace s9  }
0x27: {  	s1 =	sld [smem:$0x3FAC]  }
0x28: {  	s2 =	sld [smem:$0x3FAD]  }
0x29: {  	s4 =	sld [smem:$0x3FAF]  }
0x2a: {  	p0 =	seq.s32 s5, $0x0;
	s5 =	sld [smem:$0x3FB0]  }
0x2b: {  	s6 =	sld [smem:$0x3FB1]  }
0x2c: {  	s7 =	sld [smem:$0x3FB2]  }
0x2d: {  	s3 =	simm.s32 $0x108;
	s8 =	sld [smem:$0x3FB3]  }
0x2e: {  	s3 =	simm.s32 @!p0 $0x1082;
	s9 =	sld [smem:$0x3FB4]  }
0x2f: {  	lr =	sadd.s32 s0, s3;
	s0 =	sld [smem:$0x3FAB]  }
0x30: {  	s3 =	sld [smem:$0x3FAE]  }
0x31: {  	[smem:$0x3FB7] =	sst s10  }
0x32: {  	s10 =	sld [smem:$0x3FB5];
	_ =	sdelay $0x3  }
0x33: {  	p0 =	seq.s32 s10, $0x1;
	s10 =	sld [smem:$0x3FB7];
	_ =	sdelay $0x3  }
0x34: {  	[smem:$0x3FB7] =	sst s10  }
0x35: {  	s10 =	sld [smem:$0x3FB6];
	_ =	sdelay $0x3  }
0x36: {  	p1 =	seq.s32 s10, $0x1;
	s10 =	sld [smem:$0x3FB7];
	_ =	sdelay $0x3  }
0x37: {  	[smem:$0x3FB7] =	sst s10  }
0x38: {  	s10 =	sld [smem:$0x3FB8]  }
0x39: {  	_ = 	snop;
	(pc) =	sbr.ind lr, $3  }
0x3a: {  	_ = 	snop  }
0x3b: {  	_ = 	snop  }
0x3c: {  	p2 =	seq.s32 s10, $0x1;
	s10 =	sld [smem:$0x3FB7]  }
0x3d: {  	_ =	shalt  }
0x3e: {  	_ =	shalt  }
0x3f: {  	_ =	shalt  }
0x40: {  	_ =	shalt  }
0x41: {  	_ =	shalt  }
0x42: {  	_ =	shalt  }
0x43: {  	_ =	shalt  }
0x44: {  	_ =	shalt  }
0x45: {  	_ =	shalt  }
0x46: {  	_ =	shalt  }
0x47: {  	_ =	shalt  }
0x48: {  	_ =	shalt  }
0x49: {  	_ =	shalt  }
0x4a: {  	_ =	shalt  }
0x4b: {  	_ =	shalt  }
0x4c: {  	_ =	shalt  }
0x4d: {  	_ =	shalt  }
0x4e: {  	_ =	shalt  }
0x4f: {  	_ =	shalt  }
0x50: {  	_ =	shalt  }
0x51: {  	_ =	shalt  }
0x52: {  	_ =	shalt  }
0x53: {  	_ =	shalt  }
0x54: {  	_ =	shalt  }
0x55: {  	_ =	shalt  }
0x56: {  	_ =	shalt  }
0x57: {  	_ =	shalt  }
0x58: {  	_ =	shalt  }
0x59: {  	_ =	shalt  }
0x5a: {  	_ =	shalt  }
0x5b: {  	_ =	shalt  }
0x5c: {  	_ =	shalt  }
0x5d: {  	_ =	shalt  }
0x5e: {  	_ =	shalt  }
0x5f: {  	_ =	shalt  }
0x60: {  	_ =	shalt  }
0x61: {  	_ =	shalt  }
0x62: {  	_ =	shalt  }
0x63: {  	_ =	shalt  }
0x64: {  	_ =	shalt  }
0x65: {  	_ =	shalt  }
0x66: {  	_ =	shalt  }
0x67: {  	_ =	shalt  }
0x68: {  	_ =	shalt  }
0x69: {  	_ =	shalt  }
0x6a: {  	_ =	shalt  }
0x6b: {  	_ =	shalt  }
0x6c: {  	_ =	shalt  }
0x6d: {  	_ =	shalt  }
0x6e: {  	_ =	shalt  }
0x6f: {  	_ =	shalt  }
0x70: {  	_ =	shalt  }
0x71: {  	_ =	shalt  }
0x72: {  	_ =	shalt  }
0x73: {  	_ =	shalt  }
0x74: {  	_ =	shalt  }
0x75: {  	_ =	shalt  }
0x76: {  	_ =	shalt  }
0x77: {  	_ =	shalt  }
0x78: {  	_ =	shalt  }
0x79: {  	_ =	shalt  }
0x7a: {  	_ =	shalt  }
0x7b: {  	_ =	shalt  }
0x7c: {  	_ =	shalt  }
0x7d: {  	_ =	shalt  }
0x7e: {  	_ =	shalt  }
0x7f: {  	_ =	shalt  }
0x80: {  	_ =	shalt  }
0x81: {  	_ =	shalt  }
0x82: {  	_ =	shalt  }
0x83: {  	_ =	shalt  }
0x84: {  	_ =	shalt  }
0x85: {  	_ =	shalt  }
0x86: {  	_ =	shalt  }
0x87: {  	_ =	shalt  }
.Lfunc_end0:
.L_simem_size_0:
called_computation_lowered:
.L_overlay_start_0:
0x88: {  	s2 =	sld [smem:$0x3FD9]  }
0x89: {  	s3 =	sld [smem:$0x3FFE];
	_ =	sdelay $0x1  }
0x8a: {  	s1 =	srdreg.scid  }
0x8b: {  	s0 =	sand.u32 $0x1, s1  }
0x8c: {  	s17 =	sshll.u32 s0, $0xA;
	s2 =	sadd.s32 s3, s2  }
0x8d: {  	s2 =	sadd.s32 s2, s17  }
0x8e: {  	[smem:$0x3FC3] =	sst s2  }
0x8f: {  	_ = 	snop  }
0x90: {  	s2 =	sld [smem:$0x3FC9]  }
0x91: {  	s18 =	sld [smem:$0x3FC6];
	(tm) =	ssettm $0x1  }
0x92: {  	s4 =	sld [smem:$0x3FFB];
	_ =	sdelay $0x3  }
0x93: {  	_ =	strace s4  }
0x94: {  	s4 =	sld [smem:$0x3FFC];
	_ =	sdelay $0x3  }
0x95: {  	_ =	strace s4  }
0x96: {  	s4 =	sld [smem:$0x3FFD];
	_ =	sdelay $0x3  }
0x97: {  	_ =	strace s4  }
0x98: {  	_ =	strace $0x8FFFFFFF  }
0x99: {  	s19 =	sld [smem:$0x3FDB];
	_ =	sdelay $0x1  }
0x9a: {  	s5 =	simm.s32 $_scs_section_size  }
0x9b: {  	s6 =	simm.s32 $_size__tile_overlayer_lowered;
	s7 =	simm.s32 $_tile_overlayer_lowered  }
0x9c: {  	s22 =	simm.s32 $0x1BFF;
	s21 =	sshll.u32 s7, $0x1;
	s4 =	sadd.s32 s5, s19  }
0x9d: {  	s8 =	simm.s32 $0x0;
	s20 =	sshll.u32 s6, $0x1;
	s6 =	sadd.s32 s21, s4  }
0x9e: {  	[timem:s8], [sflag:s22] =	dma.local [hbm:s6], s20  }
0x9f: {  	_ =	swait.ge [sflag:s22], s20  }
0xa0: {  	s5 =	ssub.s32 $0x0, s20;
	[sflag:s22] =	ssyncset.done $0x0  }
0xa1: {  	[sflag:s22] =	ssyncadd.s32 s5;
	_ =	sdelay $0x1  }
0xa2: {  	s23 =	simm.s32 $0x1B8B  }
0xa3: {  	_ =	swait.ge [sflag:s23], $0x1  }
0xa4: {  	[sflag:s23] =	ssyncset.done $0x0  }
0xa5: {  	s25 =	simm.s32 $0x1B8E;
	s24 =	sld [smem:$0x3FFE];
	[sflag:s23] =	ssyncadd.s32 $0xFFFFFFFF  }
0xa6: {  	s26 =	simm.s32 $execute0_lowered;
	[smem:$0x3FD2] =	sst s25  }
0xa7: {  	s6 =	sshll.u32 s26, $0x1;
	_ =	strace $0x80000046;
	[dreg:$0x1] =	wrdreg $0xFFFFFFFF  }
0xa8: {  	s28 =	simm.s32 $_size_execute0_lowered;
	s4 =	sadd.s32 s4, s6;
	[dreg:$0x0] =	wrdreg $0x0  }
0xa9: {  	s6 =	sshll.u32 s28, $0x1;
	[dreg:$0x2] =	wrdreg s4  }
0xaa: {  	[dreg:$0x3] =	wrdreg s6  }
0xab: {  	[dreg:$0x4] =	wrdreg $0xC0  }
0xac: {  	_ =	task [dreg:s8], $0x5FFFF  }
0xad: {  	[dreg:$0x1] =	wrdreg $0xFFFFFFFF  }
0xae: {  	[dreg:$0x0] =	wrdreg $0x60  }
0xaf: {  	[dreg:$0x2] =	wrdreg s2  }
0xb0: {  	[dreg:$0x3] =	wrdreg s18  }
0xb1: {  	[dreg:$0x4] =	wrdreg s24  }
0xb2: {  	[dreg:$0x5] =	wrdreg $0x9  }
0xb3: {  	_ =	task.clear_ibuf [dreg:s8], $0x6FFFF;
	_ =	strace $0x90000046  }
0xb4: {  	s29 =	simm.s32 $0x9;
	_ =	strace $0x80000048  }
0xb5: {  	_ =	swait.ge [sflag:s29], $0x1  }
0xb6: {  	[sflag:s29] =	ssyncadd.s32 $0xFFFFFFFF  }
0xb7: {  	_ =	strace $0x90000048  }
0xb8: {  	_ =	sfence  }
0xb9: {  	s30 =	sld [smem:$0x0];
	_ =	sdelay $0x2  }
0xba: {  	s31 =	sshll.u32 s1, $0xD;
	s1 =	sshrl.u32 s1, $0x2  }
0xbb: {  	s3 =	sand.u32 $0x4000, s31;
	s1 =	sadd.s32 s1, s30  }
0xbc: {  	s0 =	sor.u32 s3, s0;
	s1 =	sshll.u32 s1, $0x11  }
0xbd: {  	s0 =	sor.u32 s1, s0  }
0xbe: {  	s0 =	sadd.s32 $0x8F2B, s0  }
0xbf: {  	[sflag:s0] =	ssyncadd.remote.s32 $0x1  }
0xc0: {  	_ =	sfence.sel $0xFFFF  }
0xc1: {  	[dreg:$0x0] =	wrdreg $0xFFFFFFFF;
	(pc) =	sbr.abs _section_cstart, $3  }
0xc2: {  	[dreg:$0x1] =	wrdreg $0xFFFFFFFF  }
0xc3: {  	_ =	task.clear_ibuf [dreg:s8], $0x2FFFF;
	_ =	strace $0x9FFFFFFF  }
0xc4: {  	(tm) =	ssettm $0x7FFFFFFF  }
0xc5: {  	_ =	shalt  }
tec
execute0_lowered:
.L_overlay_start_1:
0x0: {  	(tag) =	ssettag $0x1  }
0x1: {  	s4 =	rddreg [dreg:$0x0]  }
0x2: {  	s2 =	rddreg [dreg:$0x1]  }
0x3: {  	s5 =	rddreg [dreg:$0x2]  }
0x4: {  	s0 =	rddreg [dreg:$0x3]  }
0x5: {  	s6 =	srdreg.scid;
	s1 =	stileid.u32  }
0x6: {  	s3 =	simm.s32 $0x0;
	s10 =	simm.s32 $0x130AC00;
	s11 =	simm.s32 $0x4200  }
0x7: {  	s12 =	simm.s32 $0x0;
	s6 =	sand.u32 $0x1, s6;
	s7 =	sshll.u32 s1, $0x1  }
0x8: {  	[smem:$0x7FF] =	sst s3;
	s7 =	sor.u32 s6, s7;
	s6 =	ssub.s32 $0x2, s6  }
0x9: {  	_ =	strace $0x80000047;
	s8 =	sshll.u32 s7, $0xC;
	s9 =	sshrl.u32 s6, $0x1  }
0xa: {  	s31 =	sshll.u32 s7, $0x6;
	s8 =	sadd.s32 s8, s5;
	s9 =	ssub.s32 s6, s9  }
0xb: {  	s4 =	sadd.s32 s4, s31;
	s5 =	sadd.s32 $0xC00, s8;
	s6 =	sadd.s32 $0x1400, s8  }
0xc: {  	s7 =	smax.u32 s9, $0x1;
	s8 =	simm.s32 $0x2;
	s9 =	simm.s32 $0x400  }
.LBB2_1:
0xd: {  	[tilespmem:s3], [sflag:$0x2] =	stream.linear.gather [hbm4b:s4+s3], $0x200, $0x38;
	[tilespmem:$0x8200] =	vst v63  }
0xe: {  	_ =	swait.ge [sflag:s8], $0x200  }
0xf: {  	[sflag:s8] =	ssyncset.done $0x0  }
0x10: {  	s13 =	sand.u32 $0x1F0, s3;
	[sflag:s8] =	ssyncadd.s32 $0xFFFFFE00  }
0x11: {  	v1 =	vld [tilespmem:s13+$0x0];
	_ =	sdelay $0x4  }
0x12: {  	(v2sf) =	vpush v1, $0x0;
	_ =	sdelay $0xa  }
0x13: {  	s30 =	simm.s32 $0x10  }
0x14: {  	s13 =	sand.u32 $0x1F0, s30  }
0x15: {  	v0 =	vld [tilespmem:s13+$0x0]  }
0x16: {  	(v2sf) =	vpush v1, $0x1  }
0x17: {  	(v2sf) =	vpush v1, $0x2;
	s31 =	spop (v2sf)  }
0x18: {  	(v2sf) =	vpush v1, $0x3;
	[smem:$0x0] =	sst s31  }
0x19: {  	(v2sf) =	vpush v1, $0x4  }
0x1a: {  	(v2sf) =	vpush v0, $0x0  }
0x1b: {  	(v2sf) =	vpush v1, $0x5  }
0x1c: {  	(v2sf) =	vpush v1, $0x6  }
0x1d: {  	(v2sf) =	vpush v1, $0x7  }
0x1e: {  	(v2sf) =	vpush v1, $0x8  }
0x1f: {  	(v2sf) =	vpush v1, $0x9  }
0x20: {  	(v2sf) =	vpush v1, $0xA  }
0x21: {  	(v2sf) =	vpush v1, $0xB  }
0x22: {  	(v2sf) =	vpush v1, $0xC  }
0x23: {  	(v2sf) =	vpush v1, $0xD  }
0x24: {  	s14 =	simm.s32 $0x8;
	s15 =	simm.s32 $0x20;
	s13 =	simm.s32 $0x8;
	(v2sf) =	vpush v1, $0xE  }
.LBB2_2:
0x25: {  	s16 =	sand.u32 $0x1F0, s15;
	p0 =	sne.s32 s15, $0x1F0;
	s17 =	spop (v2sf);
	(v2sf) =	vpush v1, $0xF;
	v1 =	vmov v0  }
0x26: {  	v0 =	vld [tilespmem:s16+$0x0];
	[smem:s14+$0xFFFFFFF9] =	sst s17;
	s16 =	spop (v2sf)  }
0x27: {  	(v2sf) =	vpush v1, $0x1;
	[smem:s14+$0xFFFFFFFA] =	sst s16;
	s16 =	spop (v2sf)  }
0x28: {  	(v2sf) =	vpush v1, $0x2;
	[smem:s14+$0xFFFFFFFB] =	sst s16;
	s16 =	spop (v2sf)  }
0x29: {  	s14 =	sadd.s32 $0x10, s14;
	s17 =	spop (v2sf);
	(v2sf) =	vpush v1, $0x3;
	[smem:s13+$0xFFFFFFFC] =	sst s16  }
0x2a: {  	[smem:s14+$0xFFFFFFF8] =	sst s17;
	(v2sf) =	vpush v1, $0x4;
	s16 =	spop (v2sf)  }
0x2b: {  	(v2sf) =	vpush v0, $0x0;
	[smem:s13+$0xFFFFFFFD] =	sst s16;
	s16 =	spop (v2sf)  }
0x2c: {  	(v2sf) =	vpush v1, $0x5;
	[smem:s13+$0xFFFFFFFE] =	sst s16;
	s16 =	spop (v2sf)  }
0x2d: {  	(v2sf) =	vpush v1, $0x6;
	[smem:s13+$0xFFFFFFFF] =	sst s16;
	s16 =	spop (v2sf)  }
0x2e: {  	(v2sf) =	vpush v1, $0x7;
	[smem:s13] =	sst s16;
	s16 =	spop (v2sf)  }
0x2f: {  	(v2sf) =	vpush v1, $0x8;
	[smem:s13+$0x1] =	sst s16;
	s16 =	spop (v2sf)  }
0x30: {  	(v2sf) =	vpush v1, $0x9;
	[smem:s13+$0x2] =	sst s16;
	s16 =	spop (v2sf)  }
0x31: {  	[smem:s13+$0x3] =	sst s16  }
.Ltmp0:
0x32: {  	(v2sf) =	vpush v1, $0xA;
	s16 =	spop (v2sf);
	(pc) =	sbr.rel @p0 .LBB2_2-.Ltmp0, $4  }
0x33: {  	(v2sf) =	vpush v1, $0xB;
	[smem:s13+$0x4] =	sst s16;
	s16 =	spop (v2sf)  }
0x34: {  	(v2sf) =	vpush v1, $0xC;
	[smem:s13+$0x5] =	sst s16;
	s16 =	spop (v2sf)  }
0x35: {  	(v2sf) =	vpush v1, $0xD;
	[smem:s13+$0x6] =	sst s16;
	s16 =	spop (v2sf)  }
0x36: {  	s15 =	sadd.s32 $0x10, s15;
	(v2sf) =	vpush v1, $0xE;
	[smem:s13+$0x7] =	sst s16;
	s13 =	smov.u32 s14  }
0x37: {  	s15 =	spop (v2sf);
	(v2sf) =	vpush v1, $0xF  }
0x38: {  	[smem:s14+$0xFFFFFFF9] =	sst s15;
	s17 =	spop (v2sf);
	(v2sf) =	vpush v0, $0x1  }
0x39: {  	[smem:s14+$0xFFFFFFFA] =	sst s17;
	s18 =	spop (v2sf);
	(v2sf) =	vpush v0, $0x2  }
0x3a: {  	[smem:s14+$0xFFFFFFFB] =	sst s18;
	s19 =	spop (v2sf);
	(v2sf) =	vpush v0, $0x3  }
0x3b: {  	s14 =	sadd.s32 $0x10, s14;
	s16 =	spop (v2sf);
	[smem:s13+$0xFFFFFFFC] =	sst s19;
	(v2sf) =	vpush v0, $0x4  }
0x3c: {  	[smem:s14+$0xFFFFFFF8] =	sst s16;
	s20 =	spop (v2sf);
	(v2sf) =	vpush v0, $0x5  }
0x3d: {  	[smem:s13+$0xFFFFFFFD] =	sst s20;
	s21 =	spop (v2sf);
	(v2sf) =	vpush v0, $0x6  }
0x3e: {  	[smem:s13+$0xFFFFFFFE] =	sst s21;
	s22 =	spop (v2sf);
	(v2sf) =	vpush v0, $0x7  }
0x3f: {  	[smem:s13+$0xFFFFFFFF] =	sst s22;
	s23 =	spop (v2sf);
	(v2sf) =	vpush v0, $0x8  }
0x40: {  	[smem:s13] =	sst s23;
	s24 =	spop (v2sf);
	(v2sf) =	vpush v0, $0x9  }
0x41: {  	[smem:s13+$0x1] =	sst s24;
	s25 =	spop (v2sf);
	(v2sf) =	vpush v0, $0xA  }
0x42: {  	[smem:s13+$0x2] =	sst s25;
	s26 =	spop (v2sf);
	(v2sf) =	vpush v0, $0xB  }
0x43: {  	[smem:s13+$0x3] =	sst s26;
	s28 =	spop (v2sf);
	(v2sf) =	vpush v0, $0xC  }
0x44: {  	[smem:s13+$0x4] =	sst s28;
	s29 =	spop (v2sf);
	(v2sf) =	vpush v0, $0xD  }
0x45: {  	[smem:s13+$0x5] =	sst s29;
	s30 =	spop (v2sf);
	(v2sf) =	vpush v0, $0xE  }
0x46: {  	[smem:s13+$0x6] =	sst s30;
	s31 =	spop (v2sf);
	(v2sf) =	vpush v0, $0xF  }
0x47: {  	[smem:s13+$0x7] =	sst s31;
	s16 =	spop (v2sf)  }
0x48: {  	[smem:s14+$0xFFFFFFF9] =	sst s16;
	s17 =	spop (v2sf)  }
0x49: {  	[smem:s14+$0xFFFFFFFA] =	sst s17;
	s18 =	spop (v2sf)  }
0x4a: {  	[smem:s14+$0xFFFFFFFB] =	sst s18;
	s19 =	spop (v2sf)  }
0x4b: {  	[smem:s14+$0xFFFFFFFC] =	sst s19;
	s20 =	spop (v2sf)  }
0x4c: {  	[smem:s14+$0xFFFFFFFD] =	sst s20;
	s21 =	spop (v2sf)  }
0x4d: {  	[smem:s14+$0xFFFFFFFE] =	sst s21;
	s22 =	spop (v2sf)  }
0x4e: {  	[smem:s14+$0xFFFFFFFF] =	sst s22;
	s23 =	spop (v2sf)  }
0x4f: {  	[smem:s14] =	sst s23;
	s24 =	spop (v2sf)  }
0x50: {  	[smem:s14+$0x1] =	sst s24;
	s25 =	spop (v2sf)  }
0x51: {  	[smem:s14+$0x2] =	sst s25;
	s26 =	spop (v2sf)  }
0x52: {  	[smem:s14+$0x3] =	sst s26;
	s28 =	spop (v2sf)  }
0x53: {  	s15 =	simm.s32 $0x0;
	[smem:s14+$0x4] =	sst s28;
	s29 =	spop (v2sf)  }
0x54: {  	s13 =	simm.s32 $0x4180;
	[smem:s14+$0x5] =	sst s29;
	s30 =	spop (v2sf)  }
0x55: {  	s16 =	simm.s32 $0x0;
	[smem:s14+$0x6] =	sst s30;
	s31 =	spop (v2sf)  }
0x56: {  	s17 =	simm.s32 $0x0;
	[smem:s14+$0x7] =	sst s31;
	s14 =	simm.s32 $0x0  }
.LBB2_4:
0x57: {  	p0 =	slt.u32 s17, $0x2  }
0x58: {  	s18 =	simm.s32 @!p0 $0x1  }
0x59: {  	_ =	swait.ge @!p0 [sflag:s18], $0x2000  }
0x5a: {  	[sflag:s18] =	ssyncset.done @!p0 $0x0  }
0x5b: {  	[sflag:s18] =	ssyncadd.s32 @!p0 $0xFFFFE000  }
0x5c: {  	s19 =	sand.u32 @!p0 $0x40, s14;
	v0 =	vlaneseq.u32 @!p0;
	s18 =	sld @!p0 [smem:s15+$0xFFFFFFFE]  }
0x5d: {  	v1 =	vmov @!p0 s19;
	v0 =	vmul.u32 @!p0 $0x80, v0  }
0x5e: {  	v1 =	vshll.u32 @!p0 v1, $0x7  }
0x5f: {  	v1 =	vor.u32 @!p0 v0, v1;
	s18 =	sand.u32 @!p0 $0x7F, s18  }
0x60: {  	v1 =	vor.u32 @!p0 s18, v1;
	_ =	sdelay $0x1  }
0x61: {  	s20 =	sor.u32 @!p0 $0x10, s19  }
0x62: {  	v2 =	vmov @!p0 s20  }
0x63: {  	s20 =	simm.s32 @!p0 $0x200;
	v2 =	vshll.u32 @!p0 v2, $0x7  }
0x64: {  	v2 =	vor.u32 @!p0 v0, v2;
	v1 =	vld.idx.msk @!p0 [tilespmem:v1+s20+$0x0], $0xffff  }
0x65: {  	v2 =	vor.u32 @!p0 s18, v2;
	_ =	sdelay $0x1  }
0x66: {  	s21 =	sor.u32 @!p0 $0x20, s19  }
0x67: {  	v3 =	vmov @!p0 s21  }
0x68: {  	[tilespmem:s13+$0x0] =	vst @!p0 v1;
	v1 =	vshll.u32 @!p0 v3, $0x7  }
0x69: {  	v2 =	vld.idx.msk @!p0 [tilespmem:v2+s20+$0x0], $0xffff;
	v1 =	vor.u32 @!p0 v0, v1  }
0x6a: {  	v1 =	vor.u32 @!p0 s18, v1;
	_ =	sdelay $0x1  }
0x6b: {  	s19 =	sor.u32 @!p0 $0x30, s19  }
0x6c: {  	v3 =	vmov @!p0 s19  }
0x6d: {  	[tilespmem:s13+$0x10] =	vst @!p0 v2;
	v2 =	vshll.u32 @!p0 v3, $0x7  }
0x6e: {  	v0 =	vor.u32 @!p0 v0, v2;
	v1 =	vld.idx.msk @!p0 [tilespmem:v1+s20+$0x0], $0xffff  }
0x6f: {  	v0 =	vor.u32 @!p0 s18, v0;
	_ =	sdelay $0x3  }
0x70: {  	[tilespmem:s13+$0x20] =	vst @!p0 v1  }
0x71: {  	v0 =	vld.idx.msk @!p0 [tilespmem:v0+s20+$0x0], $0xffff;
	_ =	sdelay $0x1  }
0x72: {  	p1 =	sgt.u32 @!p0 s17, $0xFF  }
0x73: {  	p1 =	por p0, !p1  }
0x74: {  	s19 =	sand.u32 @p1 $0x2000, s16;
	s16 =	sadd.s32 $0x2000, s16  }
0x75: {  	s18 =	sld @p1 [smem:s15+$0x0];
	[tilespmem:s13+$0x30] =	vst @!p0 v0;
	p0 =	sne.s32 s16, $0x204000  }
.Ltmp1:
0x76: {  	_ = 	snop;
	(pc) =	sbr.rel @p0 .LBB2_4-.Ltmp1, $4  }
0x77: {  	s17 =	sadd.s32 $0x1, s17  }
0x78: {  	s14 =	sadd.s32 $0x40, s14;
	s19 =	sor.u32 @p1 $0x200, s19;
	s18 =	sand.u32 @p1 $0xFFFFF80, s18  }
0x79: {  	s15 =	sadd.s32 $0x1, s15;
	s18 =	sadd.s32 @p1 s2, s18;
	s13 =	sadd.s32 $0x40, s13  }
0x7a: {  	[tilespmem:s19], [sflag:$0x1] =	stream.strided.gather @p1 [hbm4b:s18+s9], $0x2000, s10, s9, $0x38;
	[tilespmem:$0x8200] =	vst v63  }
0x7b: {  	s13 =	simm.s32 $0x0  }
0x7c: {  	[hbm4b:s5+s13] =	stream.linear.scatter [tilespmem:s11], [sflag:$0x2], $0x4000, $0x38;
	[tilespmem:$0x8200] =	vst v63  }
0x7d: {  	_ =	swait.ge [sflag:s8], $0x4000  }
0x7e: {  	s14 =	simm.s32 $0xFE;
	s15 =	simm.s32 $0x4190;
	[sflag:s8] =	ssyncset.done $0x0  }
0x7f: {  	s16 =	simm.s32 $0x0;
	s17 =	simm.s32 $0x0;
	[sflag:s8] =	ssyncadd.s32 $0xFFFFC000  }
.LBB2_6:
0x80: {  	p0 =	slt.u32 s17, $0x2  }
0x81: {  	s18 =	simm.s32 @!p0 $0x1  }
0x82: {  	_ =	swait.ge @!p0 [sflag:s18], $0x2000  }
0x83: {  	[sflag:s18] =	ssyncset.done @!p0 $0x0  }
0x84: {  	[sflag:s18] =	ssyncadd.s32 @!p0 $0xFFFFE000  }
0x85: {  	s19 =	sand.u32 @!p0 $0x40, s13;
	v0 =	vlaneseq.u32 @!p0;
	s18 =	sld @!p0 [smem:s14+$0x0]  }
0x86: {  	v1 =	vmov @!p0 s19;
	v0 =	vmul.u32 @!p0 $0x80, v0  }
0x87: {  	v1 =	vshll.u32 @!p0 v1, $0x7  }
0x88: {  	v1 =	vor.u32 @!p0 v0, v1;
	s18 =	sand.u32 @!p0 $0x7F, s18  }
0x89: {  	v1 =	vor.u32 @!p0 s18, v1;
	_ =	sdelay $0x1  }
0x8a: {  	s20 =	sor.u32 @!p0 $0x10, s19  }
0x8b: {  	v2 =	vmov @!p0 s20  }
0x8c: {  	s20 =	simm.s32 @!p0 $0x200;
	v2 =	vshll.u32 @!p0 v2, $0x7  }
0x8d: {  	v2 =	vor.u32 @!p0 v0, v2;
	v1 =	vld.idx.msk @!p0 [tilespmem:v1+s20+$0x0], $0xffff  }
0x8e: {  	v2 =	vor.u32 @!p0 s18, v2;
	_ =	sdelay $0x1  }
0x8f: {  	s21 =	sor.u32 @!p0 $0x20, s19  }
0x90: {  	v3 =	vmov @!p0 s21;
	s21 =	sand.u32 @!p0 $0x7FC0, s13  }
0x91: {  	[tilespmem:s21+$0x4180] =	vst @!p0 v1;
	v1 =	vshll.u32 @!p0 v3, $0x7  }
0x92: {  	v2 =	vld.idx.msk @!p0 [tilespmem:v2+s20+$0x0], $0xffff;
	v1 =	vor.u32 @!p0 v0, v1  }
0x93: {  	v1 =	vor.u32 @!p0 s18, v1;
	_ =	sdelay $0x1  }
0x94: {  	s19 =	sor.u32 @!p0 $0x30, s19  }
0x95: {  	v3 =	vmov @!p0 s19  }
0x96: {  	[tilespmem:s15+$0x0] =	vst @!p0 v2;
	v2 =	vshll.u32 @!p0 v3, $0x7  }
0x97: {  	v0 =	vor.u32 @!p0 v0, v2;
	v1 =	vld.idx.msk @!p0 [tilespmem:v1+s20+$0x0], $0xffff  }
0x98: {  	v0 =	vor.u32 @!p0 s18, v0;
	_ =	sdelay $0x3  }
0x99: {  	[tilespmem:s15+$0x10] =	vst @!p0 v1  }
0x9a: {  	v0 =	vld.idx.msk @!p0 [tilespmem:v0+s20+$0x0], $0xffff  }
0x9b: {  	p1 =	sgt.u32 @!p0 s17, $0xFF  }
0x9c: {  	p1 =	por p0, !p1  }
0x9d: {  	s18 =	sand.u32 @p1 $0xFF, s17  }
0x9e: {  	s19 =	sand.u32 @p1 $0x2000, s16;
	s16 =	sadd.s32 $0x2000, s16;
	s18 =	sor.u32 @p1 $0x100, s18  }
0x9f: {  	s18 =	sld @p1 [smem:s18+$0x0];
	[tilespmem:s15+$0x20] =	vst @!p0 v0;
	p0 =	sne.s32 s16, $0x204000  }
.Ltmp2:
0xa0: {  	_ = 	snop;
	(pc) =	sbr.rel @p0 .LBB2_6-.Ltmp2, $4  }
0xa1: {  	s13 =	sadd.s32 $0x40, s13  }
0xa2: {  	s14 =	sadd.s32 $0x1, s14;
	s19 =	sor.u32 @p1 $0x200, s19;
	s18 =	sand.u32 @p1 $0xFFFFF80, s18  }
0xa3: {  	s17 =	sadd.s32 $0x1, s17;
	s18 =	sadd.s32 @p1 s2, s18;
	s15 =	sadd.s32 $0x40, s15  }
0xa4: {  	[tilespmem:s19], [sflag:$0x1] =	stream.strided.gather @p1 [hbm4b:s18+s9], $0x2000, s10, s9, $0x38;
	[tilespmem:$0x8200] =	vst v63  }
0xa5: {  	s12 =	sadd.s32 $0x1, s12  }
0xa6: {  	p0 =	sne.s32 s12, s7  }
.Ltmp3:
0xa7: {  	_ = 	snop;
	(pc) =	sbr.rel @p0 .LBB2_1-.Ltmp3, $4  }
0xa8: {  	[hbm4b:s6+s3] =	stream.linear.scatter [tilespmem:s11], [sflag:$0x2], $0x4000, $0x38;
	[tilespmem:$0x8200] =	vst v63  }
0xa9: {  	_ =	swait.ge [sflag:s8], $0x4000  }
0xaa: {  	[sflag:s8] =	ssyncset.done $0x0  }
0xab: {  	[sflag:s8] =	ssyncadd.s32 $0xFFFFC000  }
0xac: {  	_ =	sfence.sel $0x180000  }
0xad: {  	[bflag:$0x0] =	sbarrier.arrive $0xFFFF  }
0xae: {  	p0 =	sne.s32 s1, $0x0;
	_ =	strace $0x90000047  }
0xaf: {  	s0 =	sadd.s32 @!p0 $0x100000, s0;
	[bflag:$0x2] =	sbarrier.arrive $0xFFFF  }
0xb0: {  	[sflag:s0] =	ssyncadd.tile.s32 @!p0 $0x1;
	_ =	shalt  }
.Lfunc_end2:
_tile_overlayer_lowered:
.L_overlay_start_2:
0xb1: {  	(tag) =	ssettag $0x2  }
0xb2: {  	s0 =	rddreg [dreg:$0x0];
	s2 =	stileid.u32  }
0xb3: {  	s1 =	rddreg [dreg:$0x1];
	p0 =	sne.s32 s2, $0x0  }
0xb4: {  	s3 =	rddreg [dreg:$0x2];
	[bflag:$0x3] =	sbarrier.arrive $0xFFFF;
	s2 =	simm.s32 @!p0 $0x1C02  }
0xb5: {  	[timem:s3], [sflag:s2] =	dma.local @!p0 [hbm:s0], s1  }
0xb6: {  	s0 =	simm.s32 @!p0 $0x2  }
0xb7: {  	_ =	swait.ge @!p0 [sflag:s0], s1  }
0xb8: {  	s1 =	ssub.s32 @!p0 $0x0, s1;
	[sflag:s0] =	ssyncset.done @!p0 $0x0  }
0xb9: {  	[sflag:s0] =	ssyncadd.s32 @!p0 s1  }
0xba: {  	[bflag:$0x3] =	sbarrier.arrive $0xFFFF  }
0xbb: {  	_ =	shalt  }

// kernel: kernel.8.cloned.1.call-start
scs
__scs_entry_jumppad:
0x0: {  	(pc) =	sbr.rel $0x88, $3  }
0x1: {  	(tag) =	ssettag $0x0;
	lr =	simm.s32 $0x1  }
0x2: {  	[smem:$0x3F9C] =	sst lr;
	_ =	strace $0xD0000000  }
0x3: {  	_ = 	snop  }
0x4: {  	_ = 	snop  }
0x5: {  	_ = 	snop  }
0x6: {  	_ = 	snop  }
0x7: {  	_ = 	snop  }
__scs_overlays_trampoline_lowered:
0x8: {  	[smem:$0x3FAB] =	sst s0  }
0x9: {  	[smem:$0x3FAC] =	sst s1  }
0xa: {  	[smem:$0x3FAD] =	sst s2  }
0xb: {  	[smem:$0x3FAE] =	sst s3  }
0xc: {  	[smem:$0x3FAF] =	sst s4  }
0xd: {  	[smem:$0x3FB0] =	sst s5  }
0xe: {  	[smem:$0x3FB1] =	sst s6  }
0xf: {  	[smem:$0x3FB2] =	sst s7  }
0x10: {  	[smem:$0x3FB3] =	sst s8  }
0x11: {  	[smem:$0x3FB4] =	sst s9;
	s0 =	simm.s32 @!p0 $0x0  }
0x12: {  	s1 =	sld [smem:$0x3F9A];
	s0 =	simm.s32 @p0 $0x1  }
0x13: {  	[smem:$0x3FB5] =	sst s0;
	s0 =	simm.s32 @!p1 $0x0  }
0x14: {  	s2 =	sld [smem:$0x3F99];
	s0 =	simm.s32 @p1 $0x1  }
0x15: {  	[smem:$0x3FB6] =	sst s0;
	s0 =	simm.s32 @!p2 $0x0  }
0x16: {  	s3 =	sld [smem:$0x3FDB];
	s0 =	simm.s32 @p2 $0x1  }
0x17: {  	s4 =	simm.s32 $0x1BF5;
	[smem:$0x3FB8] =	sst s0  }
0x18: {  	s0 =	sld [smem:$0x3F9B];
	_ =	swait.ge [sflag:s4], $0x0  }
0x19: {  	s7 =	sld [smem:$0x3F9C]  }
0x1a: {  	s8 =	sadd.s32 $0xFFFFE003, lr  }
0x1b: {  	s9 =	sadd.s32 $0xFFFFFEF7, lr;
	s5 =	simm.s32 $0xFFFFFFFF;
	p2 =	slt.u32 s8, $0xFFFFF086  }
0x1c: {  	p1 =	slt.u32 s9, $0xF7A;
	s5 =	simm.s32 @!p2 $0x0  }
0x1d: {  	s5 =	simm.s32 @p1 $0x1;
	p0 =	seq.s32 s7, s2  }
0x1e: {  	s7 =	smul.u32 @!p0 $0xF7A, s2;
	p2 =	seq.s32 @!p0 s5, $0x0  }
0x1f: {  	s9 =	smul.u32 $0xF7A, s1;
	s8 =	simm.s32 @!p0 $0x1BF5;
	p2 =	por !p2, p0  }
0x20: {  	[sflag:s8] =	ssyncset.s32 @!p0 $0xFFFFF086;
	s6 =	sadd.s32 @!p0 s3, s7;
	s7 =	simm.s32 @!p0 $0x108  }
0x21: {  	s3 =	sadd.s32 s3, s9;
	s6 =	sadd.s32 @!p0 $0x88, s6;
	s7 =	simm.s32 @p2 $0x1082  }
0x22: {  	[simem:s7], [sflag:s8] =	dma.local @!p0 [hbm:s6], $0xF7A  }
0x23: {  	s9 =	sor.u32 $0xD0000000, s2;
	s6 =	simm.s32 $0x108;
	_ =	swait.ge @!p0 [sflag:s8], $0x0  }
0x24: {  	s3 =	sadd.s32 $0x88, s3;
	s6 =	simm.s32 @!p1 $0x1082;
	[sflag:s4] =	ssyncset.s32 $0xFFFFF086  }
0x25: {  	[simem:s6], [sflag:s4] =	dma.local [hbm:s3], $0xF7A  }
0x26: {  	[smem:$0x3F9C] =	sst s1;
	(tag) =	ssettag s2;
	_ =	strace s9  }
0x27: {  	s1 =	sld [smem:$0x3FAC]  }
0x28: {  	s2 =	sld [smem:$0x3FAD]  }
0x29: {  	s4 =	sld [smem:$0x3FAF]  }
0x2a: {  	p0 =	seq.s32 s5, $0x0;
	s5 =	sld [smem:$0x3FB0]  }
0x2b: {  	s6 =	sld [smem:$0x3FB1]  }
0x2c: {  	s7 =	sld [smem:$0x3FB2]  }
0x2d: {  	s3 =	simm.s32 $0x108;
	s8 =	sld [smem:$0x3FB3]  }
0x2e: {  	s3 =	simm.s32 @!p0 $0x1082;
	s9 =	sld [smem:$0x3FB4]  }
0x2f: {  	lr =	sadd.s32 s0, s3;
	s0 =	sld [smem:$0x3FAB]  }
0x30: {  	s3 =	sld [smem:$0x3FAE]  }
0x31: {  	[smem:$0x3FB7] =	sst s10  }
0x32: {  	s10 =	sld [smem:$0x3FB5];
	_ =	sdelay $0x3  }
0x33: {  	p0 =	seq.s32 s10, $0x1;
	s10 =	sld [smem:$0x3FB7];
	_ =	sdelay $0x3  }
0x34: {  	[smem:$0x3FB7] =	sst s10  }
0x35: {  	s10 =	sld [smem:$0x3FB6];
	_ =	sdelay $0x3  }
0x36: {  	p1 =	seq.s32 s10, $0x1;
	s10 =	sld [smem:$0x3FB7];
	_ =	sdelay $0x3  }
0x37: {  	[smem:$0x3FB7] =	sst s10  }
0x38: {  	s10 =	sld [smem:$0x3FB8]  }
0x39: {  	_ = 	snop;
	(pc) =	sbr.ind lr, $3  }
0x3a: {  	_ = 	snop  }
0x3b: {  	_ = 	snop  }
0x3c: {  	p2 =	seq.s32 s10, $0x1;
	s10 =	sld [smem:$0x3FB7]  }
0x3d: {  	_ =	shalt  }
0x3e: {  	_ =	shalt  }
0x3f: {  	_ =	shalt  }
0x40: {  	_ =	shalt  }
0x41: {  	_ =	shalt  }
0x42: {  	_ =	shalt  }
0x43: {  	_ =	shalt  }
0x44: {  	_ =	shalt  }
0x45: {  	_ =	shalt  }
0x46: {  	_ =	shalt  }
0x47: {  	_ =	shalt  }
0x48: {  	_ =	shalt  }
0x49: {  	_ =	shalt  }
0x4a: {  	_ =	shalt  }
0x4b: {  	_ =	shalt  }
0x4c: {  	_ =	shalt  }
0x4d: {  	_ =	shalt  }
0x4e: {  	_ =	shalt  }
0x4f: {  	_ =	shalt  }
0x50: {  	_ =	shalt  }
0x51: {  	_ =	shalt  }
0x52: {  	_ =	shalt  }
0x53: {  	_ =	shalt  }
0x54: {  	_ =	shalt  }
0x55: {  	_ =	shalt  }
0x56: {  	_ =	shalt  }
0x57: {  	_ =	shalt  }
0x58: {  	_ =	shalt  }
0x59: {  	_ =	shalt  }
0x5a: {  	_ =	shalt  }
0x5b: {  	_ =	shalt  }
0x5c: {  	_ =	shalt  }
0x5d: {  	_ =	shalt  }
0x5e: {  	_ =	shalt  }
0x5f: {  	_ =	shalt  }
0x60: {  	_ =	shalt  }
0x61: {  	_ =	shalt  }
0x62: {  	_ =	shalt  }
0x63: {  	_ =	shalt  }
0x64: {  	_ =	shalt  }
0x65: {  	_ =	shalt  }
0x66: {  	_ =	shalt  }
0x67: {  	_ =	shalt  }
0x68: {  	_ =	shalt  }
0x69: {  	_ =	shalt  }
0x6a: {  	_ =	shalt  }
0x6b: {  	_ =	shalt  }
0x6c: {  	_ =	shalt  }
0x6d: {  	_ =	shalt  }
0x6e: {  	_ =	shalt  }
0x6f: {  	_ =	shalt  }
0x70: {  	_ =	shalt  }
0x71: {  	_ =	shalt  }
0x72: {  	_ =	shalt  }
0x73: {  	_ =	shalt  }
0x74: {  	_ =	shalt  }
0x75: {  	_ =	shalt  }
0x76: {  	_ =	shalt  }
0x77: {  	_ =	shalt  }
0x78: {  	_ =	shalt  }
0x79: {  	_ =	shalt  }
0x7a: {  	_ =	shalt  }
0x7b: {  	_ =	shalt  }
0x7c: {  	_ =	shalt  }
0x7d: {  	_ =	shalt  }
0x7e: {  	_ =	shalt  }
0x7f: {  	_ =	shalt  }
0x80: {  	_ =	shalt  }
0x81: {  	_ =	shalt  }
0x82: {  	_ =	shalt  }
0x83: {  	_ =	shalt  }
0x84: {  	_ =	shalt  }
0x85: {  	_ =	shalt  }
0x86: {  	_ =	shalt  }
0x87: {  	_ =	shalt  }
.Lfunc_end0:
.L_simem_size_0:
called_computation.1_lowered:
.L_overlay_start_0:
0x88: {  	s2 =	sld [smem:$0x3FD9]  }
0x89: {  	s3 =	sld [smem:$0x3FFE];
	_ =	sdelay $0x1  }
0x8a: {  	s1 =	srdreg.scid  }
0x8b: {  	s0 =	sand.u32 $0x1, s1  }
0x8c: {  	s17 =	sshll.u32 s0, $0xA;
	s2 =	sadd.s32 s3, s2  }
0x8d: {  	s2 =	sadd.s32 s2, s17  }
0x8e: {  	[smem:$0x3FC3] =	sst s2  }
0x8f: {  	_ = 	snop  }
0x90: {  	s2 =	sld [smem:$0x3FC8];
	(tm) =	ssettm $0x1  }
0x91: {  	s18 =	sld [smem:$0x3FFB];
	_ =	sdelay $0x3  }
0x92: {  	_ =	strace s18  }
0x93: {  	s3 =	sld [smem:$0x3FFC];
	_ =	sdelay $0x3  }
0x94: {  	_ =	strace s3  }
0x95: {  	s3 =	sld [smem:$0x3FFD];
	_ =	sdelay $0x3  }
0x96: {  	_ =	strace s3  }
0x97: {  	_ =	strace $0x8FFFFFFF  }
0x98: {  	s19 =	sld [smem:$0x3FDB];
	_ =	sdelay $0x1  }
0x99: {  	s4 =	simm.s32 $_scs_section_size  }
0x9a: {  	s5 =	simm.s32 $_size__tile_overlayer_lowered;
	s6 =	simm.s32 $_tile_overlayer_lowered  }
0x9b: {  	s22 =	simm.s32 $0x1BFF;
	s21 =	sshll.u32 s6, $0x1;
	s3 =	sadd.s32 s4, s19  }
0x9c: {  	s7 =	simm.s32 $0x0;
	s20 =	sshll.u32 s5, $0x1;
	s5 =	sadd.s32 s21, s3  }
0x9d: {  	[timem:s7], [sflag:s22] =	dma.local [hbm:s5], s20  }
0x9e: {  	_ =	swait.ge [sflag:s22], s20  }
0x9f: {  	s4 =	ssub.s32 $0x0, s20;
	[sflag:s22] =	ssyncset.done $0x0  }
0xa0: {  	[sflag:s22] =	ssyncadd.s32 s4;
	_ =	sdelay $0x1  }
0xa1: {  	s23 =	simm.s32 $0x1B8B  }
0xa2: {  	_ =	swait.ge [sflag:s23], $0x1  }
0xa3: {  	[sflag:s23] =	ssyncset.done $0x0  }
0xa4: {  	s25 =	simm.s32 $0x1B8E;
	s24 =	sld [smem:$0x3FFE];
	[sflag:s23] =	ssyncadd.s32 $0xFFFFFFFF  }
0xa5: {  	s26 =	simm.s32 $execute0_lowered;
	[smem:$0x3FD2] =	sst s25  }
0xa6: {  	s5 =	sshll.u32 s26, $0x1;
	_ =	strace $0x80000049;
	[dreg:$0x1] =	wrdreg $0xFFFFFFFF  }
0xa7: {  	s28 =	simm.s32 $_size_execute0_lowered;
	s3 =	sadd.s32 s3, s5;
	[dreg:$0x0] =	wrdreg $0x0  }
0xa8: {  	s5 =	sshll.u32 s28, $0x1;
	[dreg:$0x2] =	wrdreg s3  }
0xa9: {  	[dreg:$0x3] =	wrdreg s5  }
0xaa: {  	[dreg:$0x4] =	wrdreg $0xC0  }
0xab: {  	_ =	task [dreg:s7], $0x5FFFF  }
0xac: {  	[dreg:$0x1] =	wrdreg $0xFFFFFFFF  }
0xad: {  	[dreg:$0x0] =	wrdreg $0x60  }
0xae: {  	[dreg:$0x2] =	wrdreg s2  }
0xaf: {  	[dreg:$0x3] =	wrdreg s24  }
0xb0: {  	[dreg:$0x4] =	wrdreg $0x9  }
0xb1: {  	_ =	task.clear_ibuf [dreg:s7], $0x5FFFF;
	_ =	strace $0x90000049  }
0xb2: {  	s29 =	simm.s32 $0x9;
	_ =	strace $0x8000004B  }
0xb3: {  	_ =	swait.ge [sflag:s29], $0x1  }
0xb4: {  	[sflag:s29] =	ssyncadd.s32 $0xFFFFFFFF  }
0xb5: {  	_ =	strace $0x9000004B  }
0xb6: {  	_ =	sfence  }
0xb7: {  	s30 =	sld [smem:$0x0];
	_ =	sdelay $0x2  }
0xb8: {  	s31 =	sshll.u32 s1, $0xD;
	s1 =	sshrl.u32 s1, $0x2  }
0xb9: {  	s3 =	sand.u32 $0x4000, s31;
	s1 =	sadd.s32 s1, s30  }
0xba: {  	s0 =	sor.u32 s3, s0;
	s1 =	sshll.u32 s1, $0x11  }
0xbb: {  	s0 =	sor.u32 s1, s0  }
0xbc: {  	s0 =	sadd.s32 $0x8F2B, s0  }
0xbd: {  	[sflag:s0] =	ssyncadd.remote.s32 $0x1  }
0xbe: {  	_ =	sfence.sel $0xFFFF  }
0xbf: {  	[dreg:$0x0] =	wrdreg $0xFFFFFFFF;
	(pc) =	sbr.abs _section_cstart, $3  }
0xc0: {  	[dreg:$0x1] =	wrdreg $0xFFFFFFFF  }
0xc1: {  	_ =	task.clear_ibuf [dreg:s7], $0x2FFFF;
	_ =	strace $0x9FFFFFFF  }
0xc2: {  	(tm) =	ssettm $0x7FFFFFFF  }
0xc3: {  	_ =	shalt  }
tec
execute0_lowered:
.L_overlay_start_1:
0x0: {  	(tag) =	ssettag $0x1  }
0x1: {  	s0 =	rddreg [dreg:$0x0]  }
0x2: {  	s1 =	rddreg [dreg:$0x1];
	s3 =	srdreg.scid  }
0x3: {  	s5 =	stileid.u32;
	s2 =	simm.s32 $0x0;
	s4 =	sand.u32 $0x1, s3  }
0x4: {  	s25 =	sshll.u32 s5, $0x1;
	[smem:$0x7FF] =	sst s2;
	s3 =	sadd.s32 $0x30C00, s1  }
0x5: {  	s5 =	sor.u32 s4, s25;
	_ =	strace $0x8000004A;
	s4 =	ssub.s32 $0x2, s4  }
0x6: {  	s6 =	sshll.u32 s5, $0xC;
	s7 =	sshll.u32 s5, $0xB;
	s5 =	sshll.u32 s5, $0x6  }
0x7: {  	s6 =	sadd.s32 s6, s1;
	s1 =	sadd.s32 s7, s1;
	s0 =	sadd.s32 s0, s5  }
.Ltmp0:
0x8: {  	[dreg:$0x3] =	wrdreg s0;
	s28 =	sadd.s32 $0x20C00, s1;
	(pc) =	sbr.rel .LBB2_1-.Ltmp0, $4  }
0x9: {  	s26 =	sshrl.u32 s4, $0x1;
	s29 =	sadd.s32 $0xC00, s6;
	[dreg:$0x4] =	wrdreg s28  }
0xa: {  	s4 =	ssub.s32 s4, s26;
	s30 =	sadd.s32 $0x2645E00, s1;
	[dreg:$0x5] =	wrdreg s29  }
0xb: {  	s9 =	simm.s32 $0x2;
	v0 =	vlaneseq.u32;
	vm0 =	vcmask $0x300;
	vm1 =	vcmask $0x704;
	s31 =	smax.u32 s4, $0x1;
	[dreg:$0x6] =	wrdreg s30  }
0xc: {  	s12 =	simm.s32 $0x1;
	vm2 =	vcmask $0xB08;
	vm3 =	vcmask $0xF0C;
	vm4 =	vcmask $0x1310;
	s14 =	simm.s32 $0x0;
	[dreg:$0x7] =	wrdreg s31  }
.LBB2_7:
0xd: {  	s0 =	rddreg [dreg:$0x6];
	s1 =	simm.s32 $0x1BE00  }
0xe: {  	[hbm4b:s0+s2] =	stream.linear.scatter [tilespmem:s1], [sflag:$0x2], $0x4000, $0x38;
	[tilespmem:$0x1FE00] =	vst v63  }
0xf: {  	_ =	swait.ge [sflag:s9], $0x4000  }
0x10: {  	s14 =	sadd.s32 $0x1, s14;
	s31 =	rddreg [dreg:$0x7]  }
0x11: {  	p0 =	sne.s32 s14, s31  }
.Ltmp1:
0x12: {  	_ = 	snop;
	(pc) =	sbr.rel @!p0 .LBB2_8-.Ltmp1, $3  }
0x13: {  	_ =	sdelay $0x1  }
0x14: {  	[sflag:s9] =	ssyncset.done $0x0  }
0x15: {  	[sflag:s9] =	ssyncadd.s32 $0xFFFFC000  }
.LBB2_1:
0x16: {  	s0 =	rddreg [dreg:$0x3]  }
0x17: {  	[tilespmem:s2], [sflag:$0x2] =	stream.linear.gather [hbm4b:s0+s2], $0x200, $0x38;
	[tilespmem:$0x1FE00] =	vst v63  }
0x18: {  	_ =	swait.ge [sflag:s9], $0x200  }
0x19: {  	[sflag:s9] =	ssyncset.done $0x0  }
0x1a: {  	s1 =	simm.s32 $0x200;
	s25 =	rddreg [dreg:$0x4];
	[sflag:s9] =	ssyncadd.s32 $0xFFFFFE00  }
0x1b: {  	[tilespmem:s1], [sflag:$0x2] =	stream.linear.gather [hbm4b:s25+s2], $0x4000, $0x38;
	[tilespmem:$0x1FE00] =	vst v63  }
0x1c: {  	_ =	swait.ge [sflag:s9], $0x4000  }
0x1d: {  	[sflag:s9] =	ssyncset.done $0x0  }
0x1e: {  	s28 =	simm.s32 $0x4200;
	s26 =	rddreg [dreg:$0x5];
	[sflag:s9] =	ssyncadd.s32 $0xFFFFC000  }
0x1f: {  	[tilespmem:s28], [sflag:$0x2] =	stream.linear.gather [hbm4b:s26+s2], $0x8000, $0x38;
	[tilespmem:$0x1FE00] =	vst v63  }
0x20: {  	_ =	swait.ge [sflag:s9], $0x8000  }
0x21: {  	[sflag:s9] =	ssyncset.done $0x0  }
0x22: {  	s29 =	sand.u32 $0x1F0, s2;
	[sflag:s9] =	ssyncadd.s32 $0xFFFF8000  }
0x23: {  	v2 =	vld [tilespmem:s29+$0x0];
	_ =	sdelay $0x4  }
0x24: {  	(v2sf) =	vpush v2, $0x0;
	_ =	sdelay $0xa  }
0x25: {  	s30 =	simm.s32 $0x10  }
0x26: {  	s0 =	sand.u32 $0x1F0, s30  }
0x27: {  	v1 =	vld [tilespmem:s0+$0x0]  }
0x28: {  	(v2sf) =	vpush v2, $0x1  }
0x29: {  	(v2sf) =	vpush v2, $0x2;
	s31 =	spop (v2sf)  }
0x2a: {  	(v2sf) =	vpush v2, $0x3;
	[smem:$0x0] =	sst s31  }
0x2b: {  	(v2sf) =	vpush v2, $0x4  }
0x2c: {  	(v2sf) =	vpush v1, $0x0  }
0x2d: {  	(v2sf) =	vpush v2, $0x5  }
0x2e: {  	(v2sf) =	vpush v2, $0x6  }
0x2f: {  	(v2sf) =	vpush v2, $0x7  }
0x30: {  	(v2sf) =	vpush v2, $0x8  }
0x31: {  	(v2sf) =	vpush v2, $0x9  }
0x32: {  	(v2sf) =	vpush v2, $0xA  }
0x33: {  	(v2sf) =	vpush v2, $0xB  }
0x34: {  	(v2sf) =	vpush v2, $0xC  }
0x35: {  	(v2sf) =	vpush v2, $0xD  }
0x36: {  	s4 =	simm.s32 $0x20;
	s1 =	simm.s32 $0x8;
	s0 =	simm.s32 $0x8;
	(v2sf) =	vpush v2, $0xE  }
.LBB2_2:
0x37: {  	s5 =	sand.u32 $0x1F0, s4;
	p0 =	sne.s32 s4, $0x1F0;
	s6 =	spop (v2sf);
	(v2sf) =	vpush v2, $0xF;
	v2 =	vmov v1  }
0x38: {  	v1 =	vld [tilespmem:s5+$0x0];
	[smem:s1+$0xFFFFFFF9] =	sst s6;
	s5 =	spop (v2sf)  }
0x39: {  	(v2sf) =	vpush v2, $0x1;
	[smem:s1+$0xFFFFFFFA] =	sst s5;
	s5 =	spop (v2sf)  }
0x3a: {  	(v2sf) =	vpush v2, $0x2;
	[smem:s1+$0xFFFFFFFB] =	sst s5;
	s5 =	spop (v2sf)  }
0x3b: {  	s1 =	sadd.s32 $0x10, s1;
	s6 =	spop (v2sf);
	(v2sf) =	vpush v2, $0x3;
	[smem:s0+$0xFFFFFFFC] =	sst s5  }
0x3c: {  	[smem:s1+$0xFFFFFFF8] =	sst s6;
	(v2sf) =	vpush v2, $0x4;
	s5 =	spop (v2sf)  }
0x3d: {  	(v2sf) =	vpush v1, $0x0;
	[smem:s0+$0xFFFFFFFD] =	sst s5;
	s5 =	spop (v2sf)  }
0x3e: {  	(v2sf) =	vpush v2, $0x5;
	[smem:s0+$0xFFFFFFFE] =	sst s5;
	s5 =	spop (v2sf)  }
0x3f: {  	(v2sf) =	vpush v2, $0x6;
	[smem:s0+$0xFFFFFFFF] =	sst s5;
	s5 =	spop (v2sf)  }
0x40: {  	(v2sf) =	vpush v2, $0x7;
	[smem:s0] =	sst s5;
	s5 =	spop (v2sf)  }
0x41: {  	(v2sf) =	vpush v2, $0x8;
	[smem:s0+$0x1] =	sst s5;
	s5 =	spop (v2sf)  }
0x42: {  	(v2sf) =	vpush v2, $0x9;
	[smem:s0+$0x2] =	sst s5;
	s5 =	spop (v2sf)  }
0x43: {  	[smem:s0+$0x3] =	sst s5  }
.Ltmp2:
0x44: {  	(v2sf) =	vpush v2, $0xA;
	s5 =	spop (v2sf);
	(pc) =	sbr.rel @p0 .LBB2_2-.Ltmp2, $4  }
0x45: {  	(v2sf) =	vpush v2, $0xB;
	[smem:s0+$0x4] =	sst s5;
	s5 =	spop (v2sf)  }
0x46: {  	(v2sf) =	vpush v2, $0xC;
	[smem:s0+$0x5] =	sst s5;
	s5 =	spop (v2sf)  }
0x47: {  	(v2sf) =	vpush v2, $0xD;
	[smem:s0+$0x6] =	sst s5;
	s5 =	spop (v2sf)  }
0x48: {  	s4 =	sadd.s32 $0x10, s4;
	(v2sf) =	vpush v2, $0xE;
	[smem:s0+$0x7] =	sst s5;
	s0 =	smov.u32 s1  }
0x49: {  	s4 =	spop (v2sf);
	(v2sf) =	vpush v2, $0xF  }
0x4a: {  	[smem:s1+$0xFFFFFFF9] =	sst s4;
	s25 =	spop (v2sf);
	(v2sf) =	vpush v1, $0x1  }
0x4b: {  	[smem:s1+$0xFFFFFFFA] =	sst s25;
	s26 =	spop (v2sf);
	(v2sf) =	vpush v1, $0x2  }
0x4c: {  	[smem:s1+$0xFFFFFFFB] =	sst s26;
	s28 =	spop (v2sf);
	(v2sf) =	vpush v1, $0x3  }
0x4d: {  	s1 =	sadd.s32 $0x10, s1;
	s5 =	spop (v2sf);
	[smem:s0+$0xFFFFFFFC] =	sst s28;
	(v2sf) =	vpush v1, $0x4  }
0x4e: {  	[smem:s1+$0xFFFFFFF8] =	sst s5;
	s29 =	spop (v2sf);
	(v2sf) =	vpush v1, $0x5  }
0x4f: {  	[smem:s0+$0xFFFFFFFD] =	sst s29;
	s30 =	spop (v2sf);
	(v2sf) =	vpush v1, $0x6  }
0x50: {  	[smem:s0+$0xFFFFFFFE] =	sst s30;
	s31 =	spop (v2sf);
	(v2sf) =	vpush v1, $0x7  }
0x51: {  	[smem:s0+$0xFFFFFFFF] =	sst s31;
	s5 =	spop (v2sf);
	(v2sf) =	vpush v1, $0x8  }
0x52: {  	[smem:s0] =	sst s5;
	s6 =	spop (v2sf);
	(v2sf) =	vpush v1, $0x9  }
0x53: {  	[smem:s0+$0x1] =	sst s6;
	s7 =	spop (v2sf);
	(v2sf) =	vpush v1, $0xA  }
0x54: {  	[smem:s0+$0x2] =	sst s7;
	s8 =	spop (v2sf);
	(v2sf) =	vpush v1, $0xB  }
0x55: {  	[smem:s0+$0x3] =	sst s8;
	s10 =	spop (v2sf)  }
0x56: {  	(v2sf) =	vpush v1, $0xC;
	[smem:s0+$0x4] =	sst s10;
	s11 =	spop (v2sf)  }
0x57: {  	(v2sf) =	vpush v1, $0xD;
	[smem:s0+$0x5] =	sst s11;
	s13 =	spop (v2sf)  }
0x58: {  	(v2sf) =	vpush v1, $0xE;
	[smem:s0+$0x6] =	sst s13;
	s15 =	spop (v2sf)  }
0x59: {  	(v2sf) =	vpush v1, $0xF;
	[smem:s0+$0x7] =	sst s15;
	s16 =	spop (v2sf)  }
0x5a: {  	[smem:s1+$0xFFFFFFF9] =	sst s16;
	s17 =	spop (v2sf)  }
0x5b: {  	[smem:s1+$0xFFFFFFFA] =	sst s17;
	s18 =	spop (v2sf)  }
0x5c: {  	[smem:s1+$0xFFFFFFFB] =	sst s18;
	s19 =	spop (v2sf)  }
0x5d: {  	[smem:s1+$0xFFFFFFFC] =	sst s19;
	s20 =	spop (v2sf)  }
0x5e: {  	[smem:s1+$0xFFFFFFFD] =	sst s20;
	s21 =	spop (v2sf)  }
0x5f: {  	[smem:s1+$0xFFFFFFFE] =	sst s21;
	s22 =	spop (v2sf)  }
0x60: {  	[smem:s1+$0xFFFFFFFF] =	sst s22;
	s23 =	spop (v2sf)  }
0x61: {  	[smem:s1] =	sst s23;
	s24 =	spop (v2sf)  }
0x62: {  	[smem:s1+$0x1] =	sst s24;
	s25 =	spop (v2sf)  }
0x63: {  	[smem:s1+$0x2] =	sst s25;
	s26 =	spop (v2sf)  }
0x64: {  	[smem:s1+$0x3] =	sst s26  }
.Ltmp3:
0x65: {  	s28 =	spop (v2sf);
	(pc) =	sbr.rel .LBB2_4-.Ltmp3, $4  }
0x66: {  	s15 =	simm.s32 $0x0;
	[smem:s1+$0x4] =	sst s28;
	s29 =	spop (v2sf)  }
0x67: {  	s16 =	simm.s32 $0xFFFFFFC0;
	[smem:s1+$0x5] =	sst s29;
	s30 =	spop (v2sf)  }
0x68: {  	s17 =	simm.s32 $0x4180;
	[smem:s1+$0x6] =	sst s30;
	s31 =	spop (v2sf)  }
0x69: {  	s18 =	simm.s32 $0x1BDC0;
	s19 =	simm.s32 $0x0;
	[smem:s1+$0x7] =	sst s31  }
.LBB2_6:
0x6a: {  	s19 =	sadd.s32 $0x1, s19  }
0x6b: {  	p0 =	sne.s32 s19, $0x202  }
.Ltmp4:
0x6c: {  	_ = 	snop;
	(pc) =	sbr.rel @!p0 .LBB2_7-.Ltmp4, $3  }
0x6d: {  	_ =	sdelay $0x1  }
0x6e: {  	s16 =	sadd.s32 $0x20, s16  }
0x6f: {  	s17 =	sadd.s32 $0x40, s17;
	s18 =	sadd.s32 $0x20, s18;
	s15 =	sadd.s32 $0x1, s15  }
.LBB2_4:
0x70: {  	p0 =	sgt.u32 s19, $0x1FF  }
0x71: {  	s0 =	smul.u32 @!p0 $0xAAAB, s19;
	_ =	sdelay $0x1  }
0x72: {  	s0 =	sshrl.u32 @!p0 s0, $0x11  }
0x73: {  	s0 =	smul.u32 @!p0 $0x3, s0;
	_ =	sdelay $0x1  }
0x74: {  	s1 =	sld @!p0 [smem:s15+$0x0];
	s0 =	ssub.s32 @!p0 s19, s0  }
0x75: {  	s0 =	sand.u32 @!p0 $0xFFFF, s0  }
0x76: {  	s0 =	smul.u32 @!p0 $0x15000, s0  }
0x77: {  	s1 =	sshll.u32 @!p0 s1, $0x4  }
0x78: {  	s1 =	sand.u32 @!p0 $0xFFFFF80, s1;
	s0 =	sshrl.u32 @!p0 s0, $0x2  }
0x79: {  	s5 =	sadd.s32 @!p0 s3, s1;
	s1 =	simm.s32 @!p0 $0x0;
	s4 =	sadd.s32 @!p0 $0xC200, s0  }
0x7a: {  	[tilespmem:s4], [sflag:$0x1] =	stream.linear.gather @!p0 [hbm4b:s5+s1], $0x400, $0x38;
	[tilespmem:$0x1FE00] =	vst v63  }
0x7b: {  	s4 =	sadd.s32 @!p0 $0x40, s16  }
0x7c: {  	s4 =	sand.u32 @!p0 $0x3FE0, s4  }
0x7d: {  	v1 =	vld @!p0 [tilespmem:s4+$0x200];
	_ =	sdelay $0x4  }
0x7e: {  	v1 =	vshll.u32 @!p0 v1, $0x4  }
0x7f: {  	(v2sf) =	vpush @!p0 v1, $0x0;
	_ =	sdelay $0x3  }
0x80: {  	(v2sf) =	vpush @!p0 v1, $0x1;
	_ =	sdelay $0x3  }
0x81: {  	(v2sf) =	vpush @!p0 v1, $0x2;
	_ =	sdelay $0x3  }
0x82: {  	(v2sf) =	vpush @!p0 v1, $0x3;
	_ =	sdelay $0x2  }
0x83: {  	s5 =	spop @!p0 (v2sf)  }
0x84: {  	(v2sf) =	vpush @!p0 v1, $0x4;
	s5 =	sand.u32 @!p0 $0xFFFFF80, s5  }
0x85: {  	v2 =	vld @!p0 [tilespmem:s4+$0x210];
	s4 =	sadd.s32 @!p0 $0xC600, s0;
	s5 =	sadd.s32 @!p0 s3, s5  }
0x86: {  	[tilespmem:s4], [sflag:$0x1] =	stream.linear.gather @!p0 [hbm4b:s5+s1], $0x400, $0x38;
	[tilespmem:$0x1FE00] =	vst v63  }
0x87: {  	s4 =	spop @!p0 (v2sf)  }
0x88: {  	(v2sf) =	vpush @!p0 v1, $0x5;
	s4 =	sand.u32 @!p0 $0xFFFFF80, s4  }
0x89: {  	s5 =	sadd.s32 @!p0 $0xCA00, s0;
	s4 =	sadd.s32 @!p0 s3, s4  }
0x8a: {  	[tilespmem:s5], [sflag:$0x1] =	stream.linear.gather @!p0 [hbm4b:s4+s1], $0x400, $0x38;
	[tilespmem:$0x1FE00] =	vst v63  }
0x8b: {  	s4 =	spop @!p0 (v2sf)  }
0x8c: {  	(v2sf) =	vpush @!p0 v1, $0x6;
	s4 =	sand.u32 @!p0 $0xFFFFF80, s4  }
0x8d: {  	s5 =	sadd.s32 @!p0 $0xCE00, s0;
	s4 =	sadd.s32 @!p0 s3, s4  }
0x8e: {  	[tilespmem:s5], [sflag:$0x1] =	stream.linear.gather @!p0 [hbm4b:s4+s1], $0x400, $0x38;
	[tilespmem:$0x1FE00] =	vst v63  }
0x8f: {  	s4 =	spop @!p0 (v2sf)  }
0x90: {  	(v2sf) =	vpush @!p0 v1, $0x7;
	s4 =	sand.u32 @!p0 $0xFFFFF80, s4  }
0x91: {  	s5 =	sadd.s32 @!p0 $0xD200, s0;
	s4 =	sadd.s32 @!p0 s3, s4  }
0x92: {  	[tilespmem:s5], [sflag:$0x1] =	stream.linear.gather @!p0 [hbm4b:s4+s1], $0x400, $0x38;
	[tilespmem:$0x1FE00] =	vst v63  }
0x93: {  	s4 =	spop @!p0 (v2sf)  }
0x94: {  	(v2sf) =	vpush @!p0 v1, $0x8;
	s4 =	sand.u32 @!p0 $0xFFFFF80, s4  }
0x95: {  	s5 =	sadd.s32 @!p0 $0xD600, s0;
	s4 =	sadd.s32 @!p0 s3, s4  }
0x96: {  	[tilespmem:s5], [sflag:$0x1] =	stream.linear.gather @!p0 [hbm4b:s4+s1], $0x400, $0x38;
	[tilespmem:$0x1FE00] =	vst v63  }
0x97: {  	s4 =	spop @!p0 (v2sf)  }
0x98: {  	(v2sf) =	vpush @!p0 v1, $0x9;
	s4 =	sand.u32 @!p0 $0xFFFFF80, s4  }
0x99: {  	s5 =	sadd.s32 @!p0 $0xDA00, s0;
	s4 =	sadd.s32 @!p0 s3, s4  }
0x9a: {  	[tilespmem:s5], [sflag:$0x1] =	stream.linear.gather @!p0 [hbm4b:s4+s1], $0x400, $0x38;
	[tilespmem:$0x1FE00] =	vst v63  }
0x9b: {  	s4 =	spop @!p0 (v2sf)  }
0x9c: {  	(v2sf) =	vpush @!p0 v1, $0xA;
	s4 =	sand.u32 @!p0 $0xFFFFF80, s4  }
0x9d: {  	s5 =	sadd.s32 @!p0 $0xDE00, s0;
	s4 =	sadd.s32 @!p0 s3, s4  }
0x9e: {  	[tilespmem:s5], [sflag:$0x1] =	stream.linear.gather @!p0 [hbm4b:s4+s1], $0x400, $0x38;
	[tilespmem:$0x1FE00] =	vst v63  }
0x9f: {  	s4 =	spop @!p0 (v2sf)  }
0xa0: {  	(v2sf) =	vpush @!p0 v1, $0xB;
	s4 =	sand.u32 @!p0 $0xFFFFF80, s4  }
0xa1: {  	s5 =	sadd.s32 @!p0 $0xE200, s0;
	s4 =	sadd.s32 @!p0 s3, s4  }
0xa2: {  	[tilespmem:s5], [sflag:$0x1] =	stream.linear.gather @!p0 [hbm4b:s4+s1], $0x400, $0x38;
	[tilespmem:$0x1FE00] =	vst v63  }
0xa3: {  	s4 =	spop @!p0 (v2sf)  }
0xa4: {  	(v2sf) =	vpush @!p0 v1, $0xC;
	s4 =	sand.u32 @!p0 $0xFFFFF80, s4  }
0xa5: {  	s5 =	sadd.s32 @!p0 $0xE600, s0;
	s4 =	sadd.s32 @!p0 s3, s4  }
0xa6: {  	[tilespmem:s5], [sflag:$0x1] =	stream.linear.gather @!p0 [hbm4b:s4+s1], $0x400, $0x38;
	[tilespmem:$0x1FE00] =	vst v63  }
0xa7: {  	s4 =	spop @!p0 (v2sf)  }
0xa8: {  	(v2sf) =	vpush @!p0 v1, $0xD;
	s4 =	sand.u32 @!p0 $0xFFFFF80, s4  }
0xa9: {  	s5 =	sadd.s32 @!p0 $0xEA00, s0;
	s4 =	sadd.s32 @!p0 s3, s4  }
0xaa: {  	[tilespmem:s5], [sflag:$0x1] =	stream.linear.gather @!p0 [hbm4b:s4+s1], $0x400, $0x38;
	[tilespmem:$0x1FE00] =	vst v63  }
0xab: {  	s4 =	spop @!p0 (v2sf)  }
0xac: {  	(v2sf) =	vpush @!p0 v1, $0xE;
	s4 =	sand.u32 @!p0 $0xFFFFF80, s4  }
0xad: {  	s5 =	sadd.s32 @!p0 $0xEE00, s0;
	s4 =	sadd.s32 @!p0 s3, s4  }
0xae: {  	[tilespmem:s5], [sflag:$0x1] =	stream.linear.gather @!p0 [hbm4b:s4+s1], $0x400, $0x38;
	[tilespmem:$0x1FE00] =	vst v63  }
0xaf: {  	s4 =	spop @!p0 (v2sf)  }
0xb0: {  	(v2sf) =	vpush @!p0 v1, $0xF;
	s4 =	sand.u32 @!p0 $0xFFFFF80, s4  }
0xb1: {  	s5 =	sadd.s32 @!p0 $0xF200, s0;
	s4 =	sadd.s32 @!p0 s3, s4  }
0xb2: {  	[tilespmem:s5], [sflag:$0x1] =	stream.linear.gather @!p0 [hbm4b:s4+s1], $0x400, $0x38;
	[tilespmem:$0x1FE00] =	vst v63  }
0xb3: {  	v1 =	vshll.u32 @!p0 v2, $0x4;
	s4 =	spop @!p0 (v2sf)  }
0xb4: {  	(v2sf) =	vpush @!p0 v1, $0x0;
	s4 =	sand.u32 @!p0 $0xFFFFF80, s4  }
0xb5: {  	s5 =	sadd.s32 @!p0 $0xF600, s0;
	s4 =	sadd.s32 @!p0 s3, s4  }
0xb6: {  	[tilespmem:s5], [sflag:$0x1] =	stream.linear.gather @!p0 [hbm4b:s4+s1], $0x400, $0x38;
	[tilespmem:$0x1FE00] =	vst v63  }
0xb7: {  	s4 =	spop @!p0 (v2sf)  }
0xb8: {  	(v2sf) =	vpush @!p0 v1, $0x1;
	s4 =	sand.u32 @!p0 $0xFFFFF80, s4  }
0xb9: {  	s5 =	sadd.s32 @!p0 $0xFA00, s0;
	s4 =	sadd.s32 @!p0 s3, s4  }
0xba: {  	[tilespmem:s5], [sflag:$0x1] =	stream.linear.gather @!p0 [hbm4b:s4+s1], $0x400, $0x38;
	[tilespmem:$0x1FE00] =	vst v63  }
0xbb: {  	s4 =	spop @!p0 (v2sf)  }
0xbc: {  	(v2sf) =	vpush @!p0 v1, $0x2;
	s4 =	sand.u32 @!p0 $0xFFFFF80, s4  }
0xbd: {  	s5 =	sadd.s32 @!p0 $0xFE00, s0;
	s4 =	sadd.s32 @!p0 s3, s4  }
0xbe: {  	[tilespmem:s5], [sflag:$0x1] =	stream.linear.gather @!p0 [hbm4b:s4+s1], $0x400, $0x38;
	[tilespmem:$0x1FE00] =	vst v63  }
0xbf: {  	s4 =	spop @!p0 (v2sf)  }
0xc0: {  	(v2sf) =	vpush @!p0 v1, $0x3;
	s4 =	sand.u32 @!p0 $0xFFFFF80, s4  }
0xc1: {  	s5 =	sor.u32 @!p0 $0x10200, s0;
	s4 =	sadd.s32 @!p0 s3, s4  }
0xc2: {  	[tilespmem:s5], [sflag:$0x1] =	stream.linear.gather @!p0 [hbm4b:s4+s1], $0x400, $0x38;
	[tilespmem:$0x1FE00] =	vst v63  }
0xc3: {  	s4 =	spop @!p0 (v2sf)  }
0xc4: {  	s4 =	sand.u32 @!p0 $0xFFFFF80, s4  }
0xc5: {  	s5 =	sadd.s32 @!p0 $0x10600, s0;
	s4 =	sadd.s32 @!p0 s3, s4  }
0xc6: {  	[tilespmem:s5], [sflag:$0x1] =	stream.linear.gather @!p0 [hbm4b:s4+s1], $0x400, $0x38;
	[tilespmem:$0x1FE00] =	vst v63  }
0xc7: {  	s4 =	spop @!p0 (v2sf)  }
0xc8: {  	s4 =	sand.u32 @!p0 $0xFFFFF80, s4  }
0xc9: {  	s5 =	sadd.s32 @!p0 $0x10A00, s0;
	s4 =	sadd.s32 @!p0 s3, s4  }
0xca: {  	[tilespmem:s5], [sflag:$0x1] =	stream.linear.gather @!p0 [hbm4b:s4+s1], $0x400, $0x38;
	[tilespmem:$0x1FE00] =	vst v63  }
0xcb: {  	s4 =	spop @!p0 (v2sf)  }
0xcc: {  	s4 =	sand.u32 @!p0 $0xFFFFF80, s4  }
0xcd: {  	s5 =	sadd.s32 @!p0 $0x10E00, s0;
	s4 =	sadd.s32 @!p0 s3, s4  }
0xce: {  	[tilespmem:s5], [sflag:$0x1] =	stream.linear.gather @!p0 [hbm4b:s4+s1], $0x400, $0x38;
	[tilespmem:$0x1FE00] =	vst v63  }
0xcf: {  	s4 =	spop @!p0 (v2sf)  }
0xd0: {  	s4 =	sand.u32 @!p0 $0xFFFFF80, s4  }
0xd1: {  	p1 =	slt.u32 @!p0 s19, $0x2;
	s0 =	sadd.s32 @!p0 $0x11200, s0;
	s4 =	sadd.s32 @!p0 s3, s4  }
0xd2: {  	[tilespmem:s0], [sflag:$0x1] =	stream.linear.gather @!p0 [hbm4b:s4+s1], $0x400, $0x38;
	[tilespmem:$0x1FE00] =	vst v63  }
0xd3: {  	p0 =	por p0, !p1  }
.Ltmp5:
0xd4: {  	_ = 	snop;
	(pc) =	sbr.rel @!p0 .LBB2_6-.Ltmp5, $1  }
0xd5: {  	_ =	sdelay $0x3  }
0xd6: {  	_ =	swait.ge [sflag:s12], $0x5400  }
0xd7: {  	[sflag:s12] =	ssyncset.done $0x0  }
0xd8: {  	s23 =	sand.u32 $0x7FFFFFE0, s16;
	[sflag:s12] =	ssyncadd.s32 $0xFFFFAC00  }
0xd9: {  	v6 =	vld [tilespmem:s23+$0x200];
	_ =	sdelay $0x4  }
0xda: {  	(v2sf) =	vpush v6, $0x0;
	_ =	sdelay $0x3  }
0xdb: {  	s0 =	sadd.s32 $0xFFFFFFFE, s19  }
0xdc: {  	s1 =	sand.u32 $0xFFFF, s0  }
0xdd: {  	s1 =	smul.u32 $0xAAAB, s1;
	_ =	sdelay $0x1  }
0xde: {  	s1 =	sshrl.u32 s1, $0x11  }
0xdf: {  	s1 =	smul.u32 $0x3, s1;
	_ =	sdelay $0x1  }
0xe0: {  	s11 =	sld [smem:s15+$0xFFFFFFFE];
	s0 =	ssub.s32 s0, s1  }
0xe1: {  	s0 =	smul.u32 $0xA8, s0  }
0xe2: {  	v1 =	vld [tilespmem:s17+$0x0]  }
0xe3: {  	v2 =	vld [tilespmem:s17+$0x10];
	s13 =	sand.u32 $0x7, s11;
	s20 =	sand.u32 $0xFFF8, s0  }
0xe4: {  	v3 =	vld [tilespmem:s17+$0x20];
	s0 =	sor.u32 s20, s13;
	s21 =	spop (v2sf)  }
0xe5: {  	v4 =	vld [tilespmem:s17+$0x30];
	s0 =	sshll.u32 s0, $0x7;
	s1 =	sand.u32 $0x7, s21  }
0xe6: {  	v5 =	vld [tilespmem:s0+$0xC200];
	s1 =	sor.u32 s1, s20  }
0xe7: {  	v7 =	vld [tilespmem:s0+$0xC210];
	s1 =	sshll.u32 s1, $0x7  }
0xe8: {  	v8 =	vld [tilespmem:s1+$0xC600]  }
0xe9: {  	v9 =	vld [tilespmem:s1+$0xC610]  }
0xea: {  	v10 =	vld [tilespmem:s0+$0xC220]  }
0xeb: {  	v11 =	vld [tilespmem:s1+$0xC620]  }
0xec: {  	v12 =	vld [tilespmem:s0+$0xC230]  }
0xed: {  	v5 =	vmul.f32 v5, v1;
	v7 =	vmul.f32 v7, v2;
	v13 =	vld [tilespmem:s1+$0xC630]  }
0xee: {  	v8 =	vmul.f32 v8, v1;
	v9 =	vmul.f32 v9, v2  }
0xef: {  	v49 =	vmul.f32 v10, v3;
	v5 =	vadd.f32 v7, v5  }
0xf0: {  	v50 =	vmul.f32 v11, v3;
	v8 =	vadd.f32 v9, v8  }
0xf1: {  	v51 =	vmul.f32 v12, v4;
	v5 =	vadd.f32 v49, v5  }
0xf2: {  	v52 =	vmul.f32 v13, v4;
	v8 =	vadd.f32 v50, v8  }
0xf3: {  	v5 =	vadd.f32 v51, v5  }
0xf4: {  	v53 =	vadd.f32 v52, v8  }
0xf5: {  	(xrf2) =	vadd.scan.msk.f32 $0xffff, v5  }
0xf6: {  	(xrf2) =	vadd.scan.msk.f32 $0xffff, v53;
	_ =	sdelay $0x8  }
0xf7: {  	v5, _, _ =	vpop (xrf2)  }
0xf8: {  	v7, _, _ =	vpop (xrf2)  }
0xf9: {  	(v2sf) =	vpush v7, $0xF  }
0xfa: {  	(v2sf) =	vpush v6, $0x1;
	_ =	sdelay $0xd  }
0xfb: {  	s21 =	spop (v2sf)  }
0xfc: {  	s22 =	spop (v2sf)  }
0xfd: {  	s0 =	sand.u32 $0x7, s22  }
0xfe: {  	s0 =	sor.u32 s0, s20  }
0xff: {  	s0 =	sshll.u32 s0, $0x7  }
0x100: {  	v54 =	vld [tilespmem:s0+$0xCA00]  }
0x101: {  	v55 =	vld [tilespmem:s0+$0xCA10];
	_ =	sdelay $0x1  }
0x102: {  	v56 =	vld [tilespmem:s0+$0xCA20];
	_ =	sdelay $0x1  }
0x103: {  	v57 =	vld [tilespmem:s0+$0xCA30]  }
0x104: {  	v7 =	vmul.f32 v54, v1;
	v8 =	vmul.f32 v55, v2;
	_ =	sdelay $0x1  }
0x105: {  	v58 =	vmul.f32 v56, v3;
	v7 =	vadd.f32 v8, v7;
	_ =	sdelay $0x1  }
0x106: {  	v59 =	vmul.f32 v57, v4;
	v7 =	vadd.f32 v58, v7;
	_ =	sdelay $0x1  }
0x107: {  	v7 =	vadd.f32 v59, v7;
	_ =	sdelay $0x1  }
0x108: {  	(xrf2) =	vadd.scan.msk.f32 $0xffff, v7;
	_ =	sdelay $0x9  }
0x109: {  	v7, _, _ =	vpop (xrf2)  }
0x10a: {  	(v2sf) =	vpush v7, $0xF  }
0x10b: {  	(v2sf) =	vpush v6, $0x2;
	_ =	sdelay $0xd  }
0x10c: {  	s22 =	spop (v2sf)  }
0x10d: {  	s24 =	spop (v2sf)  }
0x10e: {  	s0 =	sand.u32 $0x7, s24  }
0x10f: {  	s0 =	sor.u32 s0, s20  }
0x110: {  	s0 =	sshll.u32 s0, $0x7  }
0x111: {  	v60 =	vld [tilespmem:s0+$0xCE00]  }
0x112: {  	v61 =	vld [tilespmem:s0+$0xCE10];
	_ =	sdelay $0x1  }
0x113: {  	v62 =	vld [tilespmem:s0+$0xCE20];
	_ =	sdelay $0x1  }
0x114: {  	v63 =	vld [tilespmem:s0+$0xCE30]  }
0x115: {  	v7 =	vmul.f32 v60, v1;
	v8 =	vmul.f32 v61, v2;
	_ =	sdelay $0x1  }
0x116: {  	v12 =	vmul.f32 v62, v3;
	v7 =	vadd.f32 v8, v7;
	_ =	sdelay $0x1  }
0x117: {  	v13 =	vmul.f32 v63, v4;
	v7 =	vadd.f32 v12, v7;
	_ =	sdelay $0x1  }
0x118: {  	v7 =	vadd.f32 v13, v7;
	_ =	sdelay $0x1  }
0x119: {  	(xrf2) =	vadd.scan.msk.f32 $0xffff, v7;
	_ =	sdelay $0x9  }
0x11a: {  	v7, _, _ =	vpop (xrf2)  }
0x11b: {  	(v2sf) =	vpush v7, $0xF  }
0x11c: {  	(v2sf) =	vpush v6, $0x3;
	_ =	sdelay $0xd  }
0x11d: {  	s24 =	spop (v2sf)  }
0x11e: {  	s25 =	spop (v2sf)  }
0x11f: {  	s0 =	sand.u32 $0x7, s25  }
0x120: {  	s0 =	sor.u32 s0, s20  }
0x121: {  	s0 =	sshll.u32 s0, $0x7  }
0x122: {  	v14 =	vld [tilespmem:s0+$0xD200]  }
0x123: {  	v15 =	vld [tilespmem:s0+$0xD210];
	_ =	sdelay $0x1  }
0x124: {  	v16 =	vld [tilespmem:s0+$0xD220];
	_ =	sdelay $0x1  }
0x125: {  	v17 =	vld [tilespmem:s0+$0xD230]  }
0x126: {  	v7 =	vmul.f32 v14, v1;
	v8 =	vmul.f32 v15, v2;
	_ =	sdelay $0x1  }
0x127: {  	v18 =	vmul.f32 v16, v3;
	v7 =	vadd.f32 v8, v7;
	_ =	sdelay $0x1  }
0x128: {  	v19 =	vmul.f32 v17, v4;
	v7 =	vadd.f32 v18, v7;
	_ =	sdelay $0x1  }
0x129: {  	v7 =	vadd.f32 v19, v7;
	_ =	sdelay $0x1  }
0x12a: {  	(xrf2) =	vadd.scan.msk.f32 $0xffff, v7;
	_ =	sdelay $0x9  }
0x12b: {  	v7, _, _ =	vpop (xrf2)  }
0x12c: {  	(v2sf) =	vpush v7, $0xF  }
0x12d: {  	(v2sf) =	vpush v6, $0x4;
	_ =	sdelay $0xd  }
0x12e: {  	s25 =	spop (v2sf)  }
0x12f: {  	s26 =	spop (v2sf)  }
0x130: {  	s0 =	sand.u32 $0x7, s26  }
0x131: {  	s0 =	sor.u32 s0, s20  }
0x132: {  	s0 =	sshll.u32 s0, $0x7  }
0x133: {  	v20 =	vld [tilespmem:s0+$0xD600]  }
0x134: {  	v21 =	vld [tilespmem:s0+$0xD610];
	_ =	sdelay $0x1  }
0x135: {  	v22 =	vld [tilespmem:s0+$0xD620];
	_ =	sdelay $0x1  }
0x136: {  	v23 =	vld [tilespmem:s0+$0xD630]  }
0x137: {  	v7 =	vmul.f32 v20, v1;
	v8 =	vmul.f32 v21, v2;
	_ =	sdelay $0x1  }
0x138: {  	v24 =	vmul.f32 v22, v3;
	v7 =	vadd.f32 v8, v7;
	_ =	sdelay $0x1  }
0x139: {  	v25 =	vmul.f32 v23, v4;
	v7 =	vadd.f32 v24, v7;
	_ =	sdelay $0x1  }
0x13a: {  	v7 =	vadd.f32 v25, v7;
	_ =	sdelay $0x1  }
0x13b: {  	(xrf2) =	vadd.scan.msk.f32 $0xffff, v7;
	_ =	sdelay $0x9  }
0x13c: {  	v7, _, _ =	vpop (xrf2)  }
0x13d: {  	(v2sf) =	vpush v7, $0xF  }
0x13e: {  	(v2sf) =	vpush v6, $0x5;
	_ =	sdelay $0xd  }
0x13f: {  	s26 =	spop (v2sf)  }
0x140: {  	s28 =	spop (v2sf)  }
0x141: {  	s0 =	sand.u32 $0x7, s28  }
0x142: {  	s0 =	sor.u32 s0, s20  }
0x143: {  	s0 =	sshll.u32 s0, $0x7  }
0x144: {  	v26 =	vld [tilespmem:s0+$0xDA00]  }
0x145: {  	v27 =	vld [tilespmem:s0+$0xDA10];
	_ =	sdelay $0x1  }
0x146: {  	v28 =	vld [tilespmem:s0+$0xDA20];
	_ =	sdelay $0x1  }
0x147: {  	v29 =	vld [tilespmem:s0+$0xDA30]  }
0x148: {  	v7 =	vmul.f32 v26, v1;
	v8 =	vmul.f32 v27, v2;
	_ =	sdelay $0x1  }
0x149: {  	v30 =	vmul.f32 v28, v3;
	v7 =	vadd.f32 v8, v7;
	_ =	sdelay $0x1  }
0x14a: {  	v31 =	vmul.f32 v29, v4;
	v7 =	vadd.f32 v30, v7;
	_ =	sdelay $0x1  }
0x14b: {  	v7 =	vadd.f32 v31, v7;
	_ =	sdelay $0x1  }
0x14c: {  	(xrf2) =	vadd.scan.msk.f32 $0xffff, v7;
	_ =	sdelay $0x9  }
0x14d: {  	v7, _, _ =	vpop (xrf2)  }
0x14e: {  	(v2sf) =	vpush v7, $0xF  }
0x14f: {  	(v2sf) =	vpush v6, $0x6;
	_ =	sdelay $0xd  }
0x150: {  	s28 =	spop (v2sf)  }
0x151: {  	s29 =	spop (v2sf)  }
0x152: {  	s0 =	sand.u32 $0x7, s29  }
0x153: {  	s0 =	sor.u32 s0, s20  }
0x154: {  	s0 =	sshll.u32 s0, $0x7  }
0x155: {  	v32 =	vld [tilespmem:s0+$0xDE00]  }
0x156: {  	v33 =	vld [tilespmem:s0+$0xDE10];
	_ =	sdelay $0x1  }
0x157: {  	v34 =	vld [tilespmem:s0+$0xDE20];
	_ =	sdelay $0x1  }
0x158: {  	v35 =	vld [tilespmem:s0+$0xDE30]  }
0x159: {  	v7 =	vmul.f32 v32, v1;
	v8 =	vmul.f32 v33, v2;
	_ =	sdelay $0x1  }
0x15a: {  	v36 =	vmul.f32 v34, v3;
	v7 =	vadd.f32 v8, v7;
	_ =	sdelay $0x1  }
0x15b: {  	v37 =	vmul.f32 v35, v4;
	v7 =	vadd.f32 v36, v7;
	_ =	sdelay $0x1  }
0x15c: {  	v7 =	vadd.f32 v37, v7;
	_ =	sdelay $0x1  }
0x15d: {  	(xrf2) =	vadd.scan.msk.f32 $0xffff, v7;
	_ =	sdelay $0x9  }
0x15e: {  	v7, _, _ =	vpop (xrf2)  }
0x15f: {  	(v2sf) =	vpush v7, $0xF  }
0x160: {  	(v2sf) =	vpush v6, $0x7;
	_ =	sdelay $0xd  }
0x161: {  	s29 =	spop (v2sf)  }
0x162: {  	s30 =	spop (v2sf)  }
0x163: {  	s0 =	sand.u32 $0x7, s30  }
0x164: {  	s0 =	sor.u32 s0, s20  }
0x165: {  	s0 =	sshll.u32 s0, $0x7  }
0x166: {  	v38 =	vld [tilespmem:s0+$0xE200]  }
0x167: {  	v39 =	vld [tilespmem:s0+$0xE210];
	_ =	sdelay $0x1  }
0x168: {  	v40 =	vld [tilespmem:s0+$0xE220];
	_ =	sdelay $0x1  }
0x169: {  	v41 =	vld [tilespmem:s0+$0xE230]  }
0x16a: {  	v7 =	vmul.f32 v38, v1;
	v8 =	vmul.f32 v39, v2;
	_ =	sdelay $0x1  }
0x16b: {  	v42 =	vmul.f32 v40, v3;
	v7 =	vadd.f32 v8, v7;
	_ =	sdelay $0x1  }
0x16c: {  	v43 =	vmul.f32 v41, v4;
	v7 =	vadd.f32 v42, v7;
	_ =	sdelay $0x1  }
0x16d: {  	v7 =	vadd.f32 v43, v7;
	_ =	sdelay $0x1  }
0x16e: {  	(xrf2) =	vadd.scan.msk.f32 $0xffff, v7;
	_ =	sdelay $0x9  }
0x16f: {  	v7, _, _ =	vpop (xrf2)  }
0x170: {  	(v2sf) =	vpush v7, $0xF  }
0x171: {  	(v2sf) =	vpush v6, $0x8;
	_ =	sdelay $0xd  }
0x172: {  	s30 =	spop (v2sf)  }
0x173: {  	s31 =	spop (v2sf)  }
0x174: {  	s0 =	sand.u32 $0x7, s31  }
0x175: {  	s0 =	sor.u32 s0, s20  }
0x176: {  	s0 =	sshll.u32 s0, $0x7  }
0x177: {  	v44 =	vld [tilespmem:s0+$0xE600]  }
0x178: {  	v45 =	vld [tilespmem:s0+$0xE610];
	_ =	sdelay $0x1  }
0x179: {  	v46 =	vld [tilespmem:s0+$0xE620];
	_ =	sdelay $0x1  }
0x17a: {  	v47 =	vld [tilespmem:s0+$0xE630]  }
0x17b: {  	v7 =	vmul.f32 v44, v1;
	v8 =	vmul.f32 v45, v2;
	_ =	sdelay $0x1  }
0x17c: {  	v48 =	vmul.f32 v46, v3;
	v7 =	vadd.f32 v8, v7;
	_ =	sdelay $0x1  }
0x17d: {  	v49 =	vmul.f32 v47, v4;
	v7 =	vadd.f32 v48, v7;
	_ =	sdelay $0x1  }
0x17e: {  	v7 =	vadd.f32 v49, v7;
	_ =	sdelay $0x1  }
0x17f: {  	(xrf2) =	vadd.scan.msk.f32 $0xffff, v7;
	_ =	sdelay $0x9  }
0x180: {  	v7, _, _ =	vpop (xrf2)  }
0x181: {  	(v2sf) =	vpush v7, $0xF  }
0x182: {  	(v2sf) =	vpush v6, $0x9;
	_ =	sdelay $0xd  }
0x183: {  	s31 =	spop (v2sf)  }
0x184: {  	s1 =	spop (v2sf)  }
0x185: {  	s0 =	sand.u32 $0x7, s1  }
0x186: {  	s0 =	sor.u32 s0, s20  }
0x187: {  	s0 =	sshll.u32 s0, $0x7  }
0x188: {  	v50 =	vld [tilespmem:s0+$0xEA00]  }
0x189: {  	v51 =	vld [tilespmem:s0+$0xEA10];
	_ =	sdelay $0x1  }
0x18a: {  	v52 =	vld [tilespmem:s0+$0xEA20];
	_ =	sdelay $0x1  }
0x18b: {  	v53 =	vld [tilespmem:s0+$0xEA30]  }
0x18c: {  	v7 =	vmul.f32 v50, v1;
	v8 =	vmul.f32 v51, v2;
	_ =	sdelay $0x1  }
0x18d: {  	v54 =	vmul.f32 v52, v3;
	v7 =	vadd.f32 v8, v7;
	_ =	sdelay $0x1  }
0x18e: {  	v55 =	vmul.f32 v53, v4;
	v7 =	vadd.f32 v54, v7;
	_ =	sdelay $0x1  }
0x18f: {  	v7 =	vadd.f32 v55, v7;
	_ =	sdelay $0x1  }
0x190: {  	(xrf2) =	vadd.scan.msk.f32 $0xffff, v7;
	_ =	sdelay $0x9  }
0x191: {  	v7, _, _ =	vpop (xrf2)  }
0x192: {  	(v2sf) =	vpush v7, $0xF  }
0x193: {  	(v2sf) =	vpush v6, $0xA;
	_ =	sdelay $0xd  }
0x194: {  	s0 =	spop (v2sf)  }
0x195: {  	s4 =	spop (v2sf)  }
0x196: {  	s1 =	sand.u32 $0x7, s4  }
0x197: {  	s1 =	sor.u32 s1, s20  }
0x198: {  	s1 =	sshll.u32 s1, $0x7  }
0x199: {  	v56 =	vld [tilespmem:s1+$0xEE00]  }
0x19a: {  	v57 =	vld [tilespmem:s1+$0xEE10];
	_ =	sdelay $0x1  }
0x19b: {  	v58 =	vld [tilespmem:s1+$0xEE20];
	_ =	sdelay $0x1  }
0x19c: {  	v59 =	vld [tilespmem:s1+$0xEE30]  }
0x19d: {  	v7 =	vmul.f32 v56, v1;
	v8 =	vmul.f32 v57, v2;
	_ =	sdelay $0x1  }
0x19e: {  	v60 =	vmul.f32 v58, v3;
	v7 =	vadd.f32 v8, v7;
	_ =	sdelay $0x1  }
0x19f: {  	v61 =	vmul.f32 v59, v4;
	v7 =	vadd.f32 v60, v7;
	_ =	sdelay $0x1  }
0x1a0: {  	v7 =	vadd.f32 v61, v7;
	_ =	sdelay $0x1  }
0x1a1: {  	(xrf2) =	vadd.scan.msk.f32 $0xffff, v7;
	_ =	sdelay $0x9  }
0x1a2: {  	v7, _, _ =	vpop (xrf2)  }
0x1a3: {  	(v2sf) =	vpush v7, $0xF  }
0x1a4: {  	(v2sf) =	vpush v6, $0xB;
	_ =	sdelay $0xd  }
0x1a5: {  	s1 =	spop (v2sf)  }
0x1a6: {  	s4 =	spop (v2sf)  }
0x1a7: {  	s4 =	sand.u32 $0x7, s4  }
0x1a8: {  	s4 =	sor.u32 s4, s20  }
0x1a9: {  	s4 =	sshll.u32 s4, $0x7  }
0x1aa: {  	v62 =	vld [tilespmem:s4+$0xF200]  }
0x1ab: {  	v63 =	vld [tilespmem:s4+$0xF210];
	_ =	sdelay $0x1  }
0x1ac: {  	v12 =	vld [tilespmem:s4+$0xF220];
	_ =	sdelay $0x1  }
0x1ad: {  	v13 =	vld [tilespmem:s4+$0xF230]  }
0x1ae: {  	v7 =	vmul.f32 v62, v1;
	v8 =	vmul.f32 v63, v2;
	_ =	sdelay $0x1  }
0x1af: {  	v14 =	vmul.f32 v12, v3;
	v7 =	vadd.f32 v8, v7;
	_ =	sdelay $0x1  }
0x1b0: {  	v15 =	vmul.f32 v13, v4;
	v7 =	vadd.f32 v14, v7;
	_ =	sdelay $0x1  }
0x1b1: {  	v7 =	vadd.f32 v15, v7;
	_ =	sdelay $0x1  }
0x1b2: {  	(xrf2) =	vadd.scan.msk.f32 $0xffff, v7;
	_ =	sdelay $0x9  }
0x1b3: {  	v7, _, _ =	vpop (xrf2)  }
0x1b4: {  	(v2sf) =	vpush v7, $0xF  }
0x1b5: {  	(v2sf) =	vpush v6, $0xC;
	_ =	sdelay $0xd  }
0x1b6: {  	s10 =	spop (v2sf)  }
0x1b7: {  	s5 =	spop (v2sf)  }
0x1b8: {  	s4 =	sand.u32 $0x7, s5  }
0x1b9: {  	s4 =	sor.u32 s4, s20  }
0x1ba: {  	s4 =	sshll.u32 s4, $0x7  }
0x1bb: {  	v16 =	vld [tilespmem:s4+$0xF600]  }
0x1bc: {  	v17 =	vld [tilespmem:s4+$0xF610];
	_ =	sdelay $0x1  }
0x1bd: {  	v18 =	vld [tilespmem:s4+$0xF620];
	_ =	sdelay $0x1  }
0x1be: {  	v19 =	vld [tilespmem:s4+$0xF630]  }
0x1bf: {  	v7 =	vmul.f32 v16, v1;
	v8 =	vmul.f32 v17, v2;
	_ =	sdelay $0x1  }
0x1c0: {  	v20 =	vmul.f32 v18, v3;
	v7 =	vadd.f32 v8, v7;
	_ =	sdelay $0x1  }
0x1c1: {  	v21 =	vmul.f32 v19, v4;
	v7 =	vadd.f32 v20, v7;
	_ =	sdelay $0x1  }
0x1c2: {  	v7 =	vadd.f32 v21, v7;
	_ =	sdelay $0x1  }
0x1c3: {  	(xrf2) =	vadd.scan.msk.f32 $0xffff, v7;
	_ =	sdelay $0x9  }
0x1c4: {  	v7, _, _ =	vpop (xrf2)  }
0x1c5: {  	(v2sf) =	vpush v7, $0xF  }
0x1c6: {  	(v2sf) =	vpush v6, $0xD;
	_ =	sdelay $0xd  }
0x1c7: {  	s11 =	spop (v2sf)  }
0x1c8: {  	s6 =	spop (v2sf)  }
0x1c9: {  	s4 =	sand.u32 $0x7, s6  }
0x1ca: {  	s4 =	sor.u32 s4, s20  }
0x1cb: {  	s4 =	sshll.u32 s4, $0x7  }
0x1cc: {  	v22 =	vld [tilespmem:s4+$0xFA00]  }
0x1cd: {  	v23 =	vld [tilespmem:s4+$0xFA10];
	_ =	sdelay $0x1  }
0x1ce: {  	v24 =	vld [tilespmem:s4+$0xFA20];
	_ =	sdelay $0x1  }
0x1cf: {  	v25 =	vld [tilespmem:s4+$0xFA30]  }
0x1d0: {  	v7 =	vmul.f32 v22, v1;
	v8 =	vmul.f32 v23, v2;
	_ =	sdelay $0x1  }
0x1d1: {  	v26 =	vmul.f32 v24, v3;
	v7 =	vadd.f32 v8, v7;
	_ =	sdelay $0x1  }
0x1d2: {  	v27 =	vmul.f32 v25, v4;
	v7 =	vadd.f32 v26, v7;
	_ =	sdelay $0x1  }
0x1d3: {  	v7 =	vadd.f32 v27, v7;
	_ =	sdelay $0x1  }
0x1d4: {  	(xrf2) =	vadd.scan.msk.f32 $0xffff, v7;
	_ =	sdelay $0x9  }
0x1d5: {  	v7, _, _ =	vpop (xrf2)  }
0x1d6: {  	(v2sf) =	vpush v7, $0xF  }
0x1d7: {  	(v2sf) =	vpush v6, $0xE;
	_ =	sdelay $0xd  }
0x1d8: {  	s13 =	spop (v2sf)  }
0x1d9: {  	s7 =	spop (v2sf)  }
0x1da: {  	s4 =	sand.u32 $0x7, s7  }
0x1db: {  	s4 =	sor.u32 s4, s20  }
0x1dc: {  	s4 =	sshll.u32 s4, $0x7  }
0x1dd: {  	v28 =	vld [tilespmem:s4+$0xFE00]  }
0x1de: {  	v29 =	vld [tilespmem:s4+$0xFE10];
	_ =	sdelay $0x1  }
0x1df: {  	v30 =	vld [tilespmem:s4+$0xFE20];
	_ =	sdelay $0x1  }
0x1e0: {  	v31 =	vld [tilespmem:s4+$0xFE30]  }
0x1e1: {  	v7 =	vmul.f32 v28, v1;
	v8 =	vmul.f32 v29, v2;
	_ =	sdelay $0x1  }
0x1e2: {  	v32 =	vmul.f32 v30, v3;
	v7 =	vadd.f32 v8, v7;
	_ =	sdelay $0x1  }
0x1e3: {  	v33 =	vmul.f32 v31, v4;
	v7 =	vadd.f32 v32, v7;
	_ =	sdelay $0x1  }
0x1e4: {  	v7 =	vadd.f32 v33, v7;
	_ =	sdelay $0x1  }
0x1e5: {  	(xrf2) =	vadd.scan.msk.f32 $0xffff, v7;
	_ =	sdelay $0x9  }
0x1e6: {  	v7, _, _ =	vpop (xrf2)  }
0x1e7: {  	(v2sf) =	vpush v7, $0xF  }
0x1e8: {  	(v2sf) =	vpush v6, $0xF;
	_ =	sdelay $0xd  }
0x1e9: {  	s4 =	spop (v2sf)  }
0x1ea: {  	s5 =	spop (v2sf)  }
0x1eb: {  	s5 =	sand.u32 $0x7, s5  }
0x1ec: {  	s5 =	sor.u32 s5, s20  }
0x1ed: {  	s5 =	sshll.u32 s5, $0x7  }
0x1ee: {  	s5 =	sadd.s32 $0x4000, s5  }
0x1ef: {  	v34 =	vld [tilespmem:s5+$0xC200]  }
0x1f0: {  	v35 =	vld [tilespmem:s5+$0xC210];
	_ =	sdelay $0x1  }
0x1f1: {  	v36 =	vld [tilespmem:s5+$0xC220];
	_ =	sdelay $0x1  }
0x1f2: {  	v37 =	vld [tilespmem:s5+$0xC230]  }
0x1f3: {  	v6 =	vmul.f32 v34, v1;
	v7 =	vmul.f32 v35, v2;
	_ =	sdelay $0x1  }
0x1f4: {  	v38 =	vmul.f32 v36, v3;
	v6 =	vadd.f32 v7, v6;
	_ =	sdelay $0x1  }
0x1f5: {  	v39 =	vmul.f32 v37, v4;
	v6 =	vadd.f32 v38, v6;
	_ =	sdelay $0x1  }
0x1f6: {  	v6 =	vadd.f32 v39, v6;
	_ =	sdelay $0x1  }
0x1f7: {  	(xrf2) =	vadd.scan.msk.f32 $0xffff, v6;
	_ =	sdelay $0x6  }
0x1f8: {  	v40 =	vld [tilespmem:s23+$0x210];
	_ =	sdelay $0x2  }
0x1f9: {  	v41, _, _ =	vpop (xrf2)  }
0x1fa: {  	(v2sf) =	vpush v41, $0xF  }
0x1fb: {  	(v2sf) =	vpush v40, $0x0;
	_ =	sdelay $0xd  }
0x1fc: {  	s23 =	spop (v2sf)  }
0x1fd: {  	s8 =	spop (v2sf)  }
0x1fe: {  	s5 =	sand.u32 $0x7, s8  }
0x1ff: {  	s5 =	sor.u32 s5, s20  }
0x200: {  	s5 =	sshll.u32 s5, $0x7  }
0x201: {  	s5 =	sadd.s32 $0x4400, s5  }
0x202: {  	v42 =	vld [tilespmem:s5+$0xC200]  }
0x203: {  	v43 =	vld [tilespmem:s5+$0xC210];
	_ =	sdelay $0x1  }
0x204: {  	v44 =	vld [tilespmem:s5+$0xC220];
	_ =	sdelay $0x1  }
0x205: {  	v45 =	vld [tilespmem:s5+$0xC230]  }
0x206: {  	v7 =	vmul.f32 v42, v1;
	v8 =	vmul.f32 v43, v2;
	_ =	sdelay $0x1  }
0x207: {  	v46 =	vmul.f32 v44, v3;
	v7 =	vadd.f32 v8, v7;
	_ =	sdelay $0x1  }
0x208: {  	v47 =	vmul.f32 v45, v4;
	v7 =	vadd.f32 v46, v7;
	_ =	sdelay $0x1  }
0x209: {  	v7 =	vadd.f32 v47, v7;
	_ =	sdelay $0x1  }
0x20a: {  	(xrf2) =	vadd.scan.msk.f32 $0xffff, v7;
	_ =	sdelay $0x9  }
0x20b: {  	v7, _, _ =	vpop (xrf2)  }
0x20c: {  	(v2sf) =	vpush v7, $0xF  }
0x20d: {  	(v2sf) =	vpush v40, $0x1;
	_ =	sdelay $0xd  }
0x20e: {  	s5 =	spop (v2sf)  }
0x20f: {  	s6 =	spop (v2sf)  }
0x210: {  	s6 =	sand.u32 $0x7, s6  }
0x211: {  	s6 =	sor.u32 s6, s20  }
0x212: {  	s6 =	sshll.u32 s6, $0x7  }
0x213: {  	s6 =	sadd.s32 $0x4800, s6  }
0x214: {  	v48 =	vld [tilespmem:s6+$0xC200]  }
0x215: {  	v49 =	vld [tilespmem:s6+$0xC210];
	_ =	sdelay $0x1  }
0x216: {  	v50 =	vld [tilespmem:s6+$0xC220];
	_ =	sdelay $0x1  }
0x217: {  	v51 =	vld [tilespmem:s6+$0xC230]  }
0x218: {  	v7 =	vmul.f32 v48, v1;
	v8 =	vmul.f32 v49, v2;
	_ =	sdelay $0x1  }
0x219: {  	v52 =	vmul.f32 v50, v3;
	v7 =	vadd.f32 v8, v7;
	_ =	sdelay $0x1  }
0x21a: {  	v53 =	vmul.f32 v51, v4;
	v7 =	vadd.f32 v52, v7;
	_ =	sdelay $0x1  }
0x21b: {  	v7 =	vadd.f32 v53, v7;
	_ =	sdelay $0x1  }
0x21c: {  	(xrf2) =	vadd.scan.msk.f32 $0xffff, v7;
	_ =	sdelay $0x9  }
0x21d: {  	v7, _, _ =	vpop (xrf2)  }
0x21e: {  	(v2sf) =	vpush v7, $0xF  }
0x21f: {  	(v2sf) =	vpush v40, $0x2;
	_ =	sdelay $0xd  }
0x220: {  	s6 =	spop (v2sf)  }
0x221: {  	s7 =	spop (v2sf)  }
0x222: {  	s7 =	sand.u32 $0x7, s7  }
0x223: {  	s7 =	sor.u32 s7, s20  }
0x224: {  	s7 =	sshll.u32 s7, $0x7  }
0x225: {  	s7 =	sadd.s32 $0x4C00, s7  }
0x226: {  	v54 =	vld [tilespmem:s7+$0xC200]  }
0x227: {  	v55 =	vld [tilespmem:s7+$0xC210];
	_ =	sdelay $0x1  }
0x228: {  	v56 =	vld [tilespmem:s7+$0xC220];
	_ =	sdelay $0x1  }
0x229: {  	v57 =	vld [tilespmem:s7+$0xC230]  }
0x22a: {  	v7 =	vmul.f32 v54, v1;
	v8 =	vmul.f32 v55, v2;
	_ =	sdelay $0x1  }
0x22b: {  	v58 =	vmul.f32 v56, v3;
	v7 =	vadd.f32 v8, v7;
	_ =	sdelay $0x1  }
0x22c: {  	v59 =	vmul.f32 v57, v4;
	v7 =	vadd.f32 v58, v7;
	_ =	sdelay $0x1  }
0x22d: {  	v7 =	vadd.f32 v59, v7;
	_ =	sdelay $0x1  }
0x22e: {  	(xrf2) =	vadd.scan.msk.f32 $0xffff, v7;
	_ =	sdelay $0x9  }
0x22f: {  	v7, _, _ =	vpop (xrf2)  }
0x230: {  	(v2sf) =	vpush v7, $0xF  }
0x231: {  	(v2sf) =	vpush v40, $0x3;
	_ =	sdelay $0xd  }
0x232: {  	s7 =	spop (v2sf)  }
0x233: {  	s8 =	spop (v2sf)  }
0x234: {  	s8 =	sand.u32 $0x7, s8  }
0x235: {  	s8 =	sor.u32 s8, s20  }
0x236: {  	s8 =	sshll.u32 s8, $0x7  }
0x237: {  	s8 =	sadd.s32 $0x5000, s8  }
0x238: {  	v60 =	vld [tilespmem:s8+$0xC200]  }
0x239: {  	v61 =	vld [tilespmem:s8+$0xC210];
	_ =	sdelay $0x1  }
0x23a: {  	v62 =	vld [tilespmem:s8+$0xC220];
	_ =	sdelay $0x1  }
0x23b: {  	v63 =	vld [tilespmem:s8+$0xC230]  }
0x23c: {  	v1 =	vmul.f32 v60, v1;
	v2 =	vmul.f32 v61, v2;
	_ =	sdelay $0x1  }
0x23d: {  	v1 =	vadd.f32 v2, v1;
	v2 =	vmul.f32 v62, v3;
	_ =	sdelay $0x1  }
0x23e: {  	v1 =	vadd.f32 v2, v1;
	v2 =	vmul.f32 v63, v4;
	_ =	sdelay $0x1  }
0x23f: {  	v1 =	vadd.f32 v2, v1;
	_ =	sdelay $0x1  }
0x240: {  	(xrf2) =	vadd.scan.msk.f32 $0xffff, v1;
	_ =	sdelay $0x6  }
0x241: {  	s21 =	ssub.f32 $0.0e+00, s21  }
0x242: {  	s22 =	ssub.f32 $0.0e+00, s22  }
0x243: {  	s24 =	ssub.f32 $0.0e+00, s24  }
0x244: {  	s25 =	ssub.f32 $0.0e+00, s25;
	v1, _, _ =	vpop (xrf2)  }
0x245: {  	s26 =	ssub.f32 $0.0e+00, s26;
	(v2sf) =	vpush v1, $0xF  }
0x246: {  	s28 =	ssub.f32 $0.0e+00, s28;
	v1 =	vbroadcast v5, $0xF  }
0x247: {  	vm5 =	veq.s32 v0, $0x1;
	s29 =	ssub.f32 $0.0e+00, s29  }
0x248: {  	s30 =	ssub.f32 $0.0e+00, s30;
	v1 =	vsel vm5, s21, v1;
	vm5 =	veq.s32 v0, $0x2  }
0x249: {  	s31 =	ssub.f32 $0.0e+00, s31;
	v1 =	vsel vm5, s22, v1;
	vm5 =	veq.s32 v0, $0x3  }
0x24a: {  	s0 =	ssub.f32 $0.0e+00, s0;
	v1 =	vsel vm5, s24, v1;
	vm5 =	veq.s32 v0, $0x4  }
0x24b: {  	s1 =	ssub.f32 $0.0e+00, s1;
	v1 =	vsel vm5, s25, v1;
	vm5 =	veq.s32 v0, $0x5  }
0x24c: {  	s10 =	ssub.f32 $0.0e+00, s10;
	v1 =	vsel vm5, s26, v1;
	vm5 =	veq.s32 v0, $0x6  }
0x24d: {  	s11 =	ssub.f32 $0.0e+00, s11;
	v1 =	vsel vm5, s28, v1;
	vm5 =	veq.s32 v0, $0x7  }
0x24e: {  	s22 =	ssub.f32 $0.0e+00, s13;
	v1 =	vsel vm5, s29, v1;
	vm5 =	veq.s32 v0, $0x8  }
0x24f: {  	s24 =	ssub.f32 $0.0e+00, s23;
	v1 =	vsel vm5, s30, v1;
	vm5 =	veq.s32 v0, $0x9  }
0x250: {  	s25 =	ssub.f32 $0.0e+00, s4;
	v1 =	vsel vm5, s31, v1;
	vm5 =	veq.s32 v0, $0xA  }
0x251: {  	s26 =	ssub.f32 $0.0e+00, s5;
	v1 =	vsel vm5, s0, v1;
	vm5 =	veq.s32 v0, $0xB  }
0x252: {  	v2 =	vmov s24;
	s28 =	ssub.f32 $0.0e+00, s6;
	v1 =	vsel vm5, s1, v1;
	vm5 =	veq.s32 v0, $0xC  }
0x253: {  	v2 =	vnsel vm0, $0x0, v2;
	s29 =	ssub.f32 $0.0e+00, s7;
	v1 =	vsel vm5, s10, v1;
	vm5 =	veq.s32 v0, $0xD  }
.Ltmp6:
0x254: {  	v2 =	vsel vm1, s26, v2;
	v1 =	vsel vm5, s11, v1;
	vm5 =	veq.s32 v0, $0xE;
	s30 =	spop (v2sf);
	(pc) =	sbr.rel .LBB2_6-.Ltmp6, $4  }
0x255: {  	v2 =	vsel vm2, s28, v2;
	v1 =	vsel vm5, s22, v1;
	vm5 =	veq.s32 v0, $0xF;
	s31 =	ssub.f32 $0.0e+00, s30  }
0x256: {  	v2 =	vsel vm3, s29, v2;
	v1 =	vsel vm5, s25, v1  }
0x257: {  	[tilespmem:s18+$0x0] =	vst v1;
	v2 =	vsel vm4, s31, v2  }
0x258: {  	[tilespmem:s18+$0x10] =	vst v2  }
.LBB2_8:
0x259: {  	_ =	sfence.sel $0x180000  }
0x25a: {  	[bflag:$0x0] =	sbarrier.arrive $0xFFFF  }
0x25b: {  	_ =	strace $0x9000004A  }
0x25c: {  	s0 =	stileid.u32;
	[bflag:$0x2] =	sbarrier.arrive $0xFFFF  }
0x25d: {  	p0 =	sne.s32 s0, $0x0;
	s0 =	rddreg [dreg:$0x2]  }
0x25e: {  	s0 =	sadd.s32 @!p0 $0x100000, s0  }
0x25f: {  	[sflag:s0] =	ssyncadd.tile.s32 @!p0 $0x1;
	_ =	shalt  }
.Lfunc_end2:
_tile_overlayer_lowered:
.L_overlay_start_2:
0x260: {  	(tag) =	ssettag $0x2  }
0x261: {  	s0 =	rddreg [dreg:$0x0];
	s2 =	stileid.u32  }
0x262: {  	s1 =	rddreg [dreg:$0x1];
	p0 =	sne.s32 s2, $0x0  }
0x263: {  	s3 =	rddreg [dreg:$0x2];
	[bflag:$0x3] =	sbarrier.arrive $0xFFFF;
	s2 =	simm.s32 @!p0 $0x1C02  }
0x264: {  	[timem:s3], [sflag:s2] =	dma.local @!p0 [hbm:s0], s1  }
0x265: {  	s0 =	simm.s32 @!p0 $0x2  }
0x266: {  	_ =	swait.ge @!p0 [sflag:s0], s1  }
0x267: {  	s1 =	ssub.s32 @!p0 $0x0, s1;
	[sflag:s0] =	ssyncset.done @!p0 $0x0  }
0x268: {  	[sflag:s0] =	ssyncadd.s32 @!p0 s1  }
0x269: {  	[bflag:$0x3] =	sbarrier.arrive $0xFFFF  }
0x26a: {  	_ =	shalt  }

</sc_bundles>
